<compile_context>
chip_gen: v7x
topology: tpu7x:2x2x1
jax: 0.10.2.dev20260603
libtpu: 0.0.44.dev20260713+nightly
codegen_flags: <defaults>
</compile_context>

<pallas_src>
import functools
import jax
import jax.numpy as jnp
from jax import lax
from jax.experimental import pallas as pl
from jax.experimental.pallas import tpu as pltpu
from jax.experimental.pallas import tpu_sc as plsc

D = 128
CHUNK = 128
NC = 2
NS = 16
NW = NC * NS


def _sc_mesh():
    return plsc.VectorSubcoreMesh(core_axis_name="c", subcore_axis_name="s")


def _make_deg_kernel(n_pad, e_per_w):
    rows_per_tec = n_pad // NS
    n_chunks = e_per_w // CHUNK

    NBUF = 2

    @functools.partial(
        pl.kernel,
        mesh=_sc_mesh(),
        out_type=jax.ShapeDtypeStruct((NC, n_pad, D), jnp.float32),
        scratch_types=[pltpu.VMEM((CHUNK,), jnp.int32)] * (2 * NBUF) + [
            pltpu.VMEM((CHUNK, D), jnp.float32),
            pltpu.VMEM((CHUNK, D), jnp.float32),
            pltpu.VMEM_SHARED((n_pad, D), jnp.float32),
        ] + [pltpu.SemaphoreType.DMA] * (2 * NBUF),
    )
    def deg_kernel(src_hbm, dst_hbm, usrc_hbm, udst_hbm, zeros_hbm,
                   deg_out, *rest):
        sidx = rest[:NBUF]
        didx = rest[NBUF:2 * NBUF]
        usrc_v, udst_v, deg_sh = rest[2 * NBUF:2 * NBUF + 3]
        sems = rest[2 * NBUF + 3:]
        isems = sems[:NBUF]
        dsems = sems[NBUF:]
        c = lax.axis_index("c")
        s = lax.axis_index("s")
        w = c * NS + s
        my_rows = pl.ds(s * rows_per_tec, rows_per_tec)
        pltpu.sync_copy(zeros_hbm, deg_sh.at[my_rows])
        pltpu.sync_copy(usrc_hbm, usrc_v)
        pltpu.sync_copy(udst_hbm, udst_v)

        def start_idx(b, chunk):
            base = pl.multiple_of((w * n_chunks + chunk) * CHUNK, CHUNK)
            pltpu.async_copy(src_hbm.at[pl.ds(base, CHUNK)], sidx[b],
                             isems[b])
            pltpu.async_copy(dst_hbm.at[pl.ds(base, CHUNK)], didx[b],
                             dsems[b])

        def wait_idx(b):
            pltpu.make_async_copy(src_hbm.at[pl.ds(0, CHUNK)], sidx[b],
                                  isems[b]).wait()
            pltpu.make_async_copy(dst_hbm.at[pl.ds(0, CHUNK)], didx[b],
                                  dsems[b]).wait()

        for b in range(NBUF):
            if b < n_chunks:
                start_idx(b, b)
        plsc.subcore_barrier()

        def body(j, carry):
            for b in range(NBUF):
                cur = j * NBUF + b

                @pl.when(cur < n_chunks)
                def _():
                    wait_idx(b)
                    pltpu.sync_copy(usrc_v, deg_sh.at[sidx[b]], add=True)
                    pltpu.sync_copy(udst_v, deg_sh.at[didx[b]], add=True)
                    nxt = cur + NBUF

                    @pl.when(nxt < n_chunks)
                    def _():
                        start_idx(b, nxt)
            return carry

        lax.fori_loop(0, (n_chunks + NBUF - 1) // NBUF, body, 0)
        plsc.subcore_barrier()
        pltpu.sync_copy(deg_sh.at[my_rows], deg_out.at[c, my_rows])

    return deg_kernel


def _make_edge_kernel(n_pad, nch0, nch1):
    rows_per_tec = n_pad // NS
    NBUF = 2
    assert nch0 % NBUF == 0 and nch1 % NBUF == 0

    @functools.partial(
        pl.kernel,
        mesh=_sc_mesh(),
        out_type=jax.ShapeDtypeStruct((NC, n_pad, D), jnp.float32),
        scratch_types=[pltpu.VMEM((CHUNK,), jnp.int32)] * (2 * NBUF)
          + [pltpu.VMEM((CHUNK, D), jnp.float32)] * NBUF + [
            pltpu.VMEM_SHARED((n_pad, D), jnp.float32),
        ] + [pltpu.SemaphoreType.DMA] * (3 * NBUF),
    )
    def edge_kernel(h_hbm, src_hbm, dst_hbm, zeros_hbm, agg_out, *rest):
        sidx = rest[:NBUF]
        didx = rest[NBUF:2 * NBUF]
        bufs = rest[2 * NBUF:3 * NBUF]
        agg_sh = rest[3 * NBUF]
        sems = rest[3 * NBUF + 1:]
        gsems = sems[:NBUF]
        isems = sems[NBUF:2 * NBUF]
        dsems = sems[2 * NBUF:]
        c = lax.axis_index("c")
        s = lax.axis_index("s")
        my_rows = pl.ds(s * rows_per_tec, rows_per_tec)
        nch = lax.select(c == 0, nch0, nch1)
        cb = lax.select(c == 0, s * nch0, NS * nch0 + s * nch1)
        pltpu.sync_copy(zeros_hbm, agg_sh.at[my_rows])

        def start_idx(b, chunk):
            base = pl.multiple_of((cb + chunk) * CHUNK, CHUNK)
            pltpu.async_copy(src_hbm.at[pl.ds(base, CHUNK)], sidx[b],
                             isems[b])
            pltpu.async_copy(dst_hbm.at[pl.ds(base, CHUNK)], didx[b],
                             dsems[b])

        def wait_sidx(b):
            pltpu.make_async_copy(src_hbm.at[pl.ds(0, CHUNK)], sidx[b],
                                  isems[b]).wait()

        def wait_didx(b):
            pltpu.make_async_copy(dst_hbm.at[pl.ds(0, CHUNK)], didx[b],
                                  dsems[b]).wait()

        def start_gather(b):
            pltpu.async_copy(h_hbm.at[sidx[b]], bufs[b], gsems[b])

        def wait_gather(b):
            pltpu.make_async_copy(h_hbm.at[sidx[b]], bufs[b],
                                  gsems[b]).wait()

        for b in range(NBUF):
            @pl.when(b < nch)
            def _():
                start_idx(b, b)
                wait_sidx(b)
                start_gather(b)
        plsc.subcore_barrier()

        def body(j, carry):
            for b in range(NBUF):
                cur = j * NBUF + b

                @pl.when(cur < nch)
                def _():
                    wait_gather(b)
                    wait_didx(b)
                    pltpu.sync_copy(bufs[b], agg_sh.at[didx[b]], add=True)
                    nxt = cur + NBUF

                    @pl.when(nxt < nch)
                    def _():
                        start_idx(b, nxt)
                        wait_sidx(b)
                        start_gather(b)
            return carry

        max_nch = max(nch0, nch1)
        lax.fori_loop(0, max_nch // NBUF, body, 0)
        plsc.subcore_barrier()
        pltpu.sync_copy(agg_sh.at[my_rows], agg_out.at[c, my_rows])

    return edge_kernel


def _norm_col(deg_ref):
    deg = deg_ref[0, :, 0:1] + deg_ref[1, :, 0:1]
    return lax.rsqrt(jnp.maximum(deg, 1.0))


def _mm_scale_body(x_ref, w_ref, dout_ref, o_ref):
    ns = _norm_col(dout_ref)
    o_ref[...] = jnp.dot(x_ref[...], w_ref[...],
                         preferred_element_type=jnp.float32) * ns


def _boundary_body(agg_ref, din_ref, dout_ref, b_ref, w_ref, o_ref):
    agg = agg_ref[0] + agg_ref[1]
    nd = _norm_col(din_ref)
    t = jnp.maximum(agg * nd + b_ref[...], 0.0)
    ns = _norm_col(dout_ref)
    o_ref[...] = jnp.dot(t, w_ref[...],
                         preferred_element_type=jnp.float32) * ns


def _final_body(agg_ref, din_ref, b_ref, o_ref):
    agg = agg_ref[0] + agg_ref[1]
    nd = _norm_col(din_ref)
    o_ref[...] = agg * nd + b_ref[...]


def _tc_grid_call(body, n_pad, r, ins, in_specs):
    grid = n_pad // r
    return pl.pallas_call(
        body,
        grid=(grid,),
        in_specs=in_specs,
        out_specs=pl.BlockSpec((r, D), lambda i: (i, 0)),
        out_shape=jax.ShapeDtypeStruct((n_pad, D), jnp.float32),
    )(*ins)


def _spec_rows(r):
    return pl.BlockSpec((r, D), lambda i: (i, 0))


def _spec_deg(r):
    return pl.BlockSpec((NC, r, 16), lambda i: (0, i, 0))


def _spec_agg(r):
    return pl.BlockSpec((NC, r, D), lambda i: (0, i, 0))


def _spec_full(shape):
    nd = len(shape)
    return pl.BlockSpec(shape, lambda i: (0,) * nd)


def kernel(x, edge_index, W1, b1, W2, b2, W3, b3):
    n = x.shape[0]
    e = edge_index.shape[1]

    r = 1024
    n_pad = ((n + 1 + r - 1) // r) * r
    t_chunks = -(-e // (NS * CHUNK))
    if t_chunks % 2:
        t_chunks += 1
    nch0 = max(2, 2 * int(round(t_chunks * 0.9 / 2)))
    nch1 = t_chunks - nch0
    e_pad = NS * t_chunks * CHUNK
    e_per_w = e_pad // NW

    pad_idx = jnp.full((e_pad - e,), n, dtype=jnp.int32)
    src = jnp.concatenate([edge_index[0], pad_idx])
    dst = jnp.concatenate([edge_index[1], pad_idx])
    xp = jnp.pad(x, ((0, n_pad - n), (0, 0)))

    rows_per_tec = n_pad // NS
    zeros_rows = jnp.zeros((rows_per_tec, D), jnp.float32)
    half = D // 2
    col = jnp.arange(D)
    u_src = jnp.broadcast_to((col < half).astype(jnp.float32), (CHUNK, D))
    u_dst = jnp.broadcast_to((col >= half).astype(jnp.float32), (CHUNK, D))

    deg_kernel = _make_deg_kernel(n_pad, e_per_w)
    edge_kernel = _make_edge_kernel(n_pad, nch0, nch1)
    deg_tbl = deg_kernel(src, dst, u_src, u_dst, zeros_rows)
    dsrc = lax.slice(deg_tbl, (0, 0, 0), (NC, n_pad, 16))
    ddst = lax.slice(deg_tbl, (0, 0, half), (NC, n_pad, half + 16))

    b1r = b1.reshape(1, D)
    b2r = b2.reshape(1, D)
    b3r = b3.reshape(1, D)

    h1 = _tc_grid_call(
        _mm_scale_body, n_pad, r,
        [xp, W1, dsrc],
        [_spec_rows(r), _spec_full((D, D)), _spec_deg(r)],
    )
    a1 = edge_kernel(h1, src, dst, zeros_rows)

    h2 = _tc_grid_call(
        _boundary_body, n_pad, r,
        [a1, ddst, dsrc, b1r, W2],
        [_spec_agg(r), _spec_deg(r), _spec_deg(r), _spec_full((1, D)),
         _spec_full((D, D))],
    )
    a2 = edge_kernel(h2, src, dst, zeros_rows)

    h3 = _tc_grid_call(
        _boundary_body, n_pad, r,
        [a2, ddst, dsrc, b2r, W3],
        [_spec_agg(r), _spec_deg(r), _spec_deg(r), _spec_full((1, D)),
         _spec_full((D, D))],
    )
    a3 = edge_kernel(h3, src, dst, zeros_rows)

    out = _tc_grid_call(
        _final_body, n_pad, r,
        [a3, ddst, b3r],
        [_spec_agg(r), _spec_deg(r), _spec_full((1, D))],
    )
    return out[:n]

# --- scband reference (transcript-rebuilt; emitter-appended) ---
"""Pipeline reference for scband-gnn-76553497084440 (READ-ONLY COPY).

The authoritative reference and input builder live on the scoring server;
editing this copy changes nothing except your own understanding.
"""

import jax, jax.numpy as jnp
import numpy as np

N_NODES = 10000
N_EDGES = 320000
D = 128


def graph_conv(x, edge_index, W, b):
    # DGL GraphConv with norm='both': h' = D_dst^{-1/2} A D_src^{-1/2} (X W) + b
    src = edge_index[0]
    dst = edge_index[1]
    ones = jnp.ones((edge_index.shape[1],), dtype=x.dtype)
    deg_out = jax.ops.segment_sum(ones, src, num_segments=N_NODES)
    deg_in = jax.ops.segment_sum(ones, dst, num_segments=N_NODES)
    norm_src = jnp.power(jnp.maximum(deg_out, 1.0), -0.5)
    norm_dst = jnp.power(jnp.maximum(deg_in, 1.0), -0.5)
    h = x @ W
    h = h * norm_src[:, None]
    msg = jnp.take(h, src, axis=0)
    agg = jax.ops.segment_sum(msg, dst, num_segments=N_NODES)
    agg = agg * norm_dst[:, None]
    return agg + b


def setup_inputs(seed: int = 0) -> dict:
    key = jax.random.key(seed)
    k = jax.random.split(key, 8)
    x = jax.random.normal(k[0], (N_NODES, D), dtype=jnp.float32)
    edge_index = jax.random.randint(k[1], (2, N_EDGES), 0, N_NODES, dtype=jnp.int32)
    scale = 1.0 / np.sqrt(D)
    W1 = jax.random.normal(k[2], (D, D), dtype=jnp.float32) * scale
    b1 = jnp.zeros((D,), dtype=jnp.float32)
    W2 = jax.random.normal(k[3], (D, D), dtype=jnp.float32) * scale
    b2 = jnp.zeros((D,), dtype=jnp.float32)
    W3 = jax.random.normal(k[4], (D, D), dtype=jnp.float32) * scale
    b3 = jnp.zeros((D,), dtype=jnp.float32)
    return {"x": x, "edge_index": edge_index, "W1": W1, "b1": b1, "W2": W2, "b2": b2, "W3": W3, "b3": b3}


def reference(x, edge_index, W1, b1, W2, b2, W3, b3):
    h = graph_conv(x, edge_index, W1, b1)
    h = jax.nn.relu(h)
    h = graph_conv(h, edge_index, W2, b2)
    h = jax.nn.relu(h)
    h = graph_conv(h, edge_index, W3, b3)
    return h

if __name__ == "__main__":
    import jax
    _d = setup_inputs()
    print(jax.jit(kernel)(*tuple(_d.values())))

</pallas_src>

<mosaic_0001>
#map = affine_map<(d0, d1) -> (0, 0)>
#map1 = affine_map<(d0, d1) -> (0)>
#map2 = affine_map<(d0, d1) -> (0, 0, 0)>
module attributes {stable_mosaic.version = 14 : i64} {
  func.func @edge_kernel(%arg0: i32, %arg1: i32, %arg2: memref<10240x128xf32, #tpu.memory_space<hbm>>, %arg3: memref<323584xi32, #tpu.memory_space<hbm>>, %arg4: memref<323584xi32, #tpu.memory_space<hbm>>, %arg5: memref<640x128xf32, #tpu.memory_space<hbm>>, %arg6: memref<2x10240x128xf32, #tpu.memory_space<hbm>>, %arg7: memref<128xi32, #tpu.memory_space<vmem>>, %arg8: memref<128xi32, #tpu.memory_space<vmem>>, %arg9: memref<128xi32, #tpu.memory_space<vmem>>, %arg10: memref<128xi32, #tpu.memory_space<vmem>>, %arg11: memref<128x128xf32, #tpu.memory_space<vmem>>, %arg12: memref<128x128xf32, #tpu.memory_space<vmem>>, %arg13: memref<10240x128xf32, #tpu.memory_space<vmem_shared>>, %arg14: memref<!tpu.dma_semaphore, #tpu.memory_space<semaphore_mem>>, %arg15: memref<!tpu.dma_semaphore, #tpu.memory_space<semaphore_mem>>, %arg16: memref<!tpu.dma_semaphore, #tpu.memory_space<semaphore_mem>>, %arg17: memref<!tpu.dma_semaphore, #tpu.memory_space<semaphore_mem>>, %arg18: memref<!tpu.dma_semaphore, #tpu.memory_space<semaphore_mem>>, %arg19: memref<!tpu.dma_semaphore, #tpu.memory_space<semaphore_mem>>) attributes {dimension_semantics = [#tpu.dimension_semantics<core_parallel>, #tpu.dimension_semantics<subcore_parallel>], iteration_bounds = array<i64: 2, 16>, scalar_prefetch = 0 : i64, scratch_operands = 13 : i64, tpu.core_type = #tpu.core_type<sc_vector_subcore>, window_params = [{transform_indices = #map}, {transform_indices = #map1}, {transform_indices = #map1}, {transform_indices = #map}, {transform_indices = #map2}]} {
    %mul3A = arith.constant 640 : i32
    %mul3A_0 = arith.muli %arg1, %mul3A : i32
    %eq3A = arith.constant 0 : i32
    %eq3A_1 = arith.cmpi eq, %arg0, %eq3A : i32
    %select_n3A = arith.constant 16 : i32
    %select_n3A_2 = arith.constant 142 : i32
    %select_n3A_3 = arith.select %eq3A_1, %select_n3A_2, %select_n3A : i32
    %eq3A_4 = arith.constant 0 : i32
    %eq3A_5 = arith.cmpi eq, %arg0, %eq3A_4 : i32
    %mul3A_6 = arith.constant 142 : i32
    %mul3A_7 = arith.muli %arg1, %mul3A_6 : i32
    %mul3A_8 = arith.constant 16 : i32
    %mul3A_9 = arith.muli %arg1, %mul3A_8 : i32
    %add3A = arith.constant 2272 : i32
    %add3A_10 = arith.addi %add3A, %mul3A_9 : i32
    %select_n3A_11 = arith.select %eq3A_5, %mul3A_7, %add3A_10 : i32
    "tpu.region"() ({
      %run_scoped3A = tpu.sem_alloc : memref<!tpu.dma_semaphore, #tpu.memory_space<semaphore_mem>>
      %dma_start3A = arith.constant 0 : i32
      %dma_start3A_25 = tpu.memref_slice %arg13[%mul3A_0, %dma_start3A] : memref<10240x128xf32, #tpu.memory_space<vmem_shared>> -> memref<640x128xf32, #tpu.memory_space<vmem_shared>>
      tpu.enqueue_dma source(%arg5 : memref<640x128xf32, #tpu.memory_space<hbm>>) target(%dma_start3A_25 : memref<640x128xf32, #tpu.memory_space<vmem_shared>>) target_semaphore(%run_scoped3A : memref<!tpu.dma_semaphore, #tpu.memory_space<semaphore_mem>>)
      %dma_wait3A = arith.constant 0 : i32
      %dma_wait3A_26 = tpu.memref_slice %arg13[%mul3A_0, %dma_wait3A] : memref<10240x128xf32, #tpu.memory_space<vmem_shared>> -> memref<640x128xf32, #tpu.memory_space<vmem_shared>>
      tpu.wait_dma2 semaphore(%run_scoped3A : memref<!tpu.dma_semaphore, #tpu.memory_space<semaphore_mem>>) src(%arg5 : memref<640x128xf32, #tpu.memory_space<hbm>>) dst(%dma_wait3A_26 : memref<640x128xf32, #tpu.memory_space<vmem_shared>>)
      tpu.yield
    }) : () -> ()
    %gt3A = arith.constant 0 : i32
    %gt3A_12 = arith.cmpi sgt, %select_n3A_3, %gt3A : i32
    %convert_element_type3A = arith.extui %gt3A_12 : i1 to i32
    %cond3A = arith.constant 0 : i32
    %cond3A_13 = arith.cmpi ne, %convert_element_type3A, %cond3A : i32
    scf.if %cond3A_13 {
      %add3A_25 = arith.constant 0 : i32
      %add3A_26 = arith.addi %select_n3A_11, %add3A_25 : i32
      %mul3A_27 = arith.constant 128 : i32
      %mul3A_28 = arith.muli %add3A_26, %mul3A_27 : i32
      %multiple_of3A = tpu.assume_multiple %mul3A_28, 128 : i32
      %dma_start3A = tpu.memref_slice %arg3[%multiple_of3A] : memref<323584xi32, #tpu.memory_space<hbm>> -> memref<128xi32, #tpu.memory_space<hbm>>
      %dma_start3A_29 = tpu.memref_slice %arg3[%multiple_of3A] : memref<323584xi32, #tpu.memory_space<hbm>> -> memref<128xi32, #tpu.memory_space<hbm>>
      tpu.enqueue_dma source(%dma_start3A_29 : memref<128xi32, #tpu.memory_space<hbm>>) target(%arg7 : memref<128xi32, #tpu.memory_space<vmem>>) target_semaphore(%arg16 : memref<!tpu.dma_semaphore, #tpu.memory_space<semaphore_mem>>)
      %dma_start3A_30 = tpu.memref_slice %arg4[%multiple_of3A] : memref<323584xi32, #tpu.memory_space<hbm>> -> memref<128xi32, #tpu.memory_space<hbm>>
      %dma_start3A_31 = tpu.memref_slice %arg4[%multiple_of3A] : memref<323584xi32, #tpu.memory_space<hbm>> -> memref<128xi32, #tpu.memory_space<hbm>>
      tpu.enqueue_dma source(%dma_start3A_31 : memref<128xi32, #tpu.memory_space<hbm>>) target(%arg9 : memref<128xi32, #tpu.memory_space<vmem>>) target_semaphore(%arg18 : memref<!tpu.dma_semaphore, #tpu.memory_space<semaphore_mem>>)
      %dma_wait3A = arith.constant 0 : i32
      %dma_wait3A_32 = tpu.memref_slice %arg3[%dma_wait3A] : memref<323584xi32, #tpu.memory_space<hbm>> -> memref<128xi32, #tpu.memory_space<hbm>>
      %dma_wait3A_33 = arith.constant 0 : i32
      %dma_wait3A_34 = tpu.memref_slice %arg3[%dma_wait3A_33] : memref<323584xi32, #tpu.memory_space<hbm>> -> memref<128xi32, #tpu.memory_space<hbm>>
      tpu.wait_dma2 semaphore(%arg16 : memref<!tpu.dma_semaphore, #tpu.memory_space<semaphore_mem>>) src(%dma_wait3A_34 : memref<128xi32, #tpu.memory_space<hbm>>) dst(%arg7 : memref<128xi32, #tpu.memory_space<vmem>>)
      %dma_start3A_35 = arith.constant 0 : i32
      %dma_start3A_36 = arith.constant 0 : i32
      %dma_start3A_37 = tpu.memref_slice %arg2[%dma_start3A_35, %dma_start3A_36] : memref<10240x128xf32, #tpu.memory_space<hbm>> -> memref<10240x128xf32, #tpu.memory_space<hbm>>
      tpu.enqueue_indirect_dma source(%dma_start3A_37 : memref<10240x128xf32, #tpu.memory_space<hbm>>) target(%arg11 : memref<128x128xf32, #tpu.memory_space<vmem>>) offsets(%arg7 : memref<128xi32, #tpu.memory_space<vmem>>) semaphore(%arg14 : memref<!tpu.dma_semaphore, #tpu.memory_space<semaphore_mem>>)
    } else {
    }
    %gt3A_14 = arith.constant 1 : i32
    %gt3A_15 = arith.cmpi sgt, %select_n3A_3, %gt3A_14 : i32
    %convert_element_type3A_16 = arith.extui %gt3A_15 : i1 to i32
    %cond3A_17 = arith.constant 0 : i32
    %cond3A_18 = arith.cmpi ne, %convert_element_type3A_16, %cond3A_17 : i32
    scf.if %cond3A_18 {
      %add3A_25 = arith.constant 1 : i32
      %add3A_26 = arith.addi %select_n3A_11, %add3A_25 : i32
      %mul3A_27 = arith.constant 128 : i32
      %mul3A_28 = arith.muli %add3A_26, %mul3A_27 : i32
      %multiple_of3A = tpu.assume_multiple %mul3A_28, 128 : i32
      %dma_start3A = tpu.memref_slice %arg3[%multiple_of3A] : memref<323584xi32, #tpu.memory_space<hbm>> -> memref<128xi32, #tpu.memory_space<hbm>>
      %dma_start3A_29 = tpu.memref_slice %arg3[%multiple_of3A] : memref<323584xi32, #tpu.memory_space<hbm>> -> memref<128xi32, #tpu.memory_space<hbm>>
      tpu.enqueue_dma source(%dma_start3A_29 : memref<128xi32, #tpu.memory_space<hbm>>) target(%arg8 : memref<128xi32, #tpu.memory_space<vmem>>) target_semaphore(%arg17 : memref<!tpu.dma_semaphore, #tpu.memory_space<semaphore_mem>>)
      %dma_start3A_30 = tpu.memref_slice %arg4[%multiple_of3A] : memref<323584xi32, #tpu.memory_space<hbm>> -> memref<128xi32, #tpu.memory_space<hbm>>
      %dma_start3A_31 = tpu.memref_slice %arg4[%multiple_of3A] : memref<323584xi32, #tpu.memory_space<hbm>> -> memref<128xi32, #tpu.memory_space<hbm>>
      tpu.enqueue_dma source(%dma_start3A_31 : memref<128xi32, #tpu.memory_space<hbm>>) target(%arg10 : memref<128xi32, #tpu.memory_space<vmem>>) target_semaphore(%arg19 : memref<!tpu.dma_semaphore, #tpu.memory_space<semaphore_mem>>)
      %dma_wait3A = arith.constant 0 : i32
      %dma_wait3A_32 = tpu.memref_slice %arg3[%dma_wait3A] : memref<323584xi32, #tpu.memory_space<hbm>> -> memref<128xi32, #tpu.memory_space<hbm>>
      %dma_wait3A_33 = arith.constant 0 : i32
      %dma_wait3A_34 = tpu.memref_slice %arg3[%dma_wait3A_33] : memref<323584xi32, #tpu.memory_space<hbm>> -> memref<128xi32, #tpu.memory_space<hbm>>
      tpu.wait_dma2 semaphore(%arg17 : memref<!tpu.dma_semaphore, #tpu.memory_space<semaphore_mem>>) src(%dma_wait3A_34 : memref<128xi32, #tpu.memory_space<hbm>>) dst(%arg8 : memref<128xi32, #tpu.memory_space<vmem>>)
      %dma_start3A_35 = arith.constant 0 : i32
      %dma_start3A_36 = arith.constant 0 : i32
      %dma_start3A_37 = tpu.memref_slice %arg2[%dma_start3A_35, %dma_start3A_36] : memref<10240x128xf32, #tpu.memory_space<hbm>> -> memref<10240x128xf32, #tpu.memory_space<hbm>>
      tpu.enqueue_indirect_dma source(%dma_start3A_37 : memref<10240x128xf32, #tpu.memory_space<hbm>>) target(%arg12 : memref<128x128xf32, #tpu.memory_space<vmem>>) offsets(%arg8 : memref<128xi32, #tpu.memory_space<vmem>>) semaphore(%arg15 : memref<!tpu.dma_semaphore, #tpu.memory_space<semaphore_mem>>)
    } else {
    }
    %barrier3A = arith.constant 0 : index
    tpu.barrier barrier_id(%barrier3A)
    %scan3A = arith.constant 0 : i32
    %scan3A_19 = arith.constant 0 : i32
    %scan3A_20 = arith.constant 71 : i32
    %scan3A_21 = arith.addi %scan3A_19, %scan3A_20 : i32
    %scan3A_22 = arith.constant 1 : i32
    scf.for %scan3A_25 = %scan3A_19 to %scan3A_21 step %scan3A_22  : i32 {
      %mul3A_26 = arith.constant 2 : i32
      %mul3A_27 = arith.muli %scan3A_25, %mul3A_26 : i32
      %add3A_28 = arith.constant 0 : i32
      %add3A_29 = arith.addi %mul3A_27, %add3A_28 : i32
      %lt3A = arith.cmpi slt, %add3A_29, %select_n3A_3 : i32
      %convert_element_type3A_30 = arith.extui %lt3A : i1 to i32
      %cond3A_31 = arith.constant 0 : i32
      %cond3A_32 = arith.cmpi ne, %convert_element_type3A_30, %cond3A_31 : i32
      scf.if %cond3A_32 {
        %dma_wait3A = arith.constant 0 : i32
        %dma_wait3A_41 = arith.constant 0 : i32
        %dma_wait3A_42 = tpu.memref_slice %arg2[%dma_wait3A, %dma_wait3A_41] : memref<10240x128xf32, #tpu.memory_space<hbm>> -> memref<10240x128xf32, #tpu.memory_space<hbm>>
        tpu.wait_indirect_dma semaphore(%arg14 : memref<!tpu.dma_semaphore, #tpu.memory_space<semaphore_mem>>) src(%dma_wait3A_42 : memref<10240x128xf32, #tpu.memory_space<hbm>>) dst(%arg11 : memref<128x128xf32, #tpu.memory_space<vmem>>)
        %dma_wait3A_43 = arith.constant 0 : i32
        %dma_wait3A_44 = tpu.memref_slice %arg4[%dma_wait3A_43] : memref<323584xi32, #tpu.memory_space<hbm>> -> memref<128xi32, #tpu.memory_space<hbm>>
        %dma_wait3A_45 = arith.constant 0 : i32
        %dma_wait3A_46 = tpu.memref_slice %arg4[%dma_wait3A_45] : memref<323584xi32, #tpu.memory_space<hbm>> -> memref<128xi32, #tpu.memory_space<hbm>>
        tpu.wait_dma2 semaphore(%arg18 : memref<!tpu.dma_semaphore, #tpu.memory_space<semaphore_mem>>) src(%dma_wait3A_46 : memref<128xi32, #tpu.memory_space<hbm>>) dst(%arg9 : memref<128xi32, #tpu.memory_space<vmem>>)
        "tpu.region"() ({
          %run_scoped3A = tpu.sem_alloc : memref<!tpu.dma_semaphore, #tpu.memory_space<semaphore_mem>>
          %dma_start3A = arith.constant 0 : i32
          %dma_start3A_53 = arith.constant 0 : i32
          %dma_start3A_54 = tpu.memref_slice %arg13[%dma_start3A, %dma_start3A_53] : memref<10240x128xf32, #tpu.memory_space<vmem_shared>> -> memref<10240x128xf32, #tpu.memory_space<vmem_shared>>
          tpu.enqueue_indirect_dma source(%arg11 : memref<128x128xf32, #tpu.memory_space<vmem>>) target(%dma_start3A_54 : memref<10240x128xf32, #tpu.memory_space<vmem_shared>>) offsets(%arg9 : memref<128xi32, #tpu.memory_space<vmem>>) semaphore(%run_scoped3A : memref<!tpu.dma_semaphore, #tpu.memory_space<semaphore_mem>>) {add = true}
          %dma_wait3A_55 = arith.constant 0 : i32
          %dma_wait3A_56 = arith.constant 0 : i32
          %dma_wait3A_57 = tpu.memref_slice %arg13[%dma_wait3A_55, %dma_wait3A_56] : memref<10240x128xf32, #tpu.memory_space<vmem_shared>> -> memref<10240x128xf32, #tpu.memory_space<vmem_shared>>
          tpu.wait_indirect_dma semaphore(%run_scoped3A : memref<!tpu.dma_semaphore, #tpu.memory_space<semaphore_mem>>) src(%arg11 : memref<128x128xf32, #tpu.memory_space<vmem>>) dst(%dma_wait3A_57 : memref<10240x128xf32, #tpu.memory_space<vmem_shared>>)
          tpu.yield
        }) : () -> ()
        %add3A_47 = arith.constant 2 : i32
        %add3A_48 = arith.addi %add3A_29, %add3A_47 : i32
        %lt3A_49 = arith.cmpi slt, %add3A_48, %select_n3A_3 : i32
        %convert_element_type3A_50 = arith.extui %lt3A_49 : i1 to i32
        %cond3A_51 = arith.constant 0 : i32
        %cond3A_52 = arith.cmpi ne, %convert_element_type3A_50, %cond3A_51 : i32
        scf.if %cond3A_52 {
          %add3A_53 = arith.addi %select_n3A_11, %add3A_48 : i32
          %mul3A_54 = arith.constant 128 : i32
          %mul3A_55 = arith.muli %add3A_53, %mul3A_54 : i32
          %multiple_of3A = tpu.assume_multiple %mul3A_55, 128 : i32
          %dma_start3A = tpu.memref_slice %arg3[%multiple_of3A] : memref<323584xi32, #tpu.memory_space<hbm>> -> memref<128xi32, #tpu.memory_space<hbm>>
          %dma_start3A_56 = tpu.memref_slice %arg3[%multiple_of3A] : memref<323584xi32, #tpu.memory_space<hbm>> -> memref<128xi32, #tpu.memory_space<hbm>>
          tpu.enqueue_dma source(%dma_start3A_56 : memref<128xi32, #tpu.memory_space<hbm>>) target(%arg7 : memref<128xi32, #tpu.memory_space<vmem>>) target_semaphore(%arg16 : memref<!tpu.dma_semaphore, #tpu.memory_space<semaphore_mem>>)
          %dma_start3A_57 = tpu.memref_slice %arg4[%multiple_of3A] : memref<323584xi32, #tpu.memory_space<hbm>> -> memref<128xi32, #tpu.memory_space<hbm>>
          %dma_start3A_58 = tpu.memref_slice %arg4[%multiple_of3A] : memref<323584xi32, #tpu.memory_space<hbm>> -> memref<128xi32, #tpu.memory_space<hbm>>
          tpu.enqueue_dma source(%dma_start3A_58 : memref<128xi32, #tpu.memory_space<hbm>>) target(%arg9 : memref<128xi32, #tpu.memory_space<vmem>>) target_semaphore(%arg18 : memref<!tpu.dma_semaphore, #tpu.memory_space<semaphore_mem>>)
          %dma_wait3A_59 = arith.constant 0 : i32
          %dma_wait3A_60 = tpu.memref_slice %arg3[%dma_wait3A_59] : memref<323584xi32, #tpu.memory_space<hbm>> -> memref<128xi32, #tpu.memory_space<hbm>>
          %dma_wait3A_61 = arith.constant 0 : i32
          %dma_wait3A_62 = tpu.memref_slice %arg3[%dma_wait3A_61] : memref<323584xi32, #tpu.memory_space<hbm>> -> memref<128xi32, #tpu.memory_space<hbm>>
          tpu.wait_dma2 semaphore(%arg16 : memref<!tpu.dma_semaphore, #tpu.memory_space<semaphore_mem>>) src(%dma_wait3A_62 : memref<128xi32, #tpu.memory_space<hbm>>) dst(%arg7 : memref<128xi32, #tpu.memory_space<vmem>>)
          %dma_start3A_63 = arith.constant 0 : i32
          %dma_start3A_64 = arith.constant 0 : i32
          %dma_start3A_65 = tpu.memref_slice %arg2[%dma_start3A_63, %dma_start3A_64] : memref<10240x128xf32, #tpu.memory_space<hbm>> -> memref<10240x128xf32, #tpu.memory_space<hbm>>
          tpu.enqueue_indirect_dma source(%dma_start3A_65 : memref<10240x128xf32, #tpu.memory_space<hbm>>) target(%arg11 : memref<128x128xf32, #tpu.memory_space<vmem>>) offsets(%arg7 : memref<128xi32, #tpu.memory_space<vmem>>) semaphore(%arg14 : memref<!tpu.dma_semaphore, #tpu.memory_space<semaphore_mem>>)
        } else {
        }
      } else {
      }
      %mul3A_33 = arith.constant 2 : i32
      %mul3A_34 = arith.muli %scan3A_25, %mul3A_33 : i32
      %add3A_35 = arith.constant 1 : i32
      %add3A_36 = arith.addi %mul3A_34, %add3A_35 : i32
      %lt3A_37 = arith.cmpi slt, %add3A_36, %select_n3A_3 : i32
      %convert_element_type3A_38 = arith.extui %lt3A_37 : i1 to i32
      %cond3A_39 = arith.constant 0 : i32
      %cond3A_40 = arith.cmpi ne, %convert_element_type3A_38, %cond3A_39 : i32
      scf.if %cond3A_40 {
        %dma_wait3A = arith.constant 0 : i32
        %dma_wait3A_41 = arith.constant 0 : i32
        %dma_wait3A_42 = tpu.memref_slice %arg2[%dma_wait3A, %dma_wait3A_41] : memref<10240x128xf32, #tpu.memory_space<hbm>> -> memref<10240x128xf32, #tpu.memory_space<hbm>>
        tpu.wait_indirect_dma semaphore(%arg15 : memref<!tpu.dma_semaphore, #tpu.memory_space<semaphore_mem>>) src(%dma_wait3A_42 : memref<10240x128xf32, #tpu.memory_space<hbm>>) dst(%arg12 : memref<128x128xf32, #tpu.memory_space<vmem>>)
        %dma_wait3A_43 = arith.constant 0 : i32
        %dma_wait3A_44 = tpu.memref_slice %arg4[%dma_wait3A_43] : memref<323584xi32, #tpu.memory_space<hbm>> -> memref<128xi32, #tpu.memory_space<hbm>>
        %dma_wait3A_45 = arith.constant 0 : i32
        %dma_wait3A_46 = tpu.memref_slice %arg4[%dma_wait3A_45] : memref<323584xi32, #tpu.memory_space<hbm>> -> memref<128xi32, #tpu.memory_space<hbm>>
        tpu.wait_dma2 semaphore(%arg19 : memref<!tpu.dma_semaphore, #tpu.memory_space<semaphore_mem>>) src(%dma_wait3A_46 : memref<128xi32, #tpu.memory_space<hbm>>) dst(%arg10 : memref<128xi32, #tpu.memory_space<vmem>>)
        "tpu.region"() ({
          %run_scoped3A = tpu.sem_alloc : memref<!tpu.dma_semaphore, #tpu.memory_space<semaphore_mem>>
          %dma_start3A = arith.constant 0 : i32
          %dma_start3A_53 = arith.constant 0 : i32
          %dma_start3A_54 = tpu.memref_slice %arg13[%dma_start3A, %dma_start3A_53] : memref<10240x128xf32, #tpu.memory_space<vmem_shared>> -> memref<10240x128xf32, #tpu.memory_space<vmem_shared>>
          tpu.enqueue_indirect_dma source(%arg12 : memref<128x128xf32, #tpu.memory_space<vmem>>) target(%dma_start3A_54 : memref<10240x128xf32, #tpu.memory_space<vmem_shared>>) offsets(%arg10 : memref<128xi32, #tpu.memory_space<vmem>>) semaphore(%run_scoped3A : memref<!tpu.dma_semaphore, #tpu.memory_space<semaphore_mem>>) {add = true}
          %dma_wait3A_55 = arith.constant 0 : i32
          %dma_wait3A_56 = arith.constant 0 : i32
          %dma_wait3A_57 = tpu.memref_slice %arg13[%dma_wait3A_55, %dma_wait3A_56] : memref<10240x128xf32, #tpu.memory_space<vmem_shared>> -> memref<10240x128xf32, #tpu.memory_space<vmem_shared>>
          tpu.wait_indirect_dma semaphore(%run_scoped3A : memref<!tpu.dma_semaphore, #tpu.memory_space<semaphore_mem>>) src(%arg12 : memref<128x128xf32, #tpu.memory_space<vmem>>) dst(%dma_wait3A_57 : memref<10240x128xf32, #tpu.memory_space<vmem_shared>>)
          tpu.yield
        }) : () -> ()
        %add3A_47 = arith.constant 2 : i32
        %add3A_48 = arith.addi %add3A_36, %add3A_47 : i32
        %lt3A_49 = arith.cmpi slt, %add3A_48, %select_n3A_3 : i32
        %convert_element_type3A_50 = arith.extui %lt3A_49 : i1 to i32
        %cond3A_51 = arith.constant 0 : i32
        %cond3A_52 = arith.cmpi ne, %convert_element_type3A_50, %cond3A_51 : i32
        scf.if %cond3A_52 {
          %add3A_53 = arith.addi %select_n3A_11, %add3A_48 : i32
          %mul3A_54 = arith.constant 128 : i32
          %mul3A_55 = arith.muli %add3A_53, %mul3A_54 : i32
          %multiple_of3A = tpu.assume_multiple %mul3A_55, 128 : i32
          %dma_start3A = tpu.memref_slice %arg3[%multiple_of3A] : memref<323584xi32, #tpu.memory_space<hbm>> -> memref<128xi32, #tpu.memory_space<hbm>>
          %dma_start3A_56 = tpu.memref_slice %arg3[%multiple_of3A] : memref<323584xi32, #tpu.memory_space<hbm>> -> memref<128xi32, #tpu.memory_space<hbm>>
          tpu.enqueue_dma source(%dma_start3A_56 : memref<128xi32, #tpu.memory_space<hbm>>) target(%arg8 : memref<128xi32, #tpu.memory_space<vmem>>) target_semaphore(%arg17 : memref<!tpu.dma_semaphore, #tpu.memory_space<semaphore_mem>>)
          %dma_start3A_57 = tpu.memref_slice %arg4[%multiple_of3A] : memref<323584xi32, #tpu.memory_space<hbm>> -> memref<128xi32, #tpu.memory_space<hbm>>
          %dma_start3A_58 = tpu.memref_slice %arg4[%multiple_of3A] : memref<323584xi32, #tpu.memory_space<hbm>> -> memref<128xi32, #tpu.memory_space<hbm>>
          tpu.enqueue_dma source(%dma_start3A_58 : memref<128xi32, #tpu.memory_space<hbm>>) target(%arg10 : memref<128xi32, #tpu.memory_space<vmem>>) target_semaphore(%arg19 : memref<!tpu.dma_semaphore, #tpu.memory_space<semaphore_mem>>)
          %dma_wait3A_59 = arith.constant 0 : i32
          %dma_wait3A_60 = tpu.memref_slice %arg3[%dma_wait3A_59] : memref<323584xi32, #tpu.memory_space<hbm>> -> memref<128xi32, #tpu.memory_space<hbm>>
          %dma_wait3A_61 = arith.constant 0 : i32
          %dma_wait3A_62 = tpu.memref_slice %arg3[%dma_wait3A_61] : memref<323584xi32, #tpu.memory_space<hbm>> -> memref<128xi32, #tpu.memory_space<hbm>>
          tpu.wait_dma2 semaphore(%arg17 : memref<!tpu.dma_semaphore, #tpu.memory_space<semaphore_mem>>) src(%dma_wait3A_62 : memref<128xi32, #tpu.memory_space<hbm>>) dst(%arg8 : memref<128xi32, #tpu.memory_space<vmem>>)
          %dma_start3A_63 = arith.constant 0 : i32
          %dma_start3A_64 = arith.constant 0 : i32
          %dma_start3A_65 = tpu.memref_slice %arg2[%dma_start3A_63, %dma_start3A_64] : memref<10240x128xf32, #tpu.memory_space<hbm>> -> memref<10240x128xf32, #tpu.memory_space<hbm>>
          tpu.enqueue_indirect_dma source(%dma_start3A_65 : memref<10240x128xf32, #tpu.memory_space<hbm>>) target(%arg12 : memref<128x128xf32, #tpu.memory_space<vmem>>) offsets(%arg8 : memref<128xi32, #tpu.memory_space<vmem>>) semaphore(%arg15 : memref<!tpu.dma_semaphore, #tpu.memory_space<semaphore_mem>>)
        } else {
        }
      } else {
      }
    }
    %scan3A_23 = arith.constant 71 : i32
    %barrier3A_24 = arith.constant 0 : index
    tpu.barrier barrier_id(%barrier3A_24)
    "tpu.region"() ({
      %run_scoped3A = tpu.sem_alloc : memref<!tpu.dma_semaphore, #tpu.memory_space<semaphore_mem>>
      %dma_start3A = arith.constant 0 : i32
      %dma_start3A_25 = tpu.memref_slice %arg6[%arg0, %mul3A_0, %dma_start3A] : memref<2x10240x128xf32, #tpu.memory_space<hbm>> -> memref<1x640x128xf32, #tpu.memory_space<hbm>>
      %dma_start3A_26 = tpu.memref_squeeze %dma_start3A_25 : memref<1x640x128xf32, #tpu.memory_space<hbm>> -> memref<640x128xf32, #tpu.memory_space<hbm>>
      %dma_start3A_27 = arith.constant 0 : i32
      %dma_start3A_28 = tpu.memref_slice %arg13[%mul3A_0, %dma_start3A_27] : memref<10240x128xf32, #tpu.memory_space<vmem_shared>> -> memref<640x128xf32, #tpu.memory_space<vmem_shared>>
      tpu.enqueue_dma source(%dma_start3A_28 : memref<640x128xf32, #tpu.memory_space<vmem_shared>>) target(%dma_start3A_26 : memref<640x128xf32, #tpu.memory_space<hbm>>) target_semaphore(%run_scoped3A : memref<!tpu.dma_semaphore, #tpu.memory_space<semaphore_mem>>)
      %dma_wait3A = arith.constant 0 : i32
      %dma_wait3A_29 = tpu.memref_slice %arg6[%arg0, %mul3A_0, %dma_wait3A] : memref<2x10240x128xf32, #tpu.memory_space<hbm>> -> memref<1x640x128xf32, #tpu.memory_space<hbm>>
      %dma_wait3A_30 = tpu.memref_squeeze %dma_wait3A_29 : memref<1x640x128xf32, #tpu.memory_space<hbm>> -> memref<640x128xf32, #tpu.memory_space<hbm>>
      %dma_wait3A_31 = arith.constant 0 : i32
      %dma_wait3A_32 = tpu.memref_slice %arg13[%mul3A_0, %dma_wait3A_31] : memref<10240x128xf32, #tpu.memory_space<vmem_shared>> -> memref<640x128xf32, #tpu.memory_space<vmem_shared>>
      tpu.wait_dma2 semaphore(%run_scoped3A : memref<!tpu.dma_semaphore, #tpu.memory_space<semaphore_mem>>) src(%dma_wait3A_32 : memref<640x128xf32, #tpu.memory_space<vmem_shared>>) dst(%dma_wait3A_30 : memref<640x128xf32, #tpu.memory_space<hbm>>)
      tpu.yield
    }) : () -> ()
    return
  }
}

#map = affine_map<(d0, d1) -> (0)>
#map1 = affine_map<(d0, d1) -> (0, 0)>
#map2 = affine_map<(d0, d1) -> (0, 0, 0)>
module attributes {stable_mosaic.version = 14 : i64} {
  func.func @deg_kernel(%arg0: i32, %arg1: i32, %arg2: memref<323584xi32, #tpu.memory_space<hbm>>, %arg3: memref<323584xi32, #tpu.memory_space<hbm>>, %arg4: memref<128x128xf32, #tpu.memory_space<hbm>>, %arg5: memref<128x128xf32, #tpu.memory_space<hbm>>, %arg6: memref<640x128xf32, #tpu.memory_space<hbm>>, %arg7: memref<2x10240x128xf32, #tpu.memory_space<hbm>>, %arg8: memref<128xi32, #tpu.memory_space<vmem>>, %arg9: memref<128xi32, #tpu.memory_space<vmem>>, %arg10: memref<128xi32, #tpu.memory_space<vmem>>, %arg11: memref<128xi32, #tpu.memory_space<vmem>>, %arg12: memref<128x128xf32, #tpu.memory_space<vmem>>, %arg13: memref<128x128xf32, #tpu.memory_space<vmem>>, %arg14: memref<10240x128xf32, #tpu.memory_space<vmem_shared>>, %arg15: memref<!tpu.dma_semaphore, #tpu.memory_space<semaphore_mem>>, %arg16: memref<!tpu.dma_semaphore, #tpu.memory_space<semaphore_mem>>, %arg17: memref<!tpu.dma_semaphore, #tpu.memory_space<semaphore_mem>>, %arg18: memref<!tpu.dma_semaphore, #tpu.memory_space<semaphore_mem>>) attributes {dimension_semantics = [#tpu.dimension_semantics<core_parallel>, #tpu.dimension_semantics<subcore_parallel>], iteration_bounds = array<i64: 2, 16>, scalar_prefetch = 0 : i64, scratch_operands = 11 : i64, tpu.core_type = #tpu.core_type<sc_vector_subcore>, window_params = [{transform_indices = #map}, {transform_indices = #map}, {transform_indices = #map1}, {transform_indices = #map1}, {transform_indices = #map1}, {transform_indices = #map2}]} {
    %mul3A = arith.constant 16 : i32
    %mul3A_0 = arith.muli %arg0, %mul3A : i32
    %add3A = arith.addi %mul3A_0, %arg1 : i32
    %mul3A_1 = arith.constant 640 : i32
    %mul3A_2 = arith.muli %arg1, %mul3A_1 : i32
    "tpu.region"() ({
      %run_scoped3A = tpu.sem_alloc : memref<!tpu.dma_semaphore, #tpu.memory_space<semaphore_mem>>
      %dma_start3A_29 = arith.constant 0 : i32
      %dma_start3A_30 = tpu.memref_slice %arg14[%mul3A_2, %dma_start3A_29] : memref<10240x128xf32, #tpu.memory_space<vmem_shared>> -> memref<640x128xf32, #tpu.memory_space<vmem_shared>>
      tpu.enqueue_dma source(%arg6 : memref<640x128xf32, #tpu.memory_space<hbm>>) target(%dma_start3A_30 : memref<640x128xf32, #tpu.memory_space<vmem_shared>>) target_semaphore(%run_scoped3A : memref<!tpu.dma_semaphore, #tpu.memory_space<semaphore_mem>>)
      %dma_wait3A = arith.constant 0 : i32
      %dma_wait3A_31 = tpu.memref_slice %arg14[%mul3A_2, %dma_wait3A] : memref<10240x128xf32, #tpu.memory_space<vmem_shared>> -> memref<640x128xf32, #tpu.memory_space<vmem_shared>>
      tpu.wait_dma2 semaphore(%run_scoped3A : memref<!tpu.dma_semaphore, #tpu.memory_space<semaphore_mem>>) src(%arg6 : memref<640x128xf32, #tpu.memory_space<hbm>>) dst(%dma_wait3A_31 : memref<640x128xf32, #tpu.memory_space<vmem_shared>>)
      tpu.yield
    }) : () -> ()
    "tpu.region"() ({
      %run_scoped3A = tpu.sem_alloc : memref<!tpu.dma_semaphore, #tpu.memory_space<semaphore_mem>>
      tpu.enqueue_dma source(%arg4 : memref<128x128xf32, #tpu.memory_space<hbm>>) target(%arg12 : memref<128x128xf32, #tpu.memory_space<vmem>>) target_semaphore(%run_scoped3A : memref<!tpu.dma_semaphore, #tpu.memory_space<semaphore_mem>>)
      tpu.wait_dma2 semaphore(%run_scoped3A : memref<!tpu.dma_semaphore, #tpu.memory_space<semaphore_mem>>) src(%arg4 : memref<128x128xf32, #tpu.memory_space<hbm>>) dst(%arg12 : memref<128x128xf32, #tpu.memory_space<vmem>>)
      tpu.yield
    }) : () -> ()
    "tpu.region"() ({
      %run_scoped3A = tpu.sem_alloc : memref<!tpu.dma_semaphore, #tpu.memory_space<semaphore_mem>>
      tpu.enqueue_dma source(%arg5 : memref<128x128xf32, #tpu.memory_space<hbm>>) target(%arg13 : memref<128x128xf32, #tpu.memory_space<vmem>>) target_semaphore(%run_scoped3A : memref<!tpu.dma_semaphore, #tpu.memory_space<semaphore_mem>>)
      tpu.wait_dma2 semaphore(%run_scoped3A : memref<!tpu.dma_semaphore, #tpu.memory_space<semaphore_mem>>) src(%arg5 : memref<128x128xf32, #tpu.memory_space<hbm>>) dst(%arg13 : memref<128x128xf32, #tpu.memory_space<vmem>>)
      tpu.yield
    }) : () -> ()
    %mul3A_3 = arith.constant 79 : i32
    %mul3A_4 = arith.muli %add3A, %mul3A_3 : i32
    %add3A_5 = arith.constant 0 : i32
    %add3A_6 = arith.addi %mul3A_4, %add3A_5 : i32
    %mul3A_7 = arith.constant 128 : i32
    %mul3A_8 = arith.muli %add3A_6, %mul3A_7 : i32
    %multiple_of3A = tpu.assume_multiple %mul3A_8, 128 : i32
    %dma_start3A = tpu.memref_slice %arg2[%multiple_of3A] : memref<323584xi32, #tpu.memory_space<hbm>> -> memref<128xi32, #tpu.memory_space<hbm>>
    %dma_start3A_9 = tpu.memref_slice %arg2[%multiple_of3A] : memref<323584xi32, #tpu.memory_space<hbm>> -> memref<128xi32, #tpu.memory_space<hbm>>
    tpu.enqueue_dma source(%dma_start3A_9 : memref<128xi32, #tpu.memory_space<hbm>>) target(%arg8 : memref<128xi32, #tpu.memory_space<vmem>>) target_semaphore(%arg15 : memref<!tpu.dma_semaphore, #tpu.memory_space<semaphore_mem>>)
    %dma_start3A_10 = tpu.memref_slice %arg3[%multiple_of3A] : memref<323584xi32, #tpu.memory_space<hbm>> -> memref<128xi32, #tpu.memory_space<hbm>>
    %dma_start3A_11 = tpu.memref_slice %arg3[%multiple_of3A] : memref<323584xi32, #tpu.memory_space<hbm>> -> memref<128xi32, #tpu.memory_space<hbm>>
    tpu.enqueue_dma source(%dma_start3A_11 : memref<128xi32, #tpu.memory_space<hbm>>) target(%arg10 : memref<128xi32, #tpu.memory_space<vmem>>) target_semaphore(%arg17 : memref<!tpu.dma_semaphore, #tpu.memory_space<semaphore_mem>>)
    %mul3A_12 = arith.constant 79 : i32
    %mul3A_13 = arith.muli %add3A, %mul3A_12 : i32
    %add3A_14 = arith.constant 1 : i32
    %add3A_15 = arith.addi %mul3A_13, %add3A_14 : i32
    %mul3A_16 = arith.constant 128 : i32
    %mul3A_17 = arith.muli %add3A_15, %mul3A_16 : i32
    %multiple_of3A_18 = tpu.assume_multiple %mul3A_17, 128 : i32
    %dma_start3A_19 = tpu.memref_slice %arg2[%multiple_of3A_18] : memref<323584xi32, #tpu.memory_space<hbm>> -> memref<128xi32, #tpu.memory_space<hbm>>
    %dma_start3A_20 = tpu.memref_slice %arg2[%multiple_of3A_18] : memref<323584xi32, #tpu.memory_space<hbm>> -> memref<128xi32, #tpu.memory_space<hbm>>
    tpu.enqueue_dma source(%dma_start3A_20 : memref<128xi32, #tpu.memory_space<hbm>>) target(%arg9 : memref<128xi32, #tpu.memory_space<vmem>>) target_semaphore(%arg16 : memref<!tpu.dma_semaphore, #tpu.memory_space<semaphore_mem>>)
    %dma_start3A_21 = tpu.memref_slice %arg3[%multiple_of3A_18] : memref<323584xi32, #tpu.memory_space<hbm>> -> memref<128xi32, #tpu.memory_space<hbm>>
    %dma_start3A_22 = tpu.memref_slice %arg3[%multiple_of3A_18] : memref<323584xi32, #tpu.memory_space<hbm>> -> memref<128xi32, #tpu.memory_space<hbm>>
    tpu.enqueue_dma source(%dma_start3A_22 : memref<128xi32, #tpu.memory_space<hbm>>) target(%arg11 : memref<128xi32, #tpu.memory_space<vmem>>) target_semaphore(%arg18 : memref<!tpu.dma_semaphore, #tpu.memory_space<semaphore_mem>>)
    %barrier3A = arith.constant 0 : index
    tpu.barrier barrier_id(%barrier3A)
    %scan3A = arith.constant 0 : i32
    %scan3A_23 = arith.constant 0 : i32
    %scan3A_24 = arith.constant 40 : i32
    %scan3A_25 = arith.addi %scan3A_23, %scan3A_24 : i32
    %scan3A_26 = arith.constant 1 : i32
    scf.for %scan3A_29 = %scan3A_23 to %scan3A_25 step %scan3A_26  : i32 {
      %mul3A_30 = arith.constant 2 : i32
      %mul3A_31 = arith.muli %scan3A_29, %mul3A_30 : i32
      %add3A_32 = arith.constant 0 : i32
      %add3A_33 = arith.addi %mul3A_31, %add3A_32 : i32
      %lt3A = arith.constant 79 : i32
      %lt3A_34 = arith.cmpi slt, %add3A_33, %lt3A : i32
      %convert_element_type3A = arith.extui %lt3A_34 : i1 to i32
      %cond3A = arith.constant 0 : i32
      %cond3A_35 = arith.cmpi ne, %convert_element_type3A, %cond3A : i32
      scf.if %cond3A_35 {
        %dma_wait3A = arith.constant 0 : i32
        %dma_wait3A_45 = tpu.memref_slice %arg2[%dma_wait3A] : memref<323584xi32, #tpu.memory_space<hbm>> -> memref<128xi32, #tpu.memory_space<hbm>>
        %dma_wait3A_46 = arith.constant 0 : i32
        %dma_wait3A_47 = tpu.memref_slice %arg2[%dma_wait3A_46] : memref<323584xi32, #tpu.memory_space<hbm>> -> memref<128xi32, #tpu.memory_space<hbm>>
        tpu.wait_dma2 semaphore(%arg15 : memref<!tpu.dma_semaphore, #tpu.memory_space<semaphore_mem>>) src(%dma_wait3A_47 : memref<128xi32, #tpu.memory_space<hbm>>) dst(%arg8 : memref<128xi32, #tpu.memory_space<vmem>>)
        %dma_wait3A_48 = arith.constant 0 : i32
        %dma_wait3A_49 = tpu.memref_slice %arg3[%dma_wait3A_48] : memref<323584xi32, #tpu.memory_space<hbm>> -> memref<128xi32, #tpu.memory_space<hbm>>
        %dma_wait3A_50 = arith.constant 0 : i32
        %dma_wait3A_51 = tpu.memref_slice %arg3[%dma_wait3A_50] : memref<323584xi32, #tpu.memory_space<hbm>> -> memref<128xi32, #tpu.memory_space<hbm>>
        tpu.wait_dma2 semaphore(%arg17 : memref<!tpu.dma_semaphore, #tpu.memory_space<semaphore_mem>>) src(%dma_wait3A_51 : memref<128xi32, #tpu.memory_space<hbm>>) dst(%arg10 : memref<128xi32, #tpu.memory_space<vmem>>)
        "tpu.region"() ({
          %run_scoped3A = tpu.sem_alloc : memref<!tpu.dma_semaphore, #tpu.memory_space<semaphore_mem>>
          %dma_start3A_59 = arith.constant 0 : i32
          %dma_start3A_60 = arith.constant 0 : i32
          %dma_start3A_61 = tpu.memref_slice %arg14[%dma_start3A_59, %dma_start3A_60] : memref<10240x128xf32, #tpu.memory_space<vmem_shared>> -> memref<10240x128xf32, #tpu.memory_space<vmem_shared>>
          tpu.enqueue_indirect_dma source(%arg12 : memref<128x128xf32, #tpu.memory_space<vmem>>) target(%dma_start3A_61 : memref<10240x128xf32, #tpu.memory_space<vmem_shared>>) offsets(%arg8 : memref<128xi32, #tpu.memory_space<vmem>>) semaphore(%run_scoped3A : memref<!tpu.dma_semaphore, #tpu.memory_space<semaphore_mem>>) {add = true}
          %dma_wait3A_62 = arith.constant 0 : i32
          %dma_wait3A_63 = arith.constant 0 : i32
          %dma_wait3A_64 = tpu.memref_slice %arg14[%dma_wait3A_62, %dma_wait3A_63] : memref<10240x128xf32, #tpu.memory_space<vmem_shared>> -> memref<10240x128xf32, #tpu.memory_space<vmem_shared>>
          tpu.wait_indirect_dma semaphore(%run_scoped3A : memref<!tpu.dma_semaphore, #tpu.memory_space<semaphore_mem>>) src(%arg12 : memref<128x128xf32, #tpu.memory_space<vmem>>) dst(%dma_wait3A_64 : memref<10240x128xf32, #tpu.memory_space<vmem_shared>>)
          tpu.yield
        }) : () -> ()
        "tpu.region"() ({
          %run_scoped3A = tpu.sem_alloc : memref<!tpu.dma_semaphore, #tpu.memory_space<semaphore_mem>>
          %dma_start3A_59 = arith.constant 0 : i32
          %dma_start3A_60 = arith.constant 0 : i32
          %dma_start3A_61 = tpu.memref_slice %arg14[%dma_start3A_59, %dma_start3A_60] : memref<10240x128xf32, #tpu.memory_space<vmem_shared>> -> memref<10240x128xf32, #tpu.memory_space<vmem_shared>>
          tpu.enqueue_indirect_dma source(%arg13 : memref<128x128xf32, #tpu.memory_space<vmem>>) target(%dma_start3A_61 : memref<10240x128xf32, #tpu.memory_space<vmem_shared>>) offsets(%arg10 : memref<128xi32, #tpu.memory_space<vmem>>) semaphore(%run_scoped3A : memref<!tpu.dma_semaphore, #tpu.memory_space<semaphore_mem>>) {add = true}
          %dma_wait3A_62 = arith.constant 0 : i32
          %dma_wait3A_63 = arith.constant 0 : i32
          %dma_wait3A_64 = tpu.memref_slice %arg14[%dma_wait3A_62, %dma_wait3A_63] : memref<10240x128xf32, #tpu.memory_space<vmem_shared>> -> memref<10240x128xf32, #tpu.memory_space<vmem_shared>>
          tpu.wait_indirect_dma semaphore(%run_scoped3A : memref<!tpu.dma_semaphore, #tpu.memory_space<semaphore_mem>>) src(%arg13 : memref<128x128xf32, #tpu.memory_space<vmem>>) dst(%dma_wait3A_64 : memref<10240x128xf32, #tpu.memory_space<vmem_shared>>)
          tpu.yield
        }) : () -> ()
        %add3A_52 = arith.constant 2 : i32
        %add3A_53 = arith.addi %add3A_33, %add3A_52 : i32
        %lt3A_54 = arith.constant 79 : i32
        %lt3A_55 = arith.cmpi slt, %add3A_53, %lt3A_54 : i32
        %convert_element_type3A_56 = arith.extui %lt3A_55 : i1 to i32
        %cond3A_57 = arith.constant 0 : i32
        %cond3A_58 = arith.cmpi ne, %convert_element_type3A_56, %cond3A_57 : i32
        scf.if %cond3A_58 {
          %mul3A_59 = arith.constant 79 : i32
          %mul3A_60 = arith.muli %add3A, %mul3A_59 : i32
          %add3A_61 = arith.addi %mul3A_60, %add3A_53 : i32
          %mul3A_62 = arith.constant 128 : i32
          %mul3A_63 = arith.muli %add3A_61, %mul3A_62 : i32
          %multiple_of3A_64 = tpu.assume_multiple %mul3A_63, 128 : i32
          %dma_start3A_65 = tpu.memref_slice %arg2[%multiple_of3A_64] : memref<323584xi32, #tpu.memory_space<hbm>> -> memref<128xi32, #tpu.memory_space<hbm>>
          %dma_start3A_66 = tpu.memref_slice %arg2[%multiple_of3A_64] : memref<323584xi32, #tpu.memory_space<hbm>> -> memref<128xi32, #tpu.memory_space<hbm>>
          tpu.enqueue_dma source(%dma_start3A_66 : memref<128xi32, #tpu.memory_space<hbm>>) target(%arg8 : memref<128xi32, #tpu.memory_space<vmem>>) target_semaphore(%arg15 : memref<!tpu.dma_semaphore, #tpu.memory_space<semaphore_mem>>)
          %dma_start3A_67 = tpu.memref_slice %arg3[%multiple_of3A_64] : memref<323584xi32, #tpu.memory_space<hbm>> -> memref<128xi32, #tpu.memory_space<hbm>>
          %dma_start3A_68 = tpu.memref_slice %arg3[%multiple_of3A_64] : memref<323584xi32, #tpu.memory_space<hbm>> -> memref<128xi32, #tpu.memory_space<hbm>>
          tpu.enqueue_dma source(%dma_start3A_68 : memref<128xi32, #tpu.memory_space<hbm>>) target(%arg10 : memref<128xi32, #tpu.memory_space<vmem>>) target_semaphore(%arg17 : memref<!tpu.dma_semaphore, #tpu.memory_space<semaphore_mem>>)
        } else {
        }
      } else {
      }
      %mul3A_36 = arith.constant 2 : i32
      %mul3A_37 = arith.muli %scan3A_29, %mul3A_36 : i32
      %add3A_38 = arith.constant 1 : i32
      %add3A_39 = arith.addi %mul3A_37, %add3A_38 : i32
      %lt3A_40 = arith.constant 79 : i32
      %lt3A_41 = arith.cmpi slt, %add3A_39, %lt3A_40 : i32
      %convert_element_type3A_42 = arith.extui %lt3A_41 : i1 to i32
      %cond3A_43 = arith.constant 0 : i32
      %cond3A_44 = arith.cmpi ne, %convert_element_type3A_42, %cond3A_43 : i32
      scf.if %cond3A_44 {
        %dma_wait3A = arith.constant 0 : i32
        %dma_wait3A_45 = tpu.memref_slice %arg2[%dma_wait3A] : memref<323584xi32, #tpu.memory_space<hbm>> -> memref<128xi32, #tpu.memory_space<hbm>>
        %dma_wait3A_46 = arith.constant 0 : i32
        %dma_wait3A_47 = tpu.memref_slice %arg2[%dma_wait3A_46] : memref<323584xi32, #tpu.memory_space<hbm>> -> memref<128xi32, #tpu.memory_space<hbm>>
        tpu.wait_dma2 semaphore(%arg16 : memref<!tpu.dma_semaphore, #tpu.memory_space<semaphore_mem>>) src(%dma_wait3A_47 : memref<128xi32, #tpu.memory_space<hbm>>) dst(%arg9 : memref<128xi32, #tpu.memory_space<vmem>>)
        %dma_wait3A_48 = arith.constant 0 : i32
        %dma_wait3A_49 = tpu.memref_slice %arg3[%dma_wait3A_48] : memref<323584xi32, #tpu.memory_space<hbm>> -> memref<128xi32, #tpu.memory_space<hbm>>
        %dma_wait3A_50 = arith.constant 0 : i32
        %dma_wait3A_51 = tpu.memref_slice %arg3[%dma_wait3A_50] : memref<323584xi32, #tpu.memory_space<hbm>> -> memref<128xi32, #tpu.memory_space<hbm>>
        tpu.wait_dma2 semaphore(%arg18 : memref<!tpu.dma_semaphore, #tpu.memory_space<semaphore_mem>>) src(%dma_wait3A_51 : memref<128xi32, #tpu.memory_space<hbm>>) dst(%arg11 : memref<128xi32, #tpu.memory_space<vmem>>)
        "tpu.region"() ({
          %run_scoped3A = tpu.sem_alloc : memref<!tpu.dma_semaphore, #tpu.memory_space<semaphore_mem>>
          %dma_start3A_59 = arith.constant 0 : i32
          %dma_start3A_60 = arith.constant 0 : i32
          %dma_start3A_61 = tpu.memref_slice %arg14[%dma_start3A_59, %dma_start3A_60] : memref<10240x128xf32, #tpu.memory_space<vmem_shared>> -> memref<10240x128xf32, #tpu.memory_space<vmem_shared>>
          tpu.enqueue_indirect_dma source(%arg12 : memref<128x128xf32, #tpu.memory_space<vmem>>) target(%dma_start3A_61 : memref<10240x128xf32, #tpu.memory_space<vmem_shared>>) offsets(%arg9 : memref<128xi32, #tpu.memory_space<vmem>>) semaphore(%run_scoped3A : memref<!tpu.dma_semaphore, #tpu.memory_space<semaphore_mem>>) {add = true}
          %dma_wait3A_62 = arith.constant 0 : i32
          %dma_wait3A_63 = arith.constant 0 : i32
          %dma_wait3A_64 = tpu.memref_slice %arg14[%dma_wait3A_62, %dma_wait3A_63] : memref<10240x128xf32, #tpu.memory_space<vmem_shared>> -> memref<10240x128xf32, #tpu.memory_space<vmem_shared>>
          tpu.wait_indirect_dma semaphore(%run_scoped3A : memref<!tpu.dma_semaphore, #tpu.memory_space<semaphore_mem>>) src(%arg12 : memref<128x128xf32, #tpu.memory_space<vmem>>) dst(%dma_wait3A_64 : memref<10240x128xf32, #tpu.memory_space<vmem_shared>>)
          tpu.yield
        }) : () -> ()
        "tpu.region"() ({
          %run_scoped3A = tpu.sem_alloc : memref<!tpu.dma_semaphore, #tpu.memory_space<semaphore_mem>>
          %dma_start3A_59 = arith.constant 0 : i32
          %dma_start3A_60 = arith.constant 0 : i32
          %dma_start3A_61 = tpu.memref_slice %arg14[%dma_start3A_59, %dma_start3A_60] : memref<10240x128xf32, #tpu.memory_space<vmem_shared>> -> memref<10240x128xf32, #tpu.memory_space<vmem_shared>>
          tpu.enqueue_indirect_dma source(%arg13 : memref<128x128xf32, #tpu.memory_space<vmem>>) target(%dma_start3A_61 : memref<10240x128xf32, #tpu.memory_space<vmem_shared>>) offsets(%arg11 : memref<128xi32, #tpu.memory_space<vmem>>) semaphore(%run_scoped3A : memref<!tpu.dma_semaphore, #tpu.memory_space<semaphore_mem>>) {add = true}
          %dma_wait3A_62 = arith.constant 0 : i32
          %dma_wait3A_63 = arith.constant 0 : i32
          %dma_wait3A_64 = tpu.memref_slice %arg14[%dma_wait3A_62, %dma_wait3A_63] : memref<10240x128xf32, #tpu.memory_space<vmem_shared>> -> memref<10240x128xf32, #tpu.memory_space<vmem_shared>>
          tpu.wait_indirect_dma semaphore(%run_scoped3A : memref<!tpu.dma_semaphore, #tpu.memory_space<semaphore_mem>>) src(%arg13 : memref<128x128xf32, #tpu.memory_space<vmem>>) dst(%dma_wait3A_64 : memref<10240x128xf32, #tpu.memory_space<vmem_shared>>)
          tpu.yield
        }) : () -> ()
        %add3A_52 = arith.constant 2 : i32
        %add3A_53 = arith.addi %add3A_39, %add3A_52 : i32
        %lt3A_54 = arith.constant 79 : i32
        %lt3A_55 = arith.cmpi slt, %add3A_53, %lt3A_54 : i32
        %convert_element_type3A_56 = arith.extui %lt3A_55 : i1 to i32
        %cond3A_57 = arith.constant 0 : i32
        %cond3A_58 = arith.cmpi ne, %convert_element_type3A_56, %cond3A_57 : i32
        scf.if %cond3A_58 {
          %mul3A_59 = arith.constant 79 : i32
          %mul3A_60 = arith.muli %add3A, %mul3A_59 : i32
          %add3A_61 = arith.addi %mul3A_60, %add3A_53 : i32
          %mul3A_62 = arith.constant 128 : i32
          %mul3A_63 = arith.muli %add3A_61, %mul3A_62 : i32
          %multiple_of3A_64 = tpu.assume_multiple %mul3A_63, 128 : i32
          %dma_start3A_65 = tpu.memref_slice %arg2[%multiple_of3A_64] : memref<323584xi32, #tpu.memory_space<hbm>> -> memref<128xi32, #tpu.memory_space<hbm>>
          %dma_start3A_66 = tpu.memref_slice %arg2[%multiple_of3A_64] : memref<323584xi32, #tpu.memory_space<hbm>> -> memref<128xi32, #tpu.memory_space<hbm>>
          tpu.enqueue_dma source(%dma_start3A_66 : memref<128xi32, #tpu.memory_space<hbm>>) target(%arg9 : memref<128xi32, #tpu.memory_space<vmem>>) target_semaphore(%arg16 : memref<!tpu.dma_semaphore, #tpu.memory_space<semaphore_mem>>)
          %dma_start3A_67 = tpu.memref_slice %arg3[%multiple_of3A_64] : memref<323584xi32, #tpu.memory_space<hbm>> -> memref<128xi32, #tpu.memory_space<hbm>>
          %dma_start3A_68 = tpu.memref_slice %arg3[%multiple_of3A_64] : memref<323584xi32, #tpu.memory_space<hbm>> -> memref<128xi32, #tpu.memory_space<hbm>>
          tpu.enqueue_dma source(%dma_start3A_68 : memref<128xi32, #tpu.memory_space<hbm>>) target(%arg11 : memref<128xi32, #tpu.memory_space<vmem>>) target_semaphore(%arg18 : memref<!tpu.dma_semaphore, #tpu.memory_space<semaphore_mem>>)
        } else {
        }
      } else {
      }
    }
    %scan3A_27 = arith.constant 40 : i32
    %barrier3A_28 = arith.constant 0 : index
    tpu.barrier barrier_id(%barrier3A_28)
    "tpu.region"() ({
      %run_scoped3A = tpu.sem_alloc : memref<!tpu.dma_semaphore, #tpu.memory_space<semaphore_mem>>
      %dma_start3A_29 = arith.constant 0 : i32
      %dma_start3A_30 = tpu.memref_slice %arg7[%arg0, %mul3A_2, %dma_start3A_29] : memref<2x10240x128xf32, #tpu.memory_space<hbm>> -> memref<1x640x128xf32, #tpu.memory_space<hbm>>
      %dma_start3A_31 = tpu.memref_squeeze %dma_start3A_30 : memref<1x640x128xf32, #tpu.memory_space<hbm>> -> memref<640x128xf32, #tpu.memory_space<hbm>>
      %dma_start3A_32 = arith.constant 0 : i32
      %dma_start3A_33 = tpu.memref_slice %arg14[%mul3A_2, %dma_start3A_32] : memref<10240x128xf32, #tpu.memory_space<vmem_shared>> -> memref<640x128xf32, #tpu.memory_space<vmem_shared>>
      tpu.enqueue_dma source(%dma_start3A_33 : memref<640x128xf32, #tpu.memory_space<vmem_shared>>) target(%dma_start3A_31 : memref<640x128xf32, #tpu.memory_space<hbm>>) target_semaphore(%run_scoped3A : memref<!tpu.dma_semaphore, #tpu.memory_space<semaphore_mem>>)
      %dma_wait3A = arith.constant 0 : i32
      %dma_wait3A_34 = tpu.memref_slice %arg7[%arg0, %mul3A_2, %dma_wait3A] : memref<2x10240x128xf32, #tpu.memory_space<hbm>> -> memref<1x640x128xf32, #tpu.memory_space<hbm>>
      %dma_wait3A_35 = tpu.memref_squeeze %dma_wait3A_34 : memref<1x640x128xf32, #tpu.memory_space<hbm>> -> memref<640x128xf32, #tpu.memory_space<hbm>>
      %dma_wait3A_36 = arith.constant 0 : i32
      %dma_wait3A_37 = tpu.memref_slice %arg14[%mul3A_2, %dma_wait3A_36] : memref<10240x128xf32, #tpu.memory_space<vmem_shared>> -> memref<640x128xf32, #tpu.memory_space<vmem_shared>>
      tpu.wait_dma2 semaphore(%run_scoped3A : memref<!tpu.dma_semaphore, #tpu.memory_space<semaphore_mem>>) src(%dma_wait3A_37 : memref<640x128xf32, #tpu.memory_space<vmem_shared>>) dst(%dma_wait3A_35 : memref<640x128xf32, #tpu.memory_space<hbm>>)
      tpu.yield
    }) : () -> ()
    return
  }
}

#map = affine_map<(d0, d1) -> (0, 0)>
#map1 = affine_map<(d0, d1) -> (0)>
#map2 = affine_map<(d0, d1) -> (0, 0, 0)>
module attributes {stable_mosaic.version = 14 : i64} {
  func.func @edge_kernel(%arg0: i32, %arg1: i32, %arg2: memref<10240x128xf32, #tpu.memory_space<hbm>>, %arg3: memref<323584xi32, #tpu.memory_space<hbm>>, %arg4: memref<323584xi32, #tpu.memory_space<hbm>>, %arg5: memref<640x128xf32, #tpu.memory_space<hbm>>, %arg6: memref<2x10240x128xf32, #tpu.memory_space<hbm>>, %arg7: memref<128xi32, #tpu.memory_space<vmem>>, %arg8: memref<128xi32, #tpu.memory_space<vmem>>, %arg9: memref<128xi32, #tpu.memory_space<vmem>>, %arg10: memref<128xi32, #tpu.memory_space<vmem>>, %arg11: memref<128x128xf32, #tpu.memory_space<vmem>>, %arg12: memref<128x128xf32, #tpu.memory_space<vmem>>, %arg13: memref<10240x128xf32, #tpu.memory_space<vmem_shared>>, %arg14: memref<!tpu.dma_semaphore, #tpu.memory_space<semaphore_mem>>, %arg15: memref<!tpu.dma_semaphore, #tpu.memory_space<semaphore_mem>>, %arg16: memref<!tpu.dma_semaphore, #tpu.memory_space<semaphore_mem>>, %arg17: memref<!tpu.dma_semaphore, #tpu.memory_space<semaphore_mem>>, %arg18: memref<!tpu.dma_semaphore, #tpu.memory_space<semaphore_mem>>, %arg19: memref<!tpu.dma_semaphore, #tpu.memory_space<semaphore_mem>>) attributes {dimension_semantics = [#tpu.dimension_semantics<core_parallel>, #tpu.dimension_semantics<subcore_parallel>], iteration_bounds = array<i64: 2, 16>, scalar_prefetch = 0 : i64, scratch_operands = 13 : i64, tpu.core_type = #tpu.core_type<sc_vector_subcore>, window_params = [{transform_indices = #map}, {transform_indices = #map1}, {transform_indices = #map1}, {transform_indices = #map}, {transform_indices = #map2}]} {
    %mul3A = arith.constant 640 : i32
    %mul3A_0 = arith.muli %arg1, %mul3A : i32
    %eq3A = arith.constant 0 : i32
    %eq3A_1 = arith.cmpi eq, %arg0, %eq3A : i32
    %select_n3A = arith.constant 16 : i32
    %select_n3A_2 = arith.constant 142 : i32
    %select_n3A_3 = arith.select %eq3A_1, %select_n3A_2, %select_n3A : i32
    %eq3A_4 = arith.constant 0 : i32
    %eq3A_5 = arith.cmpi eq, %arg0, %eq3A_4 : i32
    %mul3A_6 = arith.constant 142 : i32
    %mul3A_7 = arith.muli %arg1, %mul3A_6 : i32
    %mul3A_8 = arith.constant 16 : i32
    %mul3A_9 = arith.muli %arg1, %mul3A_8 : i32
    %add3A = arith.constant 2272 : i32
    %add3A_10 = arith.addi %add3A, %mul3A_9 : i32
    %select_n3A_11 = arith.select %eq3A_5, %mul3A_7, %add3A_10 : i32
    "tpu.region"() ({
      %run_scoped3A = tpu.sem_alloc : memref<!tpu.dma_semaphore, #tpu.memory_space<semaphore_mem>>
      %dma_start3A = arith.constant 0 : i32
      %dma_start3A_25 = tpu.memref_slice %arg13[%mul3A_0, %dma_start3A] : memref<10240x128xf32, #tpu.memory_space<vmem_shared>> -> memref<640x128xf32, #tpu.memory_space<vmem_shared>>
      tpu.enqueue_dma source(%arg5 : memref<640x128xf32, #tpu.memory_space<hbm>>) target(%dma_start3A_25 : memref<640x128xf32, #tpu.memory_space<vmem_shared>>) target_semaphore(%run_scoped3A : memref<!tpu.dma_semaphore, #tpu.memory_space<semaphore_mem>>)
      %dma_wait3A = arith.constant 0 : i32
      %dma_wait3A_26 = tpu.memref_slice %arg13[%mul3A_0, %dma_wait3A] : memref<10240x128xf32, #tpu.memory_space<vmem_shared>> -> memref<640x128xf32, #tpu.memory_space<vmem_shared>>
      tpu.wait_dma2 semaphore(%run_scoped3A : memref<!tpu.dma_semaphore, #tpu.memory_space<semaphore_mem>>) src(%arg5 : memref<640x128xf32, #tpu.memory_space<hbm>>) dst(%dma_wait3A_26 : memref<640x128xf32, #tpu.memory_space<vmem_shared>>)
      tpu.yield
    }) : () -> ()
    %gt3A = arith.constant 0 : i32
    %gt3A_12 = arith.cmpi sgt, %select_n3A_3, %gt3A : i32
    %convert_element_type3A = arith.extui %gt3A_12 : i1 to i32
    %cond3A = arith.constant 0 : i32
    %cond3A_13 = arith.cmpi ne, %convert_element_type3A, %cond3A : i32
    scf.if %cond3A_13 {
      %add3A_25 = arith.constant 0 : i32
      %add3A_26 = arith.addi %select_n3A_11, %add3A_25 : i32
      %mul3A_27 = arith.constant 128 : i32
      %mul3A_28 = arith.muli %add3A_26, %mul3A_27 : i32
      %multiple_of3A = tpu.assume_multiple %mul3A_28, 128 : i32
      %dma_start3A = tpu.memref_slice %arg3[%multiple_of3A] : memref<323584xi32, #tpu.memory_space<hbm>> -> memref<128xi32, #tpu.memory_space<hbm>>
      %dma_start3A_29 = tpu.memref_slice %arg3[%multiple_of3A] : memref<323584xi32, #tpu.memory_space<hbm>> -> memref<128xi32, #tpu.memory_space<hbm>>
      tpu.enqueue_dma source(%dma_start3A_29 : memref<128xi32, #tpu.memory_space<hbm>>) target(%arg7 : memref<128xi32, #tpu.memory_space<vmem>>) target_semaphore(%arg16 : memref<!tpu.dma_semaphore, #tpu.memory_space<semaphore_mem>>)
      %dma_start3A_30 = tpu.memref_slice %arg4[%multiple_of3A] : memref<323584xi32, #tpu.memory_space<hbm>> -> memref<128xi32, #tpu.memory_space<hbm>>
      %dma_start3A_31 = tpu.memref_slice %arg4[%multiple_of3A] : memref<323584xi32, #tpu.memory_space<hbm>> -> memref<128xi32, #tpu.memory_space<hbm>>
      tpu.enqueue_dma source(%dma_start3A_31 : memref<128xi32, #tpu.memory_space<hbm>>) target(%arg9 : memref<128xi32, #tpu.memory_space<vmem>>) target_semaphore(%arg18 : memref<!tpu.dma_semaphore, #tpu.memory_space<semaphore_mem>>)
      %dma_wait3A = arith.constant 0 : i32
      %dma_wait3A_32 = tpu.memref_slice %arg3[%dma_wait3A] : memref<323584xi32, #tpu.memory_space<hbm>> -> memref<128xi32, #tpu.memory_space<hbm>>
      %dma_wait3A_33 = arith.constant 0 : i32
      %dma_wait3A_34 = tpu.memref_slice %arg3[%dma_wait3A_33] : memref<323584xi32, #tpu.memory_space<hbm>> -> memref<128xi32, #tpu.memory_space<hbm>>
      tpu.wait_dma2 semaphore(%arg16 : memref<!tpu.dma_semaphore, #tpu.memory_space<semaphore_mem>>) src(%dma_wait3A_34 : memref<128xi32, #tpu.memory_space<hbm>>) dst(%arg7 : memref<128xi32, #tpu.memory_space<vmem>>)
      %dma_start3A_35 = arith.constant 0 : i32
      %dma_start3A_36 = arith.constant 0 : i32
      %dma_start3A_37 = tpu.memref_slice %arg2[%dma_start3A_35, %dma_start3A_36] : memref<10240x128xf32, #tpu.memory_space<hbm>> -> memref<10240x128xf32, #tpu.memory_space<hbm>>
      tpu.enqueue_indirect_dma source(%dma_start3A_37 : memref<10240x128xf32, #tpu.memory_space<hbm>>) target(%arg11 : memref<128x128xf32, #tpu.memory_space<vmem>>) offsets(%arg7 : memref<128xi32, #tpu.memory_space<vmem>>) semaphore(%arg14 : memref<!tpu.dma_semaphore, #tpu.memory_space<semaphore_mem>>)
    } else {
    }
    %gt3A_14 = arith.constant 1 : i32
    %gt3A_15 = arith.cmpi sgt, %select_n3A_3, %gt3A_14 : i32
    %convert_element_type3A_16 = arith.extui %gt3A_15 : i1 to i32
    %cond3A_17 = arith.constant 0 : i32
    %cond3A_18 = arith.cmpi ne, %convert_element_type3A_16, %cond3A_17 : i32
    scf.if %cond3A_18 {
      %add3A_25 = arith.constant 1 : i32
      %add3A_26 = arith.addi %select_n3A_11, %add3A_25 : i32
      %mul3A_27 = arith.constant 128 : i32
      %mul3A_28 = arith.muli %add3A_26, %mul3A_27 : i32
      %multiple_of3A = tpu.assume_multiple %mul3A_28, 128 : i32
      %dma_start3A = tpu.memref_slice %arg3[%multiple_of3A] : memref<323584xi32, #tpu.memory_space<hbm>> -> memref<128xi32, #tpu.memory_space<hbm>>
      %dma_start3A_29 = tpu.memref_slice %arg3[%multiple_of3A] : memref<323584xi32, #tpu.memory_space<hbm>> -> memref<128xi32, #tpu.memory_space<hbm>>
      tpu.enqueue_dma source(%dma_start3A_29 : memref<128xi32, #tpu.memory_space<hbm>>) target(%arg8 : memref<128xi32, #tpu.memory_space<vmem>>) target_semaphore(%arg17 : memref<!tpu.dma_semaphore, #tpu.memory_space<semaphore_mem>>)
      %dma_start3A_30 = tpu.memref_slice %arg4[%multiple_of3A] : memref<323584xi32, #tpu.memory_space<hbm>> -> memref<128xi32, #tpu.memory_space<hbm>>
      %dma_start3A_31 = tpu.memref_slice %arg4[%multiple_of3A] : memref<323584xi32, #tpu.memory_space<hbm>> -> memref<128xi32, #tpu.memory_space<hbm>>
      tpu.enqueue_dma source(%dma_start3A_31 : memref<128xi32, #tpu.memory_space<hbm>>) target(%arg10 : memref<128xi32, #tpu.memory_space<vmem>>) target_semaphore(%arg19 : memref<!tpu.dma_semaphore, #tpu.memory_space<semaphore_mem>>)
      %dma_wait3A = arith.constant 0 : i32
      %dma_wait3A_32 = tpu.memref_slice %arg3[%dma_wait3A] : memref<323584xi32, #tpu.memory_space<hbm>> -> memref<128xi32, #tpu.memory_space<hbm>>
      %dma_wait3A_33 = arith.constant 0 : i32
      %dma_wait3A_34 = tpu.memref_slice %arg3[%dma_wait3A_33] : memref<323584xi32, #tpu.memory_space<hbm>> -> memref<128xi32, #tpu.memory_space<hbm>>
      tpu.wait_dma2 semaphore(%arg17 : memref<!tpu.dma_semaphore, #tpu.memory_space<semaphore_mem>>) src(%dma_wait3A_34 : memref<128xi32, #tpu.memory_space<hbm>>) dst(%arg8 : memref<128xi32, #tpu.memory_space<vmem>>)
      %dma_start3A_35 = arith.constant 0 : i32
      %dma_start3A_36 = arith.constant 0 : i32
      %dma_start3A_37 = tpu.memref_slice %arg2[%dma_start3A_35, %dma_start3A_36] : memref<10240x128xf32, #tpu.memory_space<hbm>> -> memref<10240x128xf32, #tpu.memory_space<hbm>>
      tpu.enqueue_indirect_dma source(%dma_start3A_37 : memref<10240x128xf32, #tpu.memory_space<hbm>>) target(%arg12 : memref<128x128xf32, #tpu.memory_space<vmem>>) offsets(%arg8 : memref<128xi32, #tpu.memory_space<vmem>>) semaphore(%arg15 : memref<!tpu.dma_semaphore, #tpu.memory_space<semaphore_mem>>)
    } else {
    }
    %barrier3A = arith.constant 0 : index
    tpu.barrier barrier_id(%barrier3A)
    %scan3A = arith.constant 0 : i32
    %scan3A_19 = arith.constant 0 : i32
    %scan3A_20 = arith.constant 71 : i32
    %scan3A_21 = arith.addi %scan3A_19, %scan3A_20 : i32
    %scan3A_22 = arith.constant 1 : i32
    scf.for %scan3A_25 = %scan3A_19 to %scan3A_21 step %scan3A_22  : i32 {
      %mul3A_26 = arith.constant 2 : i32
      %mul3A_27 = arith.muli %scan3A_25, %mul3A_26 : i32
      %add3A_28 = arith.constant 0 : i32
      %add3A_29 = arith.addi %mul3A_27, %add3A_28 : i32
      %lt3A = arith.cmpi slt, %add3A_29, %select_n3A_3 : i32
      %convert_element_type3A_30 = arith.extui %lt3A : i1 to i32
      %cond3A_31 = arith.constant 0 : i32
      %cond3A_32 = arith.cmpi ne, %convert_element_type3A_30, %cond3A_31 : i32
      scf.if %cond3A_32 {
        %dma_wait3A = arith.constant 0 : i32
        %dma_wait3A_41 = arith.constant 0 : i32
        %dma_wait3A_42 = tpu.memref_slice %arg2[%dma_wait3A, %dma_wait3A_41] : memref<10240x128xf32, #tpu.memory_space<hbm>> -> memref<10240x128xf32, #tpu.memory_space<hbm>>
        tpu.wait_indirect_dma semaphore(%arg14 : memref<!tpu.dma_semaphore, #tpu.memory_space<semaphore_mem>>) src(%dma_wait3A_42 : memref<10240x128xf32, #tpu.memory_space<hbm>>) dst(%arg11 : memref<128x128xf32, #tpu.memory_space<vmem>>)
        %dma_wait3A_43 = arith.constant 0 : i32
        %dma_wait3A_44 = tpu.memref_slice %arg4[%dma_wait3A_43] : memref<323584xi32, #tpu.memory_space<hbm>> -> memref<128xi32, #tpu.memory_space<hbm>>
        %dma_wait3A_45 = arith.constant 0 : i32
        %dma_wait3A_46 = tpu.memref_slice %arg4[%dma_wait3A_45] : memref<323584xi32, #tpu.memory_space<hbm>> -> memref<128xi32, #tpu.memory_space<hbm>>
        tpu.wait_dma2 semaphore(%arg18 : memref<!tpu.dma_semaphore, #tpu.memory_space<semaphore_mem>>) src(%dma_wait3A_46 : memref<128xi32, #tpu.memory_space<hbm>>) dst(%arg9 : memref<128xi32, #tpu.memory_space<vmem>>)
        "tpu.region"() ({
          %run_scoped3A = tpu.sem_alloc : memref<!tpu.dma_semaphore, #tpu.memory_space<semaphore_mem>>
          %dma_start3A = arith.constant 0 : i32
          %dma_start3A_53 = arith.constant 0 : i32
          %dma_start3A_54 = tpu.memref_slice %arg13[%dma_start3A, %dma_start3A_53] : memref<10240x128xf32, #tpu.memory_space<vmem_shared>> -> memref<10240x128xf32, #tpu.memory_space<vmem_shared>>
          tpu.enqueue_indirect_dma source(%arg11 : memref<128x128xf32, #tpu.memory_space<vmem>>) target(%dma_start3A_54 : memref<10240x128xf32, #tpu.memory_space<vmem_shared>>) offsets(%arg9 : memref<128xi32, #tpu.memory_space<vmem>>) semaphore(%run_scoped3A : memref<!tpu.dma_semaphore, #tpu.memory_space<semaphore_mem>>) {add = true}
          %dma_wait3A_55 = arith.constant 0 : i32
          %dma_wait3A_56 = arith.constant 0 : i32
          %dma_wait3A_57 = tpu.memref_slice %arg13[%dma_wait3A_55, %dma_wait3A_56] : memref<10240x128xf32, #tpu.memory_space<vmem_shared>> -> memref<10240x128xf32, #tpu.memory_space<vmem_shared>>
          tpu.wait_indirect_dma semaphore(%run_scoped3A : memref<!tpu.dma_semaphore, #tpu.memory_space<semaphore_mem>>) src(%arg11 : memref<128x128xf32, #tpu.memory_space<vmem>>) dst(%dma_wait3A_57 : memref<10240x128xf32, #tpu.memory_space<vmem_shared>>)
          tpu.yield
        }) : () -> ()
        %add3A_47 = arith.constant 2 : i32
        %add3A_48 = arith.addi %add3A_29, %add3A_47 : i32
        %lt3A_49 = arith.cmpi slt, %add3A_48, %select_n3A_3 : i32
        %convert_element_type3A_50 = arith.extui %lt3A_49 : i1 to i32
        %cond3A_51 = arith.constant 0 : i32
        %cond3A_52 = arith.cmpi ne, %convert_element_type3A_50, %cond3A_51 : i32
        scf.if %cond3A_52 {
          %add3A_53 = arith.addi %select_n3A_11, %add3A_48 : i32
          %mul3A_54 = arith.constant 128 : i32
          %mul3A_55 = arith.muli %add3A_53, %mul3A_54 : i32
          %multiple_of3A = tpu.assume_multiple %mul3A_55, 128 : i32
          %dma_start3A = tpu.memref_slice %arg3[%multiple_of3A] : memref<323584xi32, #tpu.memory_space<hbm>> -> memref<128xi32, #tpu.memory_space<hbm>>
          %dma_start3A_56 = tpu.memref_slice %arg3[%multiple_of3A] : memref<323584xi32, #tpu.memory_space<hbm>> -> memref<128xi32, #tpu.memory_space<hbm>>
          tpu.enqueue_dma source(%dma_start3A_56 : memref<128xi32, #tpu.memory_space<hbm>>) target(%arg7 : memref<128xi32, #tpu.memory_space<vmem>>) target_semaphore(%arg16 : memref<!tpu.dma_semaphore, #tpu.memory_space<semaphore_mem>>)
          %dma_start3A_57 = tpu.memref_slice %arg4[%multiple_of3A] : memref<323584xi32, #tpu.memory_space<hbm>> -> memref<128xi32, #tpu.memory_space<hbm>>
          %dma_start3A_58 = tpu.memref_slice %arg4[%multiple_of3A] : memref<323584xi32, #tpu.memory_space<hbm>> -> memref<128xi32, #tpu.memory_space<hbm>>
          tpu.enqueue_dma source(%dma_start3A_58 : memref<128xi32, #tpu.memory_space<hbm>>) target(%arg9 : memref<128xi32, #tpu.memory_space<vmem>>) target_semaphore(%arg18 : memref<!tpu.dma_semaphore, #tpu.memory_space<semaphore_mem>>)
          %dma_wait3A_59 = arith.constant 0 : i32
          %dma_wait3A_60 = tpu.memref_slice %arg3[%dma_wait3A_59] : memref<323584xi32, #tpu.memory_space<hbm>> -> memref<128xi32, #tpu.memory_space<hbm>>
          %dma_wait3A_61 = arith.constant 0 : i32
          %dma_wait3A_62 = tpu.memref_slice %arg3[%dma_wait3A_61] : memref<323584xi32, #tpu.memory_space<hbm>> -> memref<128xi32, #tpu.memory_space<hbm>>
          tpu.wait_dma2 semaphore(%arg16 : memref<!tpu.dma_semaphore, #tpu.memory_space<semaphore_mem>>) src(%dma_wait3A_62 : memref<128xi32, #tpu.memory_space<hbm>>) dst(%arg7 : memref<128xi32, #tpu.memory_space<vmem>>)
          %dma_start3A_63 = arith.constant 0 : i32
          %dma_start3A_64 = arith.constant 0 : i32
          %dma_start3A_65 = tpu.memref_slice %arg2[%dma_start3A_63, %dma_start3A_64] : memref<10240x128xf32, #tpu.memory_space<hbm>> -> memref<10240x128xf32, #tpu.memory_space<hbm>>
          tpu.enqueue_indirect_dma source(%dma_start3A_65 : memref<10240x128xf32, #tpu.memory_space<hbm>>) target(%arg11 : memref<128x128xf32, #tpu.memory_space<vmem>>) offsets(%arg7 : memref<128xi32, #tpu.memory_space<vmem>>) semaphore(%arg14 : memref<!tpu.dma_semaphore, #tpu.memory_space<semaphore_mem>>)
        } else {
        }
      } else {
      }
      %mul3A_33 = arith.constant 2 : i32
      %mul3A_34 = arith.muli %scan3A_25, %mul3A_33 : i32
      %add3A_35 = arith.constant 1 : i32
      %add3A_36 = arith.addi %mul3A_34, %add3A_35 : i32
      %lt3A_37 = arith.cmpi slt, %add3A_36, %select_n3A_3 : i32
      %convert_element_type3A_38 = arith.extui %lt3A_37 : i1 to i32
      %cond3A_39 = arith.constant 0 : i32
      %cond3A_40 = arith.cmpi ne, %convert_element_type3A_38, %cond3A_39 : i32
      scf.if %cond3A_40 {
        %dma_wait3A = arith.constant 0 : i32
        %dma_wait3A_41 = arith.constant 0 : i32
        %dma_wait3A_42 = tpu.memref_slice %arg2[%dma_wait3A, %dma_wait3A_41] : memref<10240x128xf32, #tpu.memory_space<hbm>> -> memref<10240x128xf32, #tpu.memory_space<hbm>>
        tpu.wait_indirect_dma semaphore(%arg15 : memref<!tpu.dma_semaphore, #tpu.memory_space<semaphore_mem>>) src(%dma_wait3A_42 : memref<10240x128xf32, #tpu.memory_space<hbm>>) dst(%arg12 : memref<128x128xf32, #tpu.memory_space<vmem>>)
        %dma_wait3A_43 = arith.constant 0 : i32
        %dma_wait3A_44 = tpu.memref_slice %arg4[%dma_wait3A_43] : memref<323584xi32, #tpu.memory_space<hbm>> -> memref<128xi32, #tpu.memory_space<hbm>>
        %dma_wait3A_45 = arith.constant 0 : i32
        %dma_wait3A_46 = tpu.memref_slice %arg4[%dma_wait3A_45] : memref<323584xi32, #tpu.memory_space<hbm>> -> memref<128xi32, #tpu.memory_space<hbm>>
        tpu.wait_dma2 semaphore(%arg19 : memref<!tpu.dma_semaphore, #tpu.memory_space<semaphore_mem>>) src(%dma_wait3A_46 : memref<128xi32, #tpu.memory_space<hbm>>) dst(%arg10 : memref<128xi32, #tpu.memory_space<vmem>>)
        "tpu.region"() ({
          %run_scoped3A = tpu.sem_alloc : memref<!tpu.dma_semaphore, #tpu.memory_space<semaphore_mem>>
          %dma_start3A = arith.constant 0 : i32
          %dma_start3A_53 = arith.constant 0 : i32
          %dma_start3A_54 = tpu.memref_slice %arg13[%dma_start3A, %dma_start3A_53] : memref<10240x128xf32, #tpu.memory_space<vmem_shared>> -> memref<10240x128xf32, #tpu.memory_space<vmem_shared>>
          tpu.enqueue_indirect_dma source(%arg12 : memref<128x128xf32, #tpu.memory_space<vmem>>) target(%dma_start3A_54 : memref<10240x128xf32, #tpu.memory_space<vmem_shared>>) offsets(%arg10 : memref<128xi32, #tpu.memory_space<vmem>>) semaphore(%run_scoped3A : memref<!tpu.dma_semaphore, #tpu.memory_space<semaphore_mem>>) {add = true}
          %dma_wait3A_55 = arith.constant 0 : i32
          %dma_wait3A_56 = arith.constant 0 : i32
          %dma_wait3A_57 = tpu.memref_slice %arg13[%dma_wait3A_55, %dma_wait3A_56] : memref<10240x128xf32, #tpu.memory_space<vmem_shared>> -> memref<10240x128xf32, #tpu.memory_space<vmem_shared>>
          tpu.wait_indirect_dma semaphore(%run_scoped3A : memref<!tpu.dma_semaphore, #tpu.memory_space<semaphore_mem>>) src(%arg12 : memref<128x128xf32, #tpu.memory_space<vmem>>) dst(%dma_wait3A_57 : memref<10240x128xf32, #tpu.memory_space<vmem_shared>>)
          tpu.yield
        }) : () -> ()
        %add3A_47 = arith.constant 2 : i32
        %add3A_48 = arith.addi %add3A_36, %add3A_47 : i32
        %lt3A_49 = arith.cmpi slt, %add3A_48, %select_n3A_3 : i32
        %convert_element_type3A_50 = arith.extui %lt3A_49 : i1 to i32
        %cond3A_51 = arith.constant 0 : i32
        %cond3A_52 = arith.cmpi ne, %convert_element_type3A_50, %cond3A_51 : i32
        scf.if %cond3A_52 {
          %add3A_53 = arith.addi %select_n3A_11, %add3A_48 : i32
          %mul3A_54 = arith.constant 128 : i32
          %mul3A_55 = arith.muli %add3A_53, %mul3A_54 : i32
          %multiple_of3A = tpu.assume_multiple %mul3A_55, 128 : i32
          %dma_start3A = tpu.memref_slice %arg3[%multiple_of3A] : memref<323584xi32, #tpu.memory_space<hbm>> -> memref<128xi32, #tpu.memory_space<hbm>>
          %dma_start3A_56 = tpu.memref_slice %arg3[%multiple_of3A] : memref<323584xi32, #tpu.memory_space<hbm>> -> memref<128xi32, #tpu.memory_space<hbm>>
          tpu.enqueue_dma source(%dma_start3A_56 : memref<128xi32, #tpu.memory_space<hbm>>) target(%arg8 : memref<128xi32, #tpu.memory_space<vmem>>) target_semaphore(%arg17 : memref<!tpu.dma_semaphore, #tpu.memory_space<semaphore_mem>>)
          %dma_start3A_57 = tpu.memref_slice %arg4[%multiple_of3A] : memref<323584xi32, #tpu.memory_space<hbm>> -> memref<128xi32, #tpu.memory_space<hbm>>
          %dma_start3A_58 = tpu.memref_slice %arg4[%multiple_of3A] : memref<323584xi32, #tpu.memory_space<hbm>> -> memref<128xi32, #tpu.memory_space<hbm>>
          tpu.enqueue_dma source(%dma_start3A_58 : memref<128xi32, #tpu.memory_space<hbm>>) target(%arg10 : memref<128xi32, #tpu.memory_space<vmem>>) target_semaphore(%arg19 : memref<!tpu.dma_semaphore, #tpu.memory_space<semaphore_mem>>)
          %dma_wait3A_59 = arith.constant 0 : i32
          %dma_wait3A_60 = tpu.memref_slice %arg3[%dma_wait3A_59] : memref<323584xi32, #tpu.memory_space<hbm>> -> memref<128xi32, #tpu.memory_space<hbm>>
          %dma_wait3A_61 = arith.constant 0 : i32
          %dma_wait3A_62 = tpu.memref_slice %arg3[%dma_wait3A_61] : memref<323584xi32, #tpu.memory_space<hbm>> -> memref<128xi32, #tpu.memory_space<hbm>>
          tpu.wait_dma2 semaphore(%arg17 : memref<!tpu.dma_semaphore, #tpu.memory_space<semaphore_mem>>) src(%dma_wait3A_62 : memref<128xi32, #tpu.memory_space<hbm>>) dst(%arg8 : memref<128xi32, #tpu.memory_space<vmem>>)
          %dma_start3A_63 = arith.constant 0 : i32
          %dma_start3A_64 = arith.constant 0 : i32
          %dma_start3A_65 = tpu.memref_slice %arg2[%dma_start3A_63, %dma_start3A_64] : memref<10240x128xf32, #tpu.memory_space<hbm>> -> memref<10240x128xf32, #tpu.memory_space<hbm>>
          tpu.enqueue_indirect_dma source(%dma_start3A_65 : memref<10240x128xf32, #tpu.memory_space<hbm>>) target(%arg12 : memref<128x128xf32, #tpu.memory_space<vmem>>) offsets(%arg8 : memref<128xi32, #tpu.memory_space<vmem>>) semaphore(%arg15 : memref<!tpu.dma_semaphore, #tpu.memory_space<semaphore_mem>>)
        } else {
        }
      } else {
      }
    }
    %scan3A_23 = arith.constant 71 : i32
    %barrier3A_24 = arith.constant 0 : index
    tpu.barrier barrier_id(%barrier3A_24)
    "tpu.region"() ({
      %run_scoped3A = tpu.sem_alloc : memref<!tpu.dma_semaphore, #tpu.memory_space<semaphore_mem>>
      %dma_start3A = arith.constant 0 : i32
      %dma_start3A_25 = tpu.memref_slice %arg6[%arg0, %mul3A_0, %dma_start3A] : memref<2x10240x128xf32, #tpu.memory_space<hbm>> -> memref<1x640x128xf32, #tpu.memory_space<hbm>>
      %dma_start3A_26 = tpu.memref_squeeze %dma_start3A_25 : memref<1x640x128xf32, #tpu.memory_space<hbm>> -> memref<640x128xf32, #tpu.memory_space<hbm>>
      %dma_start3A_27 = arith.constant 0 : i32
      %dma_start3A_28 = tpu.memref_slice %arg13[%mul3A_0, %dma_start3A_27] : memref<10240x128xf32, #tpu.memory_space<vmem_shared>> -> memref<640x128xf32, #tpu.memory_space<vmem_shared>>
      tpu.enqueue_dma source(%dma_start3A_28 : memref<640x128xf32, #tpu.memory_space<vmem_shared>>) target(%dma_start3A_26 : memref<640x128xf32, #tpu.memory_space<hbm>>) target_semaphore(%run_scoped3A : memref<!tpu.dma_semaphore, #tpu.memory_space<semaphore_mem>>)
      %dma_wait3A = arith.constant 0 : i32
      %dma_wait3A_29 = tpu.memref_slice %arg6[%arg0, %mul3A_0, %dma_wait3A] : memref<2x10240x128xf32, #tpu.memory_space<hbm>> -> memref<1x640x128xf32, #tpu.memory_space<hbm>>
      %dma_wait3A_30 = tpu.memref_squeeze %dma_wait3A_29 : memref<1x640x128xf32, #tpu.memory_space<hbm>> -> memref<640x128xf32, #tpu.memory_space<hbm>>
      %dma_wait3A_31 = arith.constant 0 : i32
      %dma_wait3A_32 = tpu.memref_slice %arg13[%mul3A_0, %dma_wait3A_31] : memref<10240x128xf32, #tpu.memory_space<vmem_shared>> -> memref<640x128xf32, #tpu.memory_space<vmem_shared>>
      tpu.wait_dma2 semaphore(%run_scoped3A : memref<!tpu.dma_semaphore, #tpu.memory_space<semaphore_mem>>) src(%dma_wait3A_32 : memref<640x128xf32, #tpu.memory_space<vmem_shared>>) dst(%dma_wait3A_30 : memref<640x128xf32, #tpu.memory_space<hbm>>)
      tpu.yield
    }) : () -> ()
    return
  }
}

#map = affine_map<(d0, d1) -> (0, 0)>
#map1 = affine_map<(d0, d1) -> (0)>
#map2 = affine_map<(d0, d1) -> (0, 0, 0)>
module attributes {stable_mosaic.version = 14 : i64} {
  func.func @edge_kernel(%arg0: i32, %arg1: i32, %arg2: memref<10240x128xf32, #tpu.memory_space<hbm>>, %arg3: memref<323584xi32, #tpu.memory_space<hbm>>, %arg4: memref<323584xi32, #tpu.memory_space<hbm>>, %arg5: memref<640x128xf32, #tpu.memory_space<hbm>>, %arg6: memref<2x10240x128xf32, #tpu.memory_space<hbm>>, %arg7: memref<128xi32, #tpu.memory_space<vmem>>, %arg8: memref<128xi32, #tpu.memory_space<vmem>>, %arg9: memref<128xi32, #tpu.memory_space<vmem>>, %arg10: memref<128xi32, #tpu.memory_space<vmem>>, %arg11: memref<128x128xf32, #tpu.memory_space<vmem>>, %arg12: memref<128x128xf32, #tpu.memory_space<vmem>>, %arg13: memref<10240x128xf32, #tpu.memory_space<vmem_shared>>, %arg14: memref<!tpu.dma_semaphore, #tpu.memory_space<semaphore_mem>>, %arg15: memref<!tpu.dma_semaphore, #tpu.memory_space<semaphore_mem>>, %arg16: memref<!tpu.dma_semaphore, #tpu.memory_space<semaphore_mem>>, %arg17: memref<!tpu.dma_semaphore, #tpu.memory_space<semaphore_mem>>, %arg18: memref<!tpu.dma_semaphore, #tpu.memory_space<semaphore_mem>>, %arg19: memref<!tpu.dma_semaphore, #tpu.memory_space<semaphore_mem>>) attributes {dimension_semantics = [#tpu.dimension_semantics<core_parallel>, #tpu.dimension_semantics<subcore_parallel>], iteration_bounds = array<i64: 2, 16>, scalar_prefetch = 0 : i64, scratch_operands = 13 : i64, tpu.core_type = #tpu.core_type<sc_vector_subcore>, window_params = [{transform_indices = #map}, {transform_indices = #map1}, {transform_indices = #map1}, {transform_indices = #map}, {transform_indices = #map2}]} {
    %mul3A = arith.constant 640 : i32
    %mul3A_0 = arith.muli %arg1, %mul3A : i32
    %eq3A = arith.constant 0 : i32
    %eq3A_1 = arith.cmpi eq, %arg0, %eq3A : i32
    %select_n3A = arith.constant 16 : i32
    %select_n3A_2 = arith.constant 142 : i32
    %select_n3A_3 = arith.select %eq3A_1, %select_n3A_2, %select_n3A : i32
    %eq3A_4 = arith.constant 0 : i32
    %eq3A_5 = arith.cmpi eq, %arg0, %eq3A_4 : i32
    %mul3A_6 = arith.constant 142 : i32
    %mul3A_7 = arith.muli %arg1, %mul3A_6 : i32
    %mul3A_8 = arith.constant 16 : i32
    %mul3A_9 = arith.muli %arg1, %mul3A_8 : i32
    %add3A = arith.constant 2272 : i32
    %add3A_10 = arith.addi %add3A, %mul3A_9 : i32
    %select_n3A_11 = arith.select %eq3A_5, %mul3A_7, %add3A_10 : i32
    "tpu.region"() ({
      %run_scoped3A = tpu.sem_alloc : memref<!tpu.dma_semaphore, #tpu.memory_space<semaphore_mem>>
      %dma_start3A = arith.constant 0 : i32
      %dma_start3A_25 = tpu.memref_slice %arg13[%mul3A_0, %dma_start3A] : memref<10240x128xf32, #tpu.memory_space<vmem_shared>> -> memref<640x128xf32, #tpu.memory_space<vmem_shared>>
      tpu.enqueue_dma source(%arg5 : memref<640x128xf32, #tpu.memory_space<hbm>>) target(%dma_start3A_25 : memref<640x128xf32, #tpu.memory_space<vmem_shared>>) target_semaphore(%run_scoped3A : memref<!tpu.dma_semaphore, #tpu.memory_space<semaphore_mem>>)
      %dma_wait3A = arith.constant 0 : i32
      %dma_wait3A_26 = tpu.memref_slice %arg13[%mul3A_0, %dma_wait3A] : memref<10240x128xf32, #tpu.memory_space<vmem_shared>> -> memref<640x128xf32, #tpu.memory_space<vmem_shared>>
      tpu.wait_dma2 semaphore(%run_scoped3A : memref<!tpu.dma_semaphore, #tpu.memory_space<semaphore_mem>>) src(%arg5 : memref<640x128xf32, #tpu.memory_space<hbm>>) dst(%dma_wait3A_26 : memref<640x128xf32, #tpu.memory_space<vmem_shared>>)
      tpu.yield
    }) : () -> ()
    %gt3A = arith.constant 0 : i32
    %gt3A_12 = arith.cmpi sgt, %select_n3A_3, %gt3A : i32
    %convert_element_type3A = arith.extui %gt3A_12 : i1 to i32
    %cond3A = arith.constant 0 : i32
    %cond3A_13 = arith.cmpi ne, %convert_element_type3A, %cond3A : i32
    scf.if %cond3A_13 {
      %add3A_25 = arith.constant 0 : i32
      %add3A_26 = arith.addi %select_n3A_11, %add3A_25 : i32
      %mul3A_27 = arith.constant 128 : i32
      %mul3A_28 = arith.muli %add3A_26, %mul3A_27 : i32
      %multiple_of3A = tpu.assume_multiple %mul3A_28, 128 : i32
      %dma_start3A = tpu.memref_slice %arg3[%multiple_of3A] : memref<323584xi32, #tpu.memory_space<hbm>> -> memref<128xi32, #tpu.memory_space<hbm>>
      %dma_start3A_29 = tpu.memref_slice %arg3[%multiple_of3A] : memref<323584xi32, #tpu.memory_space<hbm>> -> memref<128xi32, #tpu.memory_space<hbm>>
      tpu.enqueue_dma source(%dma_start3A_29 : memref<128xi32, #tpu.memory_space<hbm>>) target(%arg7 : memref<128xi32, #tpu.memory_space<vmem>>) target_semaphore(%arg16 : memref<!tpu.dma_semaphore, #tpu.memory_space<semaphore_mem>>)
      %dma_start3A_30 = tpu.memref_slice %arg4[%multiple_of3A] : memref<323584xi32, #tpu.memory_space<hbm>> -> memref<128xi32, #tpu.memory_space<hbm>>
      %dma_start3A_31 = tpu.memref_slice %arg4[%multiple_of3A] : memref<323584xi32, #tpu.memory_space<hbm>> -> memref<128xi32, #tpu.memory_space<hbm>>
      tpu.enqueue_dma source(%dma_start3A_31 : memref<128xi32, #tpu.memory_space<hbm>>) target(%arg9 : memref<128xi32, #tpu.memory_space<vmem>>) target_semaphore(%arg18 : memref<!tpu.dma_semaphore, #tpu.memory_space<semaphore_mem>>)
      %dma_wait3A = arith.constant 0 : i32
      %dma_wait3A_32 = tpu.memref_slice %arg3[%dma_wait3A] : memref<323584xi32, #tpu.memory_space<hbm>> -> memref<128xi32, #tpu.memory_space<hbm>>
      %dma_wait3A_33 = arith.constant 0 : i32
      %dma_wait3A_34 = tpu.memref_slice %arg3[%dma_wait3A_33] : memref<323584xi32, #tpu.memory_space<hbm>> -> memref<128xi32, #tpu.memory_space<hbm>>
      tpu.wait_dma2 semaphore(%arg16 : memref<!tpu.dma_semaphore, #tpu.memory_space<semaphore_mem>>) src(%dma_wait3A_34 : memref<128xi32, #tpu.memory_space<hbm>>) dst(%arg7 : memref<128xi32, #tpu.memory_space<vmem>>)
      %dma_start3A_35 = arith.constant 0 : i32
      %dma_start3A_36 = arith.constant 0 : i32
      %dma_start3A_37 = tpu.memref_slice %arg2[%dma_start3A_35, %dma_start3A_36] : memref<10240x128xf32, #tpu.memory_space<hbm>> -> memref<10240x128xf32, #tpu.memory_space<hbm>>
      tpu.enqueue_indirect_dma source(%dma_start3A_37 : memref<10240x128xf32, #tpu.memory_space<hbm>>) target(%arg11 : memref<128x128xf32, #tpu.memory_space<vmem>>) offsets(%arg7 : memref<128xi32, #tpu.memory_space<vmem>>) semaphore(%arg14 : memref<!tpu.dma_semaphore, #tpu.memory_space<semaphore_mem>>)
    } else {
    }
    %gt3A_14 = arith.constant 1 : i32
    %gt3A_15 = arith.cmpi sgt, %select_n3A_3, %gt3A_14 : i32
    %convert_element_type3A_16 = arith.extui %gt3A_15 : i1 to i32
    %cond3A_17 = arith.constant 0 : i32
    %cond3A_18 = arith.cmpi ne, %convert_element_type3A_16, %cond3A_17 : i32
    scf.if %cond3A_18 {
      %add3A_25 = arith.constant 1 : i32
      %add3A_26 = arith.addi %select_n3A_11, %add3A_25 : i32
      %mul3A_27 = arith.constant 128 : i32
      %mul3A_28 = arith.muli %add3A_26, %mul3A_27 : i32
      %multiple_of3A = tpu.assume_multiple %mul3A_28, 128 : i32
      %dma_start3A = tpu.memref_slice %arg3[%multiple_of3A] : memref<323584xi32, #tpu.memory_space<hbm>> -> memref<128xi32, #tpu.memory_space<hbm>>
      %dma_start3A_29 = tpu.memref_slice %arg3[%multiple_of3A] : memref<323584xi32, #tpu.memory_space<hbm>> -> memref<128xi32, #tpu.memory_space<hbm>>
      tpu.enqueue_dma source(%dma_start3A_29 : memref<128xi32, #tpu.memory_space<hbm>>) target(%arg8 : memref<128xi32, #tpu.memory_space<vmem>>) target_semaphore(%arg17 : memref<!tpu.dma_semaphore, #tpu.memory_space<semaphore_mem>>)
      %dma_start3A_30 = tpu.memref_slice %arg4[%multiple_of3A] : memref<323584xi32, #tpu.memory_space<hbm>> -> memref<128xi32, #tpu.memory_space<hbm>>
      %dma_start3A_31 = tpu.memref_slice %arg4[%multiple_of3A] : memref<323584xi32, #tpu.memory_space<hbm>> -> memref<128xi32, #tpu.memory_space<hbm>>
      tpu.enqueue_dma source(%dma_start3A_31 : memref<128xi32, #tpu.memory_space<hbm>>) target(%arg10 : memref<128xi32, #tpu.memory_space<vmem>>) target_semaphore(%arg19 : memref<!tpu.dma_semaphore, #tpu.memory_space<semaphore_mem>>)
      %dma_wait3A = arith.constant 0 : i32
      %dma_wait3A_32 = tpu.memref_slice %arg3[%dma_wait3A] : memref<323584xi32, #tpu.memory_space<hbm>> -> memref<128xi32, #tpu.memory_space<hbm>>
      %dma_wait3A_33 = arith.constant 0 : i32
      %dma_wait3A_34 = tpu.memref_slice %arg3[%dma_wait3A_33] : memref<323584xi32, #tpu.memory_space<hbm>> -> memref<128xi32, #tpu.memory_space<hbm>>
      tpu.wait_dma2 semaphore(%arg17 : memref<!tpu.dma_semaphore, #tpu.memory_space<semaphore_mem>>) src(%dma_wait3A_34 : memref<128xi32, #tpu.memory_space<hbm>>) dst(%arg8 : memref<128xi32, #tpu.memory_space<vmem>>)
      %dma_start3A_35 = arith.constant 0 : i32
      %dma_start3A_36 = arith.constant 0 : i32
      %dma_start3A_37 = tpu.memref_slice %arg2[%dma_start3A_35, %dma_start3A_36] : memref<10240x128xf32, #tpu.memory_space<hbm>> -> memref<10240x128xf32, #tpu.memory_space<hbm>>
      tpu.enqueue_indirect_dma source(%dma_start3A_37 : memref<10240x128xf32, #tpu.memory_space<hbm>>) target(%arg12 : memref<128x128xf32, #tpu.memory_space<vmem>>) offsets(%arg8 : memref<128xi32, #tpu.memory_space<vmem>>) semaphore(%arg15 : memref<!tpu.dma_semaphore, #tpu.memory_space<semaphore_mem>>)
    } else {
    }
    %barrier3A = arith.constant 0 : index
    tpu.barrier barrier_id(%barrier3A)
    %scan3A = arith.constant 0 : i32
    %scan3A_19 = arith.constant 0 : i32
    %scan3A_20 = arith.constant 71 : i32
    %scan3A_21 = arith.addi %scan3A_19, %scan3A_20 : i32
    %scan3A_22 = arith.constant 1 : i32
    scf.for %scan3A_25 = %scan3A_19 to %scan3A_21 step %scan3A_22  : i32 {
      %mul3A_26 = arith.constant 2 : i32
      %mul3A_27 = arith.muli %scan3A_25, %mul3A_26 : i32
      %add3A_28 = arith.constant 0 : i32
      %add3A_29 = arith.addi %mul3A_27, %add3A_28 : i32
      %lt3A = arith.cmpi slt, %add3A_29, %select_n3A_3 : i32
      %convert_element_type3A_30 = arith.extui %lt3A : i1 to i32
      %cond3A_31 = arith.constant 0 : i32
      %cond3A_32 = arith.cmpi ne, %convert_element_type3A_30, %cond3A_31 : i32
      scf.if %cond3A_32 {
        %dma_wait3A = arith.constant 0 : i32
        %dma_wait3A_41 = arith.constant 0 : i32
        %dma_wait3A_42 = tpu.memref_slice %arg2[%dma_wait3A, %dma_wait3A_41] : memref<10240x128xf32, #tpu.memory_space<hbm>> -> memref<10240x128xf32, #tpu.memory_space<hbm>>
        tpu.wait_indirect_dma semaphore(%arg14 : memref<!tpu.dma_semaphore, #tpu.memory_space<semaphore_mem>>) src(%dma_wait3A_42 : memref<10240x128xf32, #tpu.memory_space<hbm>>) dst(%arg11 : memref<128x128xf32, #tpu.memory_space<vmem>>)
        %dma_wait3A_43 = arith.constant 0 : i32
        %dma_wait3A_44 = tpu.memref_slice %arg4[%dma_wait3A_43] : memref<323584xi32, #tpu.memory_space<hbm>> -> memref<128xi32, #tpu.memory_space<hbm>>
        %dma_wait3A_45 = arith.constant 0 : i32
        %dma_wait3A_46 = tpu.memref_slice %arg4[%dma_wait3A_45] : memref<323584xi32, #tpu.memory_space<hbm>> -> memref<128xi32, #tpu.memory_space<hbm>>
        tpu.wait_dma2 semaphore(%arg18 : memref<!tpu.dma_semaphore, #tpu.memory_space<semaphore_mem>>) src(%dma_wait3A_46 : memref<128xi32, #tpu.memory_space<hbm>>) dst(%arg9 : memref<128xi32, #tpu.memory_space<vmem>>)
        "tpu.region"() ({
          %run_scoped3A = tpu.sem_alloc : memref<!tpu.dma_semaphore, #tpu.memory_space<semaphore_mem>>
          %dma_start3A = arith.constant 0 : i32
          %dma_start3A_53 = arith.constant 0 : i32
          %dma_start3A_54 = tpu.memref_slice %arg13[%dma_start3A, %dma_start3A_53] : memref<10240x128xf32, #tpu.memory_space<vmem_shared>> -> memref<10240x128xf32, #tpu.memory_space<vmem_shared>>
          tpu.enqueue_indirect_dma source(%arg11 : memref<128x128xf32, #tpu.memory_space<vmem>>) target(%dma_start3A_54 : memref<10240x128xf32, #tpu.memory_space<vmem_shared>>) offsets(%arg9 : memref<128xi32, #tpu.memory_space<vmem>>) semaphore(%run_scoped3A : memref<!tpu.dma_semaphore, #tpu.memory_space<semaphore_mem>>) {add = true}
          %dma_wait3A_55 = arith.constant 0 : i32
          %dma_wait3A_56 = arith.constant 0 : i32
          %dma_wait3A_57 = tpu.memref_slice %arg13[%dma_wait3A_55, %dma_wait3A_56] : memref<10240x128xf32, #tpu.memory_space<vmem_shared>> -> memref<10240x128xf32, #tpu.memory_space<vmem_shared>>
          tpu.wait_indirect_dma semaphore(%run_scoped3A : memref<!tpu.dma_semaphore, #tpu.memory_space<semaphore_mem>>) src(%arg11 : memref<128x128xf32, #tpu.memory_space<vmem>>) dst(%dma_wait3A_57 : memref<10240x128xf32, #tpu.memory_space<vmem_shared>>)
          tpu.yield
        }) : () -> ()
        %add3A_47 = arith.constant 2 : i32
        %add3A_48 = arith.addi %add3A_29, %add3A_47 : i32
        %lt3A_49 = arith.cmpi slt, %add3A_48, %select_n3A_3 : i32
        %convert_element_type3A_50 = arith.extui %lt3A_49 : i1 to i32
        %cond3A_51 = arith.constant 0 : i32
        %cond3A_52 = arith.cmpi ne, %convert_element_type3A_50, %cond3A_51 : i32
        scf.if %cond3A_52 {
          %add3A_53 = arith.addi %select_n3A_11, %add3A_48 : i32
          %mul3A_54 = arith.constant 128 : i32
          %mul3A_55 = arith.muli %add3A_53, %mul3A_54 : i32
          %multiple_of3A = tpu.assume_multiple %mul3A_55, 128 : i32
          %dma_start3A = tpu.memref_slice %arg3[%multiple_of3A] : memref<323584xi32, #tpu.memory_space<hbm>> -> memref<128xi32, #tpu.memory_space<hbm>>
          %dma_start3A_56 = tpu.memref_slice %arg3[%multiple_of3A] : memref<323584xi32, #tpu.memory_space<hbm>> -> memref<128xi32, #tpu.memory_space<hbm>>
          tpu.enqueue_dma source(%dma_start3A_56 : memref<128xi32, #tpu.memory_space<hbm>>) target(%arg7 : memref<128xi32, #tpu.memory_space<vmem>>) target_semaphore(%arg16 : memref<!tpu.dma_semaphore, #tpu.memory_space<semaphore_mem>>)
          %dma_start3A_57 = tpu.memref_slice %arg4[%multiple_of3A] : memref<323584xi32, #tpu.memory_space<hbm>> -> memref<128xi32, #tpu.memory_space<hbm>>
          %dma_start3A_58 = tpu.memref_slice %arg4[%multiple_of3A] : memref<323584xi32, #tpu.memory_space<hbm>> -> memref<128xi32, #tpu.memory_space<hbm>>
          tpu.enqueue_dma source(%dma_start3A_58 : memref<128xi32, #tpu.memory_space<hbm>>) target(%arg9 : memref<128xi32, #tpu.memory_space<vmem>>) target_semaphore(%arg18 : memref<!tpu.dma_semaphore, #tpu.memory_space<semaphore_mem>>)
          %dma_wait3A_59 = arith.constant 0 : i32
          %dma_wait3A_60 = tpu.memref_slice %arg3[%dma_wait3A_59] : memref<323584xi32, #tpu.memory_space<hbm>> -> memref<128xi32, #tpu.memory_space<hbm>>
          %dma_wait3A_61 = arith.constant 0 : i32
          %dma_wait3A_62 = tpu.memref_slice %arg3[%dma_wait3A_61] : memref<323584xi32, #tpu.memory_space<hbm>> -> memref<128xi32, #tpu.memory_space<hbm>>
          tpu.wait_dma2 semaphore(%arg16 : memref<!tpu.dma_semaphore, #tpu.memory_space<semaphore_mem>>) src(%dma_wait3A_62 : memref<128xi32, #tpu.memory_space<hbm>>) dst(%arg7 : memref<128xi32, #tpu.memory_space<vmem>>)
          %dma_start3A_63 = arith.constant 0 : i32
          %dma_start3A_64 = arith.constant 0 : i32
          %dma_start3A_65 = tpu.memref_slice %arg2[%dma_start3A_63, %dma_start3A_64] : memref<10240x128xf32, #tpu.memory_space<hbm>> -> memref<10240x128xf32, #tpu.memory_space<hbm>>
          tpu.enqueue_indirect_dma source(%dma_start3A_65 : memref<10240x128xf32, #tpu.memory_space<hbm>>) target(%arg11 : memref<128x128xf32, #tpu.memory_space<vmem>>) offsets(%arg7 : memref<128xi32, #tpu.memory_space<vmem>>) semaphore(%arg14 : memref<!tpu.dma_semaphore, #tpu.memory_space<semaphore_mem>>)
        } else {
        }
      } else {
      }
      %mul3A_33 = arith.constant 2 : i32
      %mul3A_34 = arith.muli %scan3A_25, %mul3A_33 : i32
      %add3A_35 = arith.constant 1 : i32
      %add3A_36 = arith.addi %mul3A_34, %add3A_35 : i32
      %lt3A_37 = arith.cmpi slt, %add3A_36, %select_n3A_3 : i32
      %convert_element_type3A_38 = arith.extui %lt3A_37 : i1 to i32
      %cond3A_39 = arith.constant 0 : i32
      %cond3A_40 = arith.cmpi ne, %convert_element_type3A_38, %cond3A_39 : i32
      scf.if %cond3A_40 {
        %dma_wait3A = arith.constant 0 : i32
        %dma_wait3A_41 = arith.constant 0 : i32
        %dma_wait3A_42 = tpu.memref_slice %arg2[%dma_wait3A, %dma_wait3A_41] : memref<10240x128xf32, #tpu.memory_space<hbm>> -> memref<10240x128xf32, #tpu.memory_space<hbm>>
        tpu.wait_indirect_dma semaphore(%arg15 : memref<!tpu.dma_semaphore, #tpu.memory_space<semaphore_mem>>) src(%dma_wait3A_42 : memref<10240x128xf32, #tpu.memory_space<hbm>>) dst(%arg12 : memref<128x128xf32, #tpu.memory_space<vmem>>)
        %dma_wait3A_43 = arith.constant 0 : i32
        %dma_wait3A_44 = tpu.memref_slice %arg4[%dma_wait3A_43] : memref<323584xi32, #tpu.memory_space<hbm>> -> memref<128xi32, #tpu.memory_space<hbm>>
        %dma_wait3A_45 = arith.constant 0 : i32
        %dma_wait3A_46 = tpu.memref_slice %arg4[%dma_wait3A_45] : memref<323584xi32, #tpu.memory_space<hbm>> -> memref<128xi32, #tpu.memory_space<hbm>>
        tpu.wait_dma2 semaphore(%arg19 : memref<!tpu.dma_semaphore, #tpu.memory_space<semaphore_mem>>) src(%dma_wait3A_46 : memref<128xi32, #tpu.memory_space<hbm>>) dst(%arg10 : memref<128xi32, #tpu.memory_space<vmem>>)
        "tpu.region"() ({
          %run_scoped3A = tpu.sem_alloc : memref<!tpu.dma_semaphore, #tpu.memory_space<semaphore_mem>>
          %dma_start3A = arith.constant 0 : i32
          %dma_start3A_53 = arith.constant 0 : i32
          %dma_start3A_54 = tpu.memref_slice %arg13[%dma_start3A, %dma_start3A_53] : memref<10240x128xf32, #tpu.memory_space<vmem_shared>> -> memref<10240x128xf32, #tpu.memory_space<vmem_shared>>
          tpu.enqueue_indirect_dma source(%arg12 : memref<128x128xf32, #tpu.memory_space<vmem>>) target(%dma_start3A_54 : memref<10240x128xf32, #tpu.memory_space<vmem_shared>>) offsets(%arg10 : memref<128xi32, #tpu.memory_space<vmem>>) semaphore(%run_scoped3A : memref<!tpu.dma_semaphore, #tpu.memory_space<semaphore_mem>>) {add = true}
          %dma_wait3A_55 = arith.constant 0 : i32
          %dma_wait3A_56 = arith.constant 0 : i32
          %dma_wait3A_57 = tpu.memref_slice %arg13[%dma_wait3A_55, %dma_wait3A_56] : memref<10240x128xf32, #tpu.memory_space<vmem_shared>> -> memref<10240x128xf32, #tpu.memory_space<vmem_shared>>
          tpu.wait_indirect_dma semaphore(%run_scoped3A : memref<!tpu.dma_semaphore, #tpu.memory_space<semaphore_mem>>) src(%arg12 : memref<128x128xf32, #tpu.memory_space<vmem>>) dst(%dma_wait3A_57 : memref<10240x128xf32, #tpu.memory_space<vmem_shared>>)
          tpu.yield
        }) : () -> ()
        %add3A_47 = arith.constant 2 : i32
        %add3A_48 = arith.addi %add3A_36, %add3A_47 : i32
        %lt3A_49 = arith.cmpi slt, %add3A_48, %select_n3A_3 : i32
        %convert_element_type3A_50 = arith.extui %lt3A_49 : i1 to i32
        %cond3A_51 = arith.constant 0 : i32
        %cond3A_52 = arith.cmpi ne, %convert_element_type3A_50, %cond3A_51 : i32
        scf.if %cond3A_52 {
          %add3A_53 = arith.addi %select_n3A_11, %add3A_48 : i32
          %mul3A_54 = arith.constant 128 : i32
          %mul3A_55 = arith.muli %add3A_53, %mul3A_54 : i32
          %multiple_of3A = tpu.assume_multiple %mul3A_55, 128 : i32
          %dma_start3A = tpu.memref_slice %arg3[%multiple_of3A] : memref<323584xi32, #tpu.memory_space<hbm>> -> memref<128xi32, #tpu.memory_space<hbm>>
          %dma_start3A_56 = tpu.memref_slice %arg3[%multiple_of3A] : memref<323584xi32, #tpu.memory_space<hbm>> -> memref<128xi32, #tpu.memory_space<hbm>>
          tpu.enqueue_dma source(%dma_start3A_56 : memref<128xi32, #tpu.memory_space<hbm>>) target(%arg8 : memref<128xi32, #tpu.memory_space<vmem>>) target_semaphore(%arg17 : memref<!tpu.dma_semaphore, #tpu.memory_space<semaphore_mem>>)
          %dma_start3A_57 = tpu.memref_slice %arg4[%multiple_of3A] : memref<323584xi32, #tpu.memory_space<hbm>> -> memref<128xi32, #tpu.memory_space<hbm>>
          %dma_start3A_58 = tpu.memref_slice %arg4[%multiple_of3A] : memref<323584xi32, #tpu.memory_space<hbm>> -> memref<128xi32, #tpu.memory_space<hbm>>
          tpu.enqueue_dma source(%dma_start3A_58 : memref<128xi32, #tpu.memory_space<hbm>>) target(%arg10 : memref<128xi32, #tpu.memory_space<vmem>>) target_semaphore(%arg19 : memref<!tpu.dma_semaphore, #tpu.memory_space<semaphore_mem>>)
          %dma_wait3A_59 = arith.constant 0 : i32
          %dma_wait3A_60 = tpu.memref_slice %arg3[%dma_wait3A_59] : memref<323584xi32, #tpu.memory_space<hbm>> -> memref<128xi32, #tpu.memory_space<hbm>>
          %dma_wait3A_61 = arith.constant 0 : i32
          %dma_wait3A_62 = tpu.memref_slice %arg3[%dma_wait3A_61] : memref<323584xi32, #tpu.memory_space<hbm>> -> memref<128xi32, #tpu.memory_space<hbm>>
          tpu.wait_dma2 semaphore(%arg17 : memref<!tpu.dma_semaphore, #tpu.memory_space<semaphore_mem>>) src(%dma_wait3A_62 : memref<128xi32, #tpu.memory_space<hbm>>) dst(%arg8 : memref<128xi32, #tpu.memory_space<vmem>>)
          %dma_start3A_63 = arith.constant 0 : i32
          %dma_start3A_64 = arith.constant 0 : i32
          %dma_start3A_65 = tpu.memref_slice %arg2[%dma_start3A_63, %dma_start3A_64] : memref<10240x128xf32, #tpu.memory_space<hbm>> -> memref<10240x128xf32, #tpu.memory_space<hbm>>
          tpu.enqueue_indirect_dma source(%dma_start3A_65 : memref<10240x128xf32, #tpu.memory_space<hbm>>) target(%arg12 : memref<128x128xf32, #tpu.memory_space<vmem>>) offsets(%arg8 : memref<128xi32, #tpu.memory_space<vmem>>) semaphore(%arg15 : memref<!tpu.dma_semaphore, #tpu.memory_space<semaphore_mem>>)
        } else {
        }
      } else {
      }
    }
    %scan3A_23 = arith.constant 71 : i32
    %barrier3A_24 = arith.constant 0 : index
    tpu.barrier barrier_id(%barrier3A_24)
    "tpu.region"() ({
      %run_scoped3A = tpu.sem_alloc : memref<!tpu.dma_semaphore, #tpu.memory_space<semaphore_mem>>
      %dma_start3A = arith.constant 0 : i32
      %dma_start3A_25 = tpu.memref_slice %arg6[%arg0, %mul3A_0, %dma_start3A] : memref<2x10240x128xf32, #tpu.memory_space<hbm>> -> memref<1x640x128xf32, #tpu.memory_space<hbm>>
      %dma_start3A_26 = tpu.memref_squeeze %dma_start3A_25 : memref<1x640x128xf32, #tpu.memory_space<hbm>> -> memref<640x128xf32, #tpu.memory_space<hbm>>
      %dma_start3A_27 = arith.constant 0 : i32
      %dma_start3A_28 = tpu.memref_slice %arg13[%mul3A_0, %dma_start3A_27] : memref<10240x128xf32, #tpu.memory_space<vmem_shared>> -> memref<640x128xf32, #tpu.memory_space<vmem_shared>>
      tpu.enqueue_dma source(%dma_start3A_28 : memref<640x128xf32, #tpu.memory_space<vmem_shared>>) target(%dma_start3A_26 : memref<640x128xf32, #tpu.memory_space<hbm>>) target_semaphore(%run_scoped3A : memref<!tpu.dma_semaphore, #tpu.memory_space<semaphore_mem>>)
      %dma_wait3A = arith.constant 0 : i32
      %dma_wait3A_29 = tpu.memref_slice %arg6[%arg0, %mul3A_0, %dma_wait3A] : memref<2x10240x128xf32, #tpu.memory_space<hbm>> -> memref<1x640x128xf32, #tpu.memory_space<hbm>>
      %dma_wait3A_30 = tpu.memref_squeeze %dma_wait3A_29 : memref<1x640x128xf32, #tpu.memory_space<hbm>> -> memref<640x128xf32, #tpu.memory_space<hbm>>
      %dma_wait3A_31 = arith.constant 0 : i32
      %dma_wait3A_32 = tpu.memref_slice %arg13[%mul3A_0, %dma_wait3A_31] : memref<10240x128xf32, #tpu.memory_space<vmem_shared>> -> memref<640x128xf32, #tpu.memory_space<vmem_shared>>
      tpu.wait_dma2 semaphore(%run_scoped3A : memref<!tpu.dma_semaphore, #tpu.memory_space<semaphore_mem>>) src(%dma_wait3A_32 : memref<640x128xf32, #tpu.memory_space<vmem_shared>>) dst(%dma_wait3A_30 : memref<640x128xf32, #tpu.memory_space<hbm>>)
      tpu.yield
    }) : () -> ()
    return
  }
}

module attributes {stable_mosaic.version = 14 : i64} {
  func.func @_boundary_body(%arg0: i32, %arg1: memref<2x1024x128xf32, #tpu.memory_space<vmem>>, %arg2: memref<2x1024x16xf32, #tpu.memory_space<vmem>>, %arg3: memref<2x1024x16xf32, #tpu.memory_space<vmem>>, %arg4: memref<1x128xf32, #tpu.memory_space<vmem>>, %arg5: memref<128x128xf32, #tpu.memory_space<vmem>>, %arg6: memref<1024x128xf32, #tpu.memory_space<vmem>>) attributes {dimension_semantics = [#tpu.dimension_semantics<arbitrary>], iteration_bounds = array<i64: 10>, scalar_prefetch = 0 : i64, scratch_operands = 0 : i64, tpu.core_type = #tpu.core_type<tc>, window_params = [{transform_indices = @transform_0, window_bounds = array<i64: 2, 1024, 128>}, {transform_indices = @transform_1, window_bounds = array<i64: 2, 1024, 16>}, {transform_indices = @transform_2, window_bounds = array<i64: 2, 1024, 16>}, {pipeline_mode = #tpu.pipeline_mode<synchronous>, transform_indices = @transform_3, window_bounds = array<i64: 1, 128>}, {pipeline_mode = #tpu.pipeline_mode<synchronous>, transform_indices = @transform_4, window_bounds = array<i64: 128, 128>}, {transform_indices = @transform_5, window_bounds = array<i64: 1024, 128>}]} {
    %get3A = arith.constant 0 : index
    %get3A_0 = arith.constant 0 : index
    %get3A_1 = arith.constant 0 : index
    %get3A_2 = vector.load %arg1[%get3A, %get3A_0, %get3A_1] : memref<2x1024x128xf32, #tpu.memory_space<vmem>>, vector<1x1024x128xf32>
    %get3A_3 = vector.shape_cast %get3A_2 : vector<1x1024x128xf32> to vector<1024x128xf32>
    %get3A_4 = arith.constant 1 : index
    %get3A_5 = arith.constant 0 : index
    %get3A_6 = arith.constant 0 : index
    %get3A_7 = vector.load %arg1[%get3A_4, %get3A_5, %get3A_6] : memref<2x1024x128xf32, #tpu.memory_space<vmem>>, vector<1x1024x128xf32>
    %get3A_8 = vector.shape_cast %get3A_7 : vector<1x1024x128xf32> to vector<1024x128xf32>
    %add3A = arith.addf %get3A_3, %get3A_8 : vector<1024x128xf32>
    %get3A_9 = arith.constant 0 : index
    %get3A_10 = arith.constant 0 : index
    %get3A_11 = arith.constant 0 : index
    %get3A_12 = vector.load %arg2[%get3A_9, %get3A_10, %get3A_11] : memref<2x1024x16xf32, #tpu.memory_space<vmem>>, vector<1x1024x1xf32>
    %get3A_13 = vector.shape_cast %get3A_12 : vector<1x1024x1xf32> to vector<1024x1xf32>
    %get3A_14 = arith.constant 1 : index
    %get3A_15 = arith.constant 0 : index
    %get3A_16 = arith.constant 0 : index
    %get3A_17 = vector.load %arg2[%get3A_14, %get3A_15, %get3A_16] : memref<2x1024x16xf32, #tpu.memory_space<vmem>>, vector<1x1024x1xf32>
    %get3A_18 = vector.shape_cast %get3A_17 : vector<1x1024x1xf32> to vector<1024x1xf32>
    %add3A_19 = arith.addf %get3A_13, %get3A_18 : vector<1024x1xf32>
    %max3A = arith.constant 1.000000e+00 : f32
    %max3A_20 = vector.broadcast %max3A : f32 to vector<1024x1xf32>
    %max3A_21 = arith.maximumf %add3A_19, %max3A_20 : vector<1024x1xf32>
    %rsqrt3A = math.rsqrt %max3A_21 : vector<1024x1xf32>
    %mul3A = vector.broadcast %rsqrt3A : vector<1024x1xf32> to vector<1024x128xf32>
    %mul3A_22 = arith.mulf %add3A, %mul3A : vector<1024x128xf32>
    %get3A_23 = arith.constant 0 : index
    %get3A_24 = arith.constant 0 : index
    %get3A_25 = vector.load %arg4[%get3A_23, %get3A_24] : memref<1x128xf32, #tpu.memory_space<vmem>>, vector<1x128xf32>
    %add3A_26 = vector.broadcast %get3A_25 : vector<1x128xf32> to vector<1024x128xf32>
    %add3A_27 = arith.addf %mul3A_22, %add3A_26 : vector<1024x128xf32>
    %max3A_28 = arith.constant 0.000000e+00 : f32
    %max3A_29 = vector.broadcast %max3A_28 : f32 to vector<1024x128xf32>
    %max3A_30 = arith.maximumf %add3A_27, %max3A_29 : vector<1024x128xf32>
    %get3A_31 = arith.constant 0 : index
    %get3A_32 = arith.constant 0 : index
    %get3A_33 = arith.constant 0 : index
    %get3A_34 = vector.load %arg3[%get3A_31, %get3A_32, %get3A_33] : memref<2x1024x16xf32, #tpu.memory_space<vmem>>, vector<1x1024x1xf32>
    %get3A_35 = vector.shape_cast %get3A_34 : vector<1x1024x1xf32> to vector<1024x1xf32>
    %get3A_36 = arith.constant 1 : index
    %get3A_37 = arith.constant 0 : index
    %get3A_38 = arith.constant 0 : index
    %get3A_39 = vector.load %arg3[%get3A_36, %get3A_37, %get3A_38] : memref<2x1024x16xf32, #tpu.memory_space<vmem>>, vector<1x1024x1xf32>
    %get3A_40 = vector.shape_cast %get3A_39 : vector<1x1024x1xf32> to vector<1024x1xf32>
    %add3A_41 = arith.addf %get3A_35, %get3A_40 : vector<1024x1xf32>
    %max3A_42 = arith.constant 1.000000e+00 : f32
    %max3A_43 = vector.broadcast %max3A_42 : f32 to vector<1024x1xf32>
    %max3A_44 = arith.maximumf %add3A_41, %max3A_43 : vector<1024x1xf32>
    %rsqrt3A_45 = math.rsqrt %max3A_44 : vector<1024x1xf32>
    %get3A_46 = arith.constant 0 : index
    %get3A_47 = arith.constant 0 : index
    %get3A_48 = vector.load %arg5[%get3A_46, %get3A_47] : memref<128x128xf32, #tpu.memory_space<vmem>>, vector<128x128xf32>
    %dot_general3A = arith.constant dense<0.000000e+00> : vector<1024x128xf32>
    %dot_general3A_49 = tpu.matmul %max3A_30, %get3A_48, %dot_general3A {dimension_numbers = #tpu.dot_dimension_numbers<[1], [0], [0], [1], [0, 0, 1, 1], [], []>, transpose_lhs_hint = false} : vector<1024x128xf32>, vector<128x128xf32>, vector<1024x128xf32> -> vector<1024x128xf32>
    %mul3A_50 = vector.broadcast %rsqrt3A_45 : vector<1024x1xf32> to vector<1024x128xf32>
    %mul3A_51 = arith.mulf %dot_general3A_49, %mul3A_50 : vector<1024x128xf32>
    %swap3A = arith.constant 0 : index
    %swap3A_52 = arith.constant 0 : index
    %swap3A_53 = vector.load %arg6[%swap3A, %swap3A_52] : memref<1024x128xf32, #tpu.memory_space<vmem>>, vector<1024x128xf32>
    tpu.vector_store %arg6[%swap3A, %swap3A_52], %mul3A_51 {strides = array<i32>} : memref<1024x128xf32, #tpu.memory_space<vmem>>, vector<1024x128xf32>,
    return
  }
  func.func @transform_0(%arg0: i32) -> (i32, i32, i32) {
    %c0_i32 = arith.constant 0 : i32
    %c0_i32_0 = arith.constant 0 : i32
    %c0_i32_1 = arith.constant 0 : i32
    return %c0_i32, %arg0, %c0_i32_0 : i32, i32, i32
  }
  func.func @transform_1(%arg0: i32) -> (i32, i32, i32) {
    %c0_i32 = arith.constant 0 : i32
    %c0_i32_0 = arith.constant 0 : i32
    %c0_i32_1 = arith.constant 0 : i32
    return %c0_i32, %arg0, %c0_i32_0 : i32, i32, i32
  }
  func.func @transform_2(%arg0: i32) -> (i32, i32, i32) {
    %c0_i32 = arith.constant 0 : i32
    %c0_i32_0 = arith.constant 0 : i32
    %c0_i32_1 = arith.constant 0 : i32
    return %c0_i32, %arg0, %c0_i32_0 : i32, i32, i32
  }
  func.func @transform_3(%arg0: i32) -> (i32, i32) {
    %c0_i32 = arith.constant 0 : i32
    %c0_i32_0 = arith.constant 0 : i32
    %c0_i32_1 = arith.constant 0 : i32
    return %c0_i32, %c0_i32_0 : i32, i32
  }
  func.func @transform_4(%arg0: i32) -> (i32, i32) {
    %c0_i32 = arith.constant 0 : i32
    %c0_i32_0 = arith.constant 0 : i32
    %c0_i32_1 = arith.constant 0 : i32
    return %c0_i32, %c0_i32_0 : i32, i32
  }
  func.func @transform_5(%arg0: i32) -> (i32, i32) {
    %c0_i32 = arith.constant 0 : i32
    %c0_i32_0 = arith.constant 0 : i32
    return %arg0, %c0_i32 : i32, i32
  }
}

module attributes {stable_mosaic.version = 14 : i64} {
  func.func @_mm_scale_body(%arg0: i32, %arg1: memref<1024x128xf32, #tpu.memory_space<vmem>>, %arg2: memref<128x128xf32, #tpu.memory_space<vmem>>, %arg3: memref<2x1024x16xf32, #tpu.memory_space<vmem>>, %arg4: memref<1024x128xf32, #tpu.memory_space<vmem>>) attributes {dimension_semantics = [#tpu.dimension_semantics<arbitrary>], iteration_bounds = array<i64: 10>, scalar_prefetch = 0 : i64, scratch_operands = 0 : i64, tpu.core_type = #tpu.core_type<tc>, window_params = [{transform_indices = @transform_0, window_bounds = array<i64: 1024, 128>}, {pipeline_mode = #tpu.pipeline_mode<synchronous>, transform_indices = @transform_1, window_bounds = array<i64: 128, 128>}, {transform_indices = @transform_2, window_bounds = array<i64: 2, 1024, 16>}, {transform_indices = @transform_3, window_bounds = array<i64: 1024, 128>}]} {
    %get3A = arith.constant 0 : index
    %get3A_0 = arith.constant 0 : index
    %get3A_1 = arith.constant 0 : index
    %get3A_2 = vector.load %arg3[%get3A, %get3A_0, %get3A_1] : memref<2x1024x16xf32, #tpu.memory_space<vmem>>, vector<1x1024x1xf32>
    %get3A_3 = vector.shape_cast %get3A_2 : vector<1x1024x1xf32> to vector<1024x1xf32>
    %get3A_4 = arith.constant 1 : index
    %get3A_5 = arith.constant 0 : index
    %get3A_6 = arith.constant 0 : index
    %get3A_7 = vector.load %arg3[%get3A_4, %get3A_5, %get3A_6] : memref<2x1024x16xf32, #tpu.memory_space<vmem>>, vector<1x1024x1xf32>
    %get3A_8 = vector.shape_cast %get3A_7 : vector<1x1024x1xf32> to vector<1024x1xf32>
    %add3A = arith.addf %get3A_3, %get3A_8 : vector<1024x1xf32>
    %max3A = arith.constant 1.000000e+00 : f32
    %max3A_9 = vector.broadcast %max3A : f32 to vector<1024x1xf32>
    %max3A_10 = arith.maximumf %add3A, %max3A_9 : vector<1024x1xf32>
    %rsqrt3A = math.rsqrt %max3A_10 : vector<1024x1xf32>
    %get3A_11 = arith.constant 0 : index
    %get3A_12 = arith.constant 0 : index
    %get3A_13 = vector.load %arg1[%get3A_11, %get3A_12] : memref<1024x128xf32, #tpu.memory_space<vmem>>, vector<1024x128xf32>
    %get3A_14 = arith.constant 0 : index
    %get3A_15 = arith.constant 0 : index
    %get3A_16 = vector.load %arg2[%get3A_14, %get3A_15] : memref<128x128xf32, #tpu.memory_space<vmem>>, vector<128x128xf32>
    %dot_general3A = arith.constant dense<0.000000e+00> : vector<1024x128xf32>
    %dot_general3A_17 = tpu.matmul %get3A_13, %get3A_16, %dot_general3A {dimension_numbers = #tpu.dot_dimension_numbers<[1], [0], [0], [1], [0, 0, 1, 1], [], []>, transpose_lhs_hint = false} : vector<1024x128xf32>, vector<128x128xf32>, vector<1024x128xf32> -> vector<1024x128xf32>
    %mul3A = vector.broadcast %rsqrt3A : vector<1024x1xf32> to vector<1024x128xf32>
    %mul3A_18 = arith.mulf %dot_general3A_17, %mul3A : vector<1024x128xf32>
    %swap3A = arith.constant 0 : index
    %swap3A_19 = arith.constant 0 : index
    %swap3A_20 = vector.load %arg4[%swap3A, %swap3A_19] : memref<1024x128xf32, #tpu.memory_space<vmem>>, vector<1024x128xf32>
    tpu.vector_store %arg4[%swap3A, %swap3A_19], %mul3A_18 {strides = array<i32>} : memref<1024x128xf32, #tpu.memory_space<vmem>>, vector<1024x128xf32>,
    return
  }
  func.func @transform_0(%arg0: i32) -> (i32, i32) {
    %c0_i32 = arith.constant 0 : i32
    %c0_i32_0 = arith.constant 0 : i32
    return %arg0, %c0_i32 : i32, i32
  }
  func.func @transform_1(%arg0: i32) -> (i32, i32) {
    %c0_i32 = arith.constant 0 : i32
    %c0_i32_0 = arith.constant 0 : i32
    %c0_i32_1 = arith.constant 0 : i32
    return %c0_i32, %c0_i32_0 : i32, i32
  }
  func.func @transform_2(%arg0: i32) -> (i32, i32, i32) {
    %c0_i32 = arith.constant 0 : i32
    %c0_i32_0 = arith.constant 0 : i32
    %c0_i32_1 = arith.constant 0 : i32
    return %c0_i32, %arg0, %c0_i32_0 : i32, i32, i32
  }
  func.func @transform_3(%arg0: i32) -> (i32, i32) {
    %c0_i32 = arith.constant 0 : i32
    %c0_i32_0 = arith.constant 0 : i32
    return %arg0, %c0_i32 : i32, i32
  }
}

module attributes {stable_mosaic.version = 14 : i64} {
  func.func @_final_body(%arg0: i32, %arg1: memref<2x1024x128xf32, #tpu.memory_space<vmem>>, %arg2: memref<2x1024x16xf32, #tpu.memory_space<vmem>>, %arg3: memref<1x128xf32, #tpu.memory_space<vmem>>, %arg4: memref<1024x128xf32, #tpu.memory_space<vmem>>) attributes {dimension_semantics = [#tpu.dimension_semantics<arbitrary>], iteration_bounds = array<i64: 10>, scalar_prefetch = 0 : i64, scratch_operands = 0 : i64, tpu.core_type = #tpu.core_type<tc>, window_params = [{transform_indices = @transform_0, window_bounds = array<i64: 2, 1024, 128>}, {transform_indices = @transform_1, window_bounds = array<i64: 2, 1024, 16>}, {pipeline_mode = #tpu.pipeline_mode<synchronous>, transform_indices = @transform_2, window_bounds = array<i64: 1, 128>}, {transform_indices = @transform_3, window_bounds = array<i64: 1024, 128>}]} {
    %get3A = arith.constant 0 : index
    %get3A_0 = arith.constant 0 : index
    %get3A_1 = arith.constant 0 : index
    %get3A_2 = vector.load %arg1[%get3A, %get3A_0, %get3A_1] : memref<2x1024x128xf32, #tpu.memory_space<vmem>>, vector<1x1024x128xf32>
    %get3A_3 = vector.shape_cast %get3A_2 : vector<1x1024x128xf32> to vector<1024x128xf32>
    %get3A_4 = arith.constant 1 : index
    %get3A_5 = arith.constant 0 : index
    %get3A_6 = arith.constant 0 : index
    %get3A_7 = vector.load %arg1[%get3A_4, %get3A_5, %get3A_6] : memref<2x1024x128xf32, #tpu.memory_space<vmem>>, vector<1x1024x128xf32>
    %get3A_8 = vector.shape_cast %get3A_7 : vector<1x1024x128xf32> to vector<1024x128xf32>
    %add3A = arith.addf %get3A_3, %get3A_8 : vector<1024x128xf32>
    %get3A_9 = arith.constant 0 : index
    %get3A_10 = arith.constant 0 : index
    %get3A_11 = arith.constant 0 : index
    %get3A_12 = vector.load %arg2[%get3A_9, %get3A_10, %get3A_11] : memref<2x1024x16xf32, #tpu.memory_space<vmem>>, vector<1x1024x1xf32>
    %get3A_13 = vector.shape_cast %get3A_12 : vector<1x1024x1xf32> to vector<1024x1xf32>
    %get3A_14 = arith.constant 1 : index
    %get3A_15 = arith.constant 0 : index
    %get3A_16 = arith.constant 0 : index
    %get3A_17 = vector.load %arg2[%get3A_14, %get3A_15, %get3A_16] : memref<2x1024x16xf32, #tpu.memory_space<vmem>>, vector<1x1024x1xf32>
    %get3A_18 = vector.shape_cast %get3A_17 : vector<1x1024x1xf32> to vector<1024x1xf32>
    %add3A_19 = arith.addf %get3A_13, %get3A_18 : vector<1024x1xf32>
    %max3A = arith.constant 1.000000e+00 : f32
    %max3A_20 = vector.broadcast %max3A : f32 to vector<1024x1xf32>
    %max3A_21 = arith.maximumf %add3A_19, %max3A_20 : vector<1024x1xf32>
    %rsqrt3A = math.rsqrt %max3A_21 : vector<1024x1xf32>
    %mul3A = vector.broadcast %rsqrt3A : vector<1024x1xf32> to vector<1024x128xf32>
    %mul3A_22 = arith.mulf %add3A, %mul3A : vector<1024x128xf32>
    %get3A_23 = arith.constant 0 : index
    %get3A_24 = arith.constant 0 : index
    %get3A_25 = vector.load %arg3[%get3A_23, %get3A_24] : memref<1x128xf32, #tpu.memory_space<vmem>>, vector<1x128xf32>
    %add3A_26 = vector.broadcast %get3A_25 : vector<1x128xf32> to vector<1024x128xf32>
    %add3A_27 = arith.addf %mul3A_22, %add3A_26 : vector<1024x128xf32>
    %swap3A = arith.constant 0 : index
    %swap3A_28 = arith.constant 0 : index
    %swap3A_29 = vector.load %arg4[%swap3A, %swap3A_28] : memref<1024x128xf32, #tpu.memory_space<vmem>>, vector<1024x128xf32>
    tpu.vector_store %arg4[%swap3A, %swap3A_28], %add3A_27 {strides = array<i32>} : memref<1024x128xf32, #tpu.memory_space<vmem>>, vector<1024x128xf32>,
    return
  }
  func.func @transform_0(%arg0: i32) -> (i32, i32, i32) {
    %c0_i32 = arith.constant 0 : i32
    %c0_i32_0 = arith.constant 0 : i32
    %c0_i32_1 = arith.constant 0 : i32
    return %c0_i32, %arg0, %c0_i32_0 : i32, i32, i32
  }
  func.func @transform_1(%arg0: i32) -> (i32, i32, i32) {
    %c0_i32 = arith.constant 0 : i32
    %c0_i32_0 = arith.constant 0 : i32
    %c0_i32_1 = arith.constant 0 : i32
    return %c0_i32, %arg0, %c0_i32_0 : i32, i32, i32
  }
  func.func @transform_2(%arg0: i32) -> (i32, i32) {
    %c0_i32 = arith.constant 0 : i32
    %c0_i32_0 = arith.constant 0 : i32
    %c0_i32_1 = arith.constant 0 : i32
    return %c0_i32, %c0_i32_0 : i32, i32
  }
  func.func @transform_3(%arg0: i32) -> (i32, i32) {
    %c0_i32 = arith.constant 0 : i32
    %c0_i32_0 = arith.constant 0 : i32
    return %arg0, %c0_i32 : i32, i32
  }
}

</mosaic_0001>

<sc_bundles>
// kernel: kernel.10.cloned.1.call-start
scs
__scs_entry_jumppad:
0x0: {  	(pc) =	sbr.rel $0x88, $3  }
0x1: {  	(tag) =	ssettag $0x0;
	lr =	simm.s32 $0x1  }
0x2: {  	[smem:$0x3F99] =	sst lr;
	_ =	strace $0xD0000000  }
0x3: {  	_ = 	snop  }
0x4: {  	_ = 	snop  }
0x5: {  	_ = 	snop  }
0x6: {  	_ = 	snop  }
0x7: {  	_ = 	snop  }
__scs_overlays_trampoline_lowered:
0x8: {  	[smem:$0x3FA8] =	sst s0  }
0x9: {  	[smem:$0x3FA9] =	sst s1  }
0xa: {  	[smem:$0x3FAA] =	sst s2  }
0xb: {  	[smem:$0x3FAB] =	sst s3  }
0xc: {  	[smem:$0x3FAC] =	sst s4  }
0xd: {  	[smem:$0x3FAD] =	sst s5  }
0xe: {  	[smem:$0x3FAE] =	sst s6  }
0xf: {  	[smem:$0x3FAF] =	sst s7  }
0x10: {  	[smem:$0x3FB0] =	sst s8  }
0x11: {  	[smem:$0x3FB1] =	sst s9;
	s0 =	simm.s32 @!p0 $0x0  }
0x12: {  	s1 =	sld [smem:$0x3F97];
	s0 =	simm.s32 @p0 $0x1  }
0x13: {  	[smem:$0x3FB2] =	sst s0;
	s0 =	simm.s32 @!p1 $0x0  }
0x14: {  	s2 =	sld [smem:$0x3F96];
	s0 =	simm.s32 @p1 $0x1  }
0x15: {  	[smem:$0x3FB3] =	sst s0;
	s0 =	simm.s32 @!p2 $0x0  }
0x16: {  	s3 =	sld [smem:$0x3FDB];
	s0 =	simm.s32 @p2 $0x1  }
0x17: {  	s4 =	simm.s32 $0x1BF5;
	[smem:$0x3FB5] =	sst s0  }
0x18: {  	s0 =	sld [smem:$0x3F98];
	_ =	swait.ge [sflag:s4], $0x0  }
0x19: {  	s7 =	sld [smem:$0x3F99]  }
0x1a: {  	s8 =	sadd.s32 $0xFFFFE003, lr  }
0x1b: {  	s9 =	sadd.s32 $0xFFFFFEF7, lr;
	s5 =	simm.s32 $0xFFFFFFFF;
	p2 =	slt.u32 s8, $0xFFFFF086  }
0x1c: {  	p1 =	slt.u32 s9, $0xF7A;
	s5 =	simm.s32 @!p2 $0x0  }
0x1d: {  	s5 =	simm.s32 @p1 $0x1;
	p0 =	seq.s32 s7, s2  }
0x1e: {  	s7 =	smul.u32 @!p0 $0xF7A, s2;
	p2 =	seq.s32 @!p0 s5, $0x0  }
0x1f: {  	s9 =	smul.u32 $0xF7A, s1;
	s8 =	simm.s32 @!p0 $0x1BF5;
	p2 =	por !p2, p0  }
0x20: {  	[sflag:s8] =	ssyncset.s32 @!p0 $0xFFFFF086;
	s6 =	sadd.s32 @!p0 s3, s7;
	s7 =	simm.s32 @!p0 $0x108  }
0x21: {  	s3 =	sadd.s32 s3, s9;
	s6 =	sadd.s32 @!p0 $0x88, s6;
	s7 =	simm.s32 @p2 $0x1082  }
0x22: {  	[simem:s7], [sflag:s8] =	dma.local @!p0 [hbm:s6], $0xF7A  }
0x23: {  	s9 =	sor.u32 $0xD0000000, s2;
	s6 =	simm.s32 $0x108;
	_ =	swait.ge @!p0 [sflag:s8], $0x0  }
0x24: {  	s3 =	sadd.s32 $0x88, s3;
	s6 =	simm.s32 @!p1 $0x1082;
	[sflag:s4] =	ssyncset.s32 $0xFFFFF086  }
0x25: {  	[simem:s6], [sflag:s4] =	dma.local [hbm:s3], $0xF7A  }
0x26: {  	[smem:$0x3F99] =	sst s1;
	(tag) =	ssettag s2;
	_ =	strace s9  }
0x27: {  	s1 =	sld [smem:$0x3FA9]  }
0x28: {  	s2 =	sld [smem:$0x3FAA]  }
0x29: {  	s4 =	sld [smem:$0x3FAC]  }
0x2a: {  	p0 =	seq.s32 s5, $0x0;
	s5 =	sld [smem:$0x3FAD]  }
0x2b: {  	s6 =	sld [smem:$0x3FAE]  }
0x2c: {  	s7 =	sld [smem:$0x3FAF]  }
0x2d: {  	s3 =	simm.s32 $0x108;
	s8 =	sld [smem:$0x3FB0]  }
0x2e: {  	s3 =	simm.s32 @!p0 $0x1082;
	s9 =	sld [smem:$0x3FB1]  }
0x2f: {  	lr =	sadd.s32 s0, s3;
	s0 =	sld [smem:$0x3FA8]  }
0x30: {  	s3 =	sld [smem:$0x3FAB]  }
0x31: {  	[smem:$0x3FB4] =	sst s10  }
0x32: {  	s10 =	sld [smem:$0x3FB2];
	_ =	sdelay $0x3  }
0x33: {  	p0 =	seq.s32 s10, $0x1;
	s10 =	sld [smem:$0x3FB4];
	_ =	sdelay $0x3  }
0x34: {  	[smem:$0x3FB4] =	sst s10  }
0x35: {  	s10 =	sld [smem:$0x3FB3];
	_ =	sdelay $0x3  }
0x36: {  	p1 =	seq.s32 s10, $0x1;
	s10 =	sld [smem:$0x3FB4];
	_ =	sdelay $0x3  }
0x37: {  	[smem:$0x3FB4] =	sst s10  }
0x38: {  	s10 =	sld [smem:$0x3FB5]  }
0x39: {  	_ = 	snop;
	(pc) =	sbr.ind lr, $3  }
0x3a: {  	_ = 	snop  }
0x3b: {  	_ = 	snop  }
0x3c: {  	p2 =	seq.s32 s10, $0x1;
	s10 =	sld [smem:$0x3FB4]  }
0x3d: {  	_ =	shalt  }
0x3e: {  	_ =	shalt  }
0x3f: {  	_ =	shalt  }
0x40: {  	_ =	shalt  }
0x41: {  	_ =	shalt  }
0x42: {  	_ =	shalt  }
0x43: {  	_ =	shalt  }
0x44: {  	_ =	shalt  }
0x45: {  	_ =	shalt  }
0x46: {  	_ =	shalt  }
0x47: {  	_ =	shalt  }
0x48: {  	_ =	shalt  }
0x49: {  	_ =	shalt  }
0x4a: {  	_ =	shalt  }
0x4b: {  	_ =	shalt  }
0x4c: {  	_ =	shalt  }
0x4d: {  	_ =	shalt  }
0x4e: {  	_ =	shalt  }
0x4f: {  	_ =	shalt  }
0x50: {  	_ =	shalt  }
0x51: {  	_ =	shalt  }
0x52: {  	_ =	shalt  }
0x53: {  	_ =	shalt  }
0x54: {  	_ =	shalt  }
0x55: {  	_ =	shalt  }
0x56: {  	_ =	shalt  }
0x57: {  	_ =	shalt  }
0x58: {  	_ =	shalt  }
0x59: {  	_ =	shalt  }
0x5a: {  	_ =	shalt  }
0x5b: {  	_ =	shalt  }
0x5c: {  	_ =	shalt  }
0x5d: {  	_ =	shalt  }
0x5e: {  	_ =	shalt  }
0x5f: {  	_ =	shalt  }
0x60: {  	_ =	shalt  }
0x61: {  	_ =	shalt  }
0x62: {  	_ =	shalt  }
0x63: {  	_ =	shalt  }
0x64: {  	_ =	shalt  }
0x65: {  	_ =	shalt  }
0x66: {  	_ =	shalt  }
0x67: {  	_ =	shalt  }
0x68: {  	_ =	shalt  }
0x69: {  	_ =	shalt  }
0x6a: {  	_ =	shalt  }
0x6b: {  	_ =	shalt  }
0x6c: {  	_ =	shalt  }
0x6d: {  	_ =	shalt  }
0x6e: {  	_ =	shalt  }
0x6f: {  	_ =	shalt  }
0x70: {  	_ =	shalt  }
0x71: {  	_ =	shalt  }
0x72: {  	_ =	shalt  }
0x73: {  	_ =	shalt  }
0x74: {  	_ =	shalt  }
0x75: {  	_ =	shalt  }
0x76: {  	_ =	shalt  }
0x77: {  	_ =	shalt  }
0x78: {  	_ =	shalt  }
0x79: {  	_ =	shalt  }
0x7a: {  	_ =	shalt  }
0x7b: {  	_ =	shalt  }
0x7c: {  	_ =	shalt  }
0x7d: {  	_ =	shalt  }
0x7e: {  	_ =	shalt  }
0x7f: {  	_ =	shalt  }
0x80: {  	_ =	shalt  }
0x81: {  	_ =	shalt  }
0x82: {  	_ =	shalt  }
0x83: {  	_ =	shalt  }
0x84: {  	_ =	shalt  }
0x85: {  	_ =	shalt  }
0x86: {  	_ =	shalt  }
0x87: {  	_ =	shalt  }
.Lfunc_end0:
.L_simem_size_0:
called_computation_lowered:
.L_overlay_start_0:
0x88: {  	s2 =	sld [smem:$0x3FD9]  }
0x89: {  	s3 =	sld [smem:$0x3FFE];
	_ =	sdelay $0x1  }
0x8a: {  	s1 =	srdreg.scid  }
0x8b: {  	s0 =	sand.u32 $0x1, s1  }
0x8c: {  	s17 =	sshll.u32 s0, $0xA;
	s2 =	sadd.s32 s3, s2  }
0x8d: {  	s2 =	sadd.s32 s2, s17  }
0x8e: {  	[smem:$0x3FC0] =	sst s2  }
0x8f: {  	_ = 	snop  }
0x90: {  	s2 =	sld [smem:$0x3FD0];
	(tm) =	ssettm $0x1  }
0x91: {  	s18 =	sld [smem:$0x3FFB];
	_ =	sdelay $0x3  }
0x92: {  	_ =	strace s18  }
0x93: {  	s3 =	sld [smem:$0x3FFC];
	_ =	sdelay $0x3  }
0x94: {  	_ =	strace s3  }
0x95: {  	s3 =	sld [smem:$0x3FFD];
	_ =	sdelay $0x3  }
0x96: {  	_ =	strace s3  }
0x97: {  	_ =	strace $0x8FFFFFFF  }
0x98: {  	s19 =	sld [smem:$0x3FDB];
	_ =	sdelay $0x1  }
0x99: {  	s4 =	simm.s32 $_scs_section_size  }
0x9a: {  	s5 =	simm.s32 $_size__tile_overlayer_lowered;
	s6 =	simm.s32 $_tile_overlayer_lowered  }
0x9b: {  	s22 =	simm.s32 $0x1BFF;
	s21 =	sshll.u32 s6, $0x1;
	s3 =	sadd.s32 s4, s19  }
0x9c: {  	s7 =	simm.s32 $0x0;
	s20 =	sshll.u32 s5, $0x1;
	s5 =	sadd.s32 s21, s3  }
0x9d: {  	[timem:s7], [sflag:s22] =	dma.local [hbm:s5], s20  }
0x9e: {  	_ =	swait.ge [sflag:s22], s20  }
0x9f: {  	s4 =	ssub.s32 $0x0, s20;
	[sflag:s22] =	ssyncset.done $0x0  }
0xa0: {  	[sflag:s22] =	ssyncadd.s32 s4;
	_ =	sdelay $0x1  }
0xa1: {  	s23 =	simm.s32 $0x1B8B  }
0xa2: {  	_ =	swait.ge [sflag:s23], $0x1  }
0xa3: {  	[sflag:s23] =	ssyncset.done $0x0  }
0xa4: {  	s25 =	simm.s32 $0x1B8E;
	s24 =	sld [smem:$0x3FFE];
	[sflag:s23] =	ssyncadd.s32 $0xFFFFFFFF  }
0xa5: {  	s26 =	simm.s32 $execute0_lowered;
	[smem:$0x3FD2] =	sst s25  }
0xa6: {  	s5 =	sshll.u32 s26, $0x1;
	_ =	strace $0x80000046;
	[dreg:$0x1] =	wrdreg $0xFFFFFFFF  }
0xa7: {  	s28 =	simm.s32 $_size_execute0_lowered;
	s3 =	sadd.s32 s3, s5;
	[dreg:$0x0] =	wrdreg $0x0  }
0xa8: {  	s5 =	sshll.u32 s28, $0x1;
	[dreg:$0x2] =	wrdreg s3  }
0xa9: {  	[dreg:$0x3] =	wrdreg s5  }
0xaa: {  	[dreg:$0x4] =	wrdreg $0xC0  }
0xab: {  	_ =	task [dreg:s7], $0x5FFFF  }
0xac: {  	[dreg:$0x1] =	wrdreg $0xFFFFFFFF  }
0xad: {  	[dreg:$0x0] =	wrdreg $0x60  }
0xae: {  	[dreg:$0x2] =	wrdreg s2  }
0xaf: {  	[dreg:$0x3] =	wrdreg s24  }
0xb0: {  	[dreg:$0x4] =	wrdreg $0x82000  }
0xb1: {  	[dreg:$0x5] =	wrdreg $0x9  }
0xb2: {  	_ =	task.clear_ibuf [dreg:s7], $0x6FFFF;
	_ =	strace $0x90000046  }
0xb3: {  	s29 =	simm.s32 $0x9;
	_ =	strace $0x80000048  }
0xb4: {  	_ =	swait.ge [sflag:s29], $0x1  }
0xb5: {  	[sflag:s29] =	ssyncadd.s32 $0xFFFFFFFF  }
0xb6: {  	_ =	strace $0x90000048  }
0xb7: {  	_ =	sfence  }
0xb8: {  	s30 =	sld [smem:$0x0];
	_ =	sdelay $0x2  }
0xb9: {  	s31 =	sshll.u32 s1, $0xD;
	s1 =	sshrl.u32 s1, $0x2  }
0xba: {  	s3 =	sand.u32 $0x4000, s31;
	s1 =	sadd.s32 s1, s30  }
0xbb: {  	s0 =	sor.u32 s3, s0;
	s1 =	sshll.u32 s1, $0x11  }
0xbc: {  	s0 =	sor.u32 s1, s0  }
0xbd: {  	s0 =	sadd.s32 $0x8F2B, s0  }
0xbe: {  	[sflag:s0] =	ssyncadd.remote.s32 $0x1  }
0xbf: {  	_ =	sfence.sel $0xFFFF  }
0xc0: {  	[dreg:$0x0] =	wrdreg $0xFFFFFFFF;
	(pc) =	sbr.abs _section_cstart, $3  }
0xc1: {  	[dreg:$0x1] =	wrdreg $0xFFFFFFFF  }
0xc2: {  	_ =	task.clear_ibuf [dreg:s7], $0x2FFFF;
	_ =	strace $0x9FFFFFFF  }
0xc3: {  	(tm) =	ssettm $0x7FFFFFFF  }
tec
execute0_lowered:
.L_overlay_start_1:
0x0: {  	(tag) =	ssettag $0x1  }
0x1: {  	s15 =	rddreg [dreg:$0x0]  }
0x2: {  	s7 =	rddreg [dreg:$0x1]  }
0x3: {  	s1 =	rddreg [dreg:$0x2];
	s2 =	simm.s32 $0x0;
	s3 =	srdreg.scid  }
0x4: {  	s28 =	simm.s32 $0x2;
	s29 =	simm.s32 $0x4;
	s8 =	sand.u32 $0x1, s3  }
0x5: {  	s30 =	simm.s32 $0x0;
	s3 =	stileid.u32;
	s9 =	smul.u32 $0x140000, s8  }
0x6: {  	[smem:$0x7FF] =	sst s2;
	s16 =	sadd.s32 $0x2C00, s7;
	s10 =	smul.u32 $0x14000, s3  }
0x7: {  	s4 =	sadd.s32 $0xD200, s7;
	s5 =	sadd.s32 $0xCA00, s7;
	s18 =	smul.u32 $0x50000, s3  }
0x8: {  	s6 =	sadd.s32 $0xDA00, s7;
	s11 =	sshll.u32 s8, $0x4;
	s22 =	smul.u32 $0x4F0, s8  }
0x9: {  	_ =	strace $0x80000047;
	s24 =	smul.u32 $0x4F, s3;
	s17 =	sor.u32 s3, s11  }
0xa: {  	s12 =	ssub.s32 $0x2, s8;
	s23 =	sshll.u32 s3, $0x6;
	s13 =	smul.u32 $0x4F0, s17  }
0xb: {  	s19 =	sshrl.u32 s12, $0x1;
	s9 =	sadd.s32 s10, s9;
	s20 =	smul.u32 $0x2780, s17  }
0xc: {  	s17 =	ssub.s32 s12, s19;
	s21 =	sshrl.u32 s18, $0x2;
	s26 =	sadd.s32 s24, s22  }
0xd: {  	s22 =	simm.s32 $0x100;
	s24 =	simm.s32 $0x180;
	s9 =	sshrl.u32 s9, $0x3  }
0xe: {  	s18 =	sadd.s32 s21, s1;
	s19 =	sshll.u32 s26, $0x4;
	s21 =	simm.s32 $0x4200  }
0xf: {  	s26 =	simm.s32 $0x3;
	s14 =	sadd.s32 s9, s7;
	s7 =	sor.u32 $0x1C05, s23  }
0x10: {  	s8 =	sadd.s32 s15, s13;
	s25 =	sshrl.u32 s20, $0x3;
	s9 =	sadd.s32 s16, s13  }
0x11: {  	s13 =	smax.u32 s17, $0x1;
	s31 =	sadd.s32 $0x30, s19;
	s20 =	sadd.s32 s19, s15  }
.Ltmp0:
0x12: {  	s19 =	sadd.s32 s19, s16;
	s18 =	sshrl.u32 s18, $0x3;
	(pc) =	sbr.rel .LBB2_1-.Ltmp0, $4  }
0x13: {  	s23 =	simm.s32 $0x80;
	s12 =	sadd.s32 $0x10, s25;
	s17 =	sadd.s32 $0x20, s19  }
0x14: {  	s19 =	simm.s32 $0x5;
	s25 =	simm.s32 $0x1;
	s10 =	sadd.s32 s15, s12  }
0x15: {  	s11 =	sadd.s32 s16, s12;
	s12 =	sadd.s32 $0x10200, s14;
	s14 =	sadd.s32 s31, s15  }
0x16: {  	s15 =	sadd.s32 s31, s16;
	s16 =	sadd.s32 $0x20, s20;
	s20 =	simm.s32 $0x200  }
.LBB2_4:
0x17: {  	_ =	swait.ge [sflag:s25], $0x80  }
0x18: {  	[sflag:s25] =	ssyncset.done $0x0  }
0x19: {  	[sflag:s25] =	ssyncadd.s32 $0xFFFFFF80  }
0x1a: {  	_ =	swait.ge [sflag:s26], $0x80  }
0x1b: {  	[sflag:s26] =	ssyncset.done $0x0  }
0x1c: {  	[sflag:s26] =	ssyncadd.s32 $0xFFFFFF80  }
0x1d: {  	[spmem:s1] =	stream.indirect.scatter.add.f32 [tilespmem:s20], [sflag:$0x5], $0x80, s2, s23, $0xb8;
	[tilespmem:$0x1C200] =	vst v63  }
0x1e: {  	_ =	swait.ge [sflag:s19], $0x4000  }
0x1f: {  	[sflag:s19] =	ssyncset.done $0x0  }
0x20: {  	[sflag:s19] =	ssyncadd.s32 $0xFFFFC000  }
0x21: {  	[spmem:s1] =	stream.indirect.scatter.add.f32 [tilespmem:s21], [sflag:$0x5], $0x80, s22, s23, $0xb8;
	[tilespmem:$0x1C200] =	vst v63  }
0x22: {  	_ =	swait.ge [sflag:s19], $0x4000  }
0x23: {  	s30 =	sadd.s32 $0x1, s30;
	[sflag:s19] =	ssyncset.done $0x0  }
0x24: {  	p0 =	sne.s32 s30, s13;
	[sflag:s19] =	ssyncadd.s32 $0xFFFFC000  }
.Ltmp1:
0x25: {  	[bflag:$0x0] =	sbarrier.arrive $0xFFFF;
	(pc) =	sbr.rel @!p0 .LBB2_5-.Ltmp1, $4  }
0x26: {  	[hbm:s12], [sflag:s7] =	dma.local [spmem:s18], $0x2800  }
0x27: {  	_ =	swait.ge [sflag:s19], $0x2800  }
0x28: {  	[sflag:s19] =	ssyncset.done $0x0  }
0x29: {  	[sflag:s19] =	ssyncadd.s32 $0xFFFFD800  }
.LBB2_1:
0x2a: {  	[spmem:s18], [sflag:s7] =	dma.local [hbm:s6], $0x2800  }
0x2b: {  	_ =	swait.ge [sflag:s19], $0x2800  }
0x2c: {  	[sflag:s19] =	ssyncset.done $0x0  }
0x2d: {  	[sflag:s19] =	ssyncadd.s32 $0xFFFFD800  }
0x2e: {  	[tilespmem:s20], [sflag:$0x5] =	stream.linear.gather [hbm4b:s4+s2], $0x4000, $0x38;
	[tilespmem:$0x1C200] =	vst v63  }
0x2f: {  	_ =	swait.ge [sflag:s19], $0x4000  }
0x30: {  	[sflag:s19] =	ssyncset.done $0x0  }
0x31: {  	[sflag:s19] =	ssyncadd.s32 $0xFFFFC000  }
0x32: {  	[tilespmem:s21], [sflag:$0x5] =	stream.linear.gather [hbm4b:s5+s2], $0x4000, $0x38;
	[tilespmem:$0x1C200] =	vst v63  }
0x33: {  	_ =	swait.ge [sflag:s19], $0x4000  }
0x34: {  	[sflag:s19] =	ssyncset.done $0x0  }
0x35: {  	[sflag:s19] =	ssyncadd.s32 $0xFFFFC000  }
0x36: {  	[tilespmem:s2], [sflag:$0x1] =	stream.linear.gather [hbm4b:s8+s2], $0x80, $0x38;
	[tilespmem:$0x1C200] =	vst v63  }
0x37: {  	_ = 	snop  }
0x38: {  	[tilespmem:s22], [sflag:$0x3] =	stream.linear.gather [hbm4b:s9+s2], $0x80, $0x38;
	[tilespmem:$0x1C200] =	vst v63  }
0x39: {  	_ = 	snop  }
0x3a: {  	[tilespmem:s23], [sflag:$0x2] =	stream.linear.gather [hbm4b:s10+s2], $0x80, $0x38;
	[tilespmem:$0x1C200] =	vst v63  }
0x3b: {  	_ = 	snop  }
0x3c: {  	[tilespmem:s24], [sflag:$0x4] =	stream.linear.gather [hbm4b:s11+s2], $0x80, $0x38;
	[tilespmem:$0x1C200] =	vst v63  }
0x3d: {  	s31 =	simm.s32 $0x0;
	[bflag:$0x0] =	sbarrier.arrive $0xFFFF  }
.LBB2_2:
0x3e: {  	_ =	swait.ge [sflag:s25], $0x80  }
0x3f: {  	[sflag:s25] =	ssyncset.done $0x0  }
0x40: {  	[sflag:s25] =	ssyncadd.s32 $0xFFFFFF80  }
0x41: {  	_ =	swait.ge [sflag:s26], $0x80  }
0x42: {  	[sflag:s26] =	ssyncset.done $0x0  }
0x43: {  	[sflag:s26] =	ssyncadd.s32 $0xFFFFFF80  }
0x44: {  	[spmem:s1] =	stream.indirect.scatter.add.f32 [tilespmem:s20], [sflag:$0x5], $0x80, s2, s23, $0xb8;
	[tilespmem:$0x1C200] =	vst v63  }
0x45: {  	_ =	swait.ge [sflag:s19], $0x4000  }
0x46: {  	[sflag:s19] =	ssyncset.done $0x0  }
0x47: {  	[sflag:s19] =	ssyncadd.s32 $0xFFFFC000  }
0x48: {  	[spmem:s1] =	stream.indirect.scatter.add.f32 [tilespmem:s21], [sflag:$0x5], $0x80, s22, s23, $0xb8;
	[tilespmem:$0x1C200] =	vst v63  }
0x49: {  	_ =	swait.ge [sflag:s19], $0x4000  }
0x4a: {  	[sflag:s19] =	ssyncset.done $0x0  }
0x4b: {  	s0 =	sadd.s32 s31, s16;
	[sflag:s19] =	ssyncadd.s32 $0xFFFFC000  }
0x4c: {  	[tilespmem:s2], [sflag:$0x1] =	stream.linear.gather [hbm4b:s0+s2], $0x80, $0x38;
	[tilespmem:$0x1C200] =	vst v63  }
0x4d: {  	s0 =	sadd.s32 s31, s17  }
0x4e: {  	[tilespmem:s22], [sflag:$0x3] =	stream.linear.gather [hbm4b:s0+s2], $0x80, $0x38;
	[tilespmem:$0x1C200] =	vst v63  }
0x4f: {  	_ =	swait.ge [sflag:s28], $0x80  }
0x50: {  	[sflag:s28] =	ssyncset.done $0x0  }
0x51: {  	[sflag:s28] =	ssyncadd.s32 $0xFFFFFF80  }
0x52: {  	_ =	swait.ge [sflag:s29], $0x80  }
0x53: {  	[sflag:s29] =	ssyncset.done $0x0  }
0x54: {  	[sflag:s29] =	ssyncadd.s32 $0xFFFFFF80  }
0x55: {  	[spmem:s1] =	stream.indirect.scatter.add.f32 [tilespmem:s20], [sflag:$0x5], $0x80, s23, s23, $0xb8;
	[tilespmem:$0x1C200] =	vst v63  }
0x56: {  	_ =	swait.ge [sflag:s19], $0x4000  }
0x57: {  	p0 =	seq.s32 s31, $0x4C0;
	[sflag:s19] =	ssyncset.done $0x0  }
.Ltmp2:
0x58: {  	[sflag:s19] =	ssyncadd.s32 $0xFFFFC000;
	(pc) =	sbr.rel @p0 .LBB2_4-.Ltmp2, $4  }
0x59: {  	[spmem:s1] =	stream.indirect.scatter.add.f32 [tilespmem:s21], [sflag:$0x5], $0x80, s24, s23, $0xb8;
	[tilespmem:$0x1C200] =	vst v63  }
0x5a: {  	_ =	swait.ge [sflag:s19], $0x4000  }
0x5b: {  	[sflag:s19] =	ssyncset.done $0x0  }
0x5c: {  	[sflag:s19] =	ssyncadd.s32 $0xFFFFC000  }
.Ltmp3:
0x5d: {  	(pc) =	sbr.rel .LBB2_2-.Ltmp3, $4  }
0x5e: {  	s0 =	sadd.s32 s31, s14  }
0x5f: {  	[tilespmem:s23], [sflag:$0x2] =	stream.linear.gather [hbm4b:s0+s2], $0x80, $0x38;
	[tilespmem:$0x1C200] =	vst v63  }
0x60: {  	s0 =	sadd.s32 s31, s15;
	s31 =	sadd.s32 $0x20, s31  }
0x61: {  	[tilespmem:s24], [sflag:$0x4] =	stream.linear.gather [hbm4b:s0+s2], $0x80, $0x38;
	[tilespmem:$0x1C200] =	vst v63  }
.LBB2_5:
0x62: {  	_ =	sfence.sel $0x180000  }
0x63: {  	[bflag:$0x0] =	sbarrier.arrive $0xFFFF  }
0x64: {  	_ =	strace $0x90000047  }
0x65: {  	[bflag:$0x2] =	sbarrier.arrive $0xFFFF  }
0x66: {  	p0 =	sne.s32 s3, $0x0;
	s0 =	rddreg [dreg:$0x3]  }
0x67: {  	s0 =	sadd.s32 @!p0 $0x100000, s0  }
0x68: {  	[sflag:s0] =	ssyncadd.tile.s32 @!p0 $0x1;
	_ =	shalt  }
.Lfunc_end2:
_tile_overlayer_lowered:
.L_overlay_start_2:
0x69: {  	(tag) =	ssettag $0x2  }
0x6a: {  	s0 =	rddreg [dreg:$0x0];
	s2 =	stileid.u32  }
0x6b: {  	s1 =	rddreg [dreg:$0x1];
	p0 =	sne.s32 s2, $0x0  }
0x6c: {  	s3 =	rddreg [dreg:$0x2];
	[bflag:$0x3] =	sbarrier.arrive $0xFFFF;
	s2 =	simm.s32 @!p0 $0x1C05  }
0x6d: {  	[timem:s3], [sflag:s2] =	dma.local @!p0 [hbm:s0], s1  }
0x6e: {  	s0 =	simm.s32 @!p0 $0x5  }
0x6f: {  	_ =	swait.ge @!p0 [sflag:s0], s1  }
0x70: {  	s1 =	ssub.s32 @!p0 $0x0, s1;
	[sflag:s0] =	ssyncset.done @!p0 $0x0  }
0x71: {  	[sflag:s0] =	ssyncadd.s32 @!p0 s1  }
0x72: {  	[bflag:$0x3] =	sbarrier.arrive $0xFFFF  }
0x73: {  	_ =	shalt  }

// kernel: kernel.13.cloned.1.call-start
scs
__scs_entry_jumppad:
0x0: {  	(pc) =	sbr.rel $0x88, $3  }
0x1: {  	(tag) =	ssettag $0x0;
	lr =	simm.s32 $0x1  }
0x2: {  	[smem:$0x3F99] =	sst lr;
	_ =	strace $0xD0000000  }
0x3: {  	_ = 	snop  }
0x4: {  	_ = 	snop  }
0x5: {  	_ = 	snop  }
0x6: {  	_ = 	snop  }
0x7: {  	_ = 	snop  }
__scs_overlays_trampoline_lowered:
0x8: {  	[smem:$0x3FA8] =	sst s0  }
0x9: {  	[smem:$0x3FA9] =	sst s1  }
0xa: {  	[smem:$0x3FAA] =	sst s2  }
0xb: {  	[smem:$0x3FAB] =	sst s3  }
0xc: {  	[smem:$0x3FAC] =	sst s4  }
0xd: {  	[smem:$0x3FAD] =	sst s5  }
0xe: {  	[smem:$0x3FAE] =	sst s6  }
0xf: {  	[smem:$0x3FAF] =	sst s7  }
0x10: {  	[smem:$0x3FB0] =	sst s8  }
0x11: {  	[smem:$0x3FB1] =	sst s9;
	s0 =	simm.s32 @!p0 $0x0  }
0x12: {  	s1 =	sld [smem:$0x3F97];
	s0 =	simm.s32 @p0 $0x1  }
0x13: {  	[smem:$0x3FB2] =	sst s0;
	s0 =	simm.s32 @!p1 $0x0  }
0x14: {  	s2 =	sld [smem:$0x3F96];
	s0 =	simm.s32 @p1 $0x1  }
0x15: {  	[smem:$0x3FB3] =	sst s0;
	s0 =	simm.s32 @!p2 $0x0  }
0x16: {  	s3 =	sld [smem:$0x3FDB];
	s0 =	simm.s32 @p2 $0x1  }
0x17: {  	s4 =	simm.s32 $0x1BF5;
	[smem:$0x3FB5] =	sst s0  }
0x18: {  	s0 =	sld [smem:$0x3F98];
	_ =	swait.ge [sflag:s4], $0x0  }
0x19: {  	s7 =	sld [smem:$0x3F99]  }
0x1a: {  	s8 =	sadd.s32 $0xFFFFE003, lr  }
0x1b: {  	s9 =	sadd.s32 $0xFFFFFEF7, lr;
	s5 =	simm.s32 $0xFFFFFFFF;
	p2 =	slt.u32 s8, $0xFFFFF086  }
0x1c: {  	p1 =	slt.u32 s9, $0xF7A;
	s5 =	simm.s32 @!p2 $0x0  }
0x1d: {  	s5 =	simm.s32 @p1 $0x1;
	p0 =	seq.s32 s7, s2  }
0x1e: {  	s7 =	smul.u32 @!p0 $0xF7A, s2;
	p2 =	seq.s32 @!p0 s5, $0x0  }
0x1f: {  	s9 =	smul.u32 $0xF7A, s1;
	s8 =	simm.s32 @!p0 $0x1BF5;
	p2 =	por !p2, p0  }
0x20: {  	[sflag:s8] =	ssyncset.s32 @!p0 $0xFFFFF086;
	s6 =	sadd.s32 @!p0 s3, s7;
	s7 =	simm.s32 @!p0 $0x108  }
0x21: {  	s3 =	sadd.s32 s3, s9;
	s6 =	sadd.s32 @!p0 $0x88, s6;
	s7 =	simm.s32 @p2 $0x1082  }
0x22: {  	[simem:s7], [sflag:s8] =	dma.local @!p0 [hbm:s6], $0xF7A  }
0x23: {  	s9 =	sor.u32 $0xD0000000, s2;
	s6 =	simm.s32 $0x108;
	_ =	swait.ge @!p0 [sflag:s8], $0x0  }
0x24: {  	s3 =	sadd.s32 $0x88, s3;
	s6 =	simm.s32 @!p1 $0x1082;
	[sflag:s4] =	ssyncset.s32 $0xFFFFF086  }
0x25: {  	[simem:s6], [sflag:s4] =	dma.local [hbm:s3], $0xF7A  }
0x26: {  	[smem:$0x3F99] =	sst s1;
	(tag) =	ssettag s2;
	_ =	strace s9  }
0x27: {  	s1 =	sld [smem:$0x3FA9]  }
0x28: {  	s2 =	sld [smem:$0x3FAA]  }
0x29: {  	s4 =	sld [smem:$0x3FAC]  }
0x2a: {  	p0 =	seq.s32 s5, $0x0;
	s5 =	sld [smem:$0x3FAD]  }
0x2b: {  	s6 =	sld [smem:$0x3FAE]  }
0x2c: {  	s7 =	sld [smem:$0x3FAF]  }
0x2d: {  	s3 =	simm.s32 $0x108;
	s8 =	sld [smem:$0x3FB0]  }
0x2e: {  	s3 =	simm.s32 @!p0 $0x1082;
	s9 =	sld [smem:$0x3FB1]  }
0x2f: {  	lr =	sadd.s32 s0, s3;
	s0 =	sld [smem:$0x3FA8]  }
0x30: {  	s3 =	sld [smem:$0x3FAB]  }
0x31: {  	[smem:$0x3FB4] =	sst s10  }
0x32: {  	s10 =	sld [smem:$0x3FB2];
	_ =	sdelay $0x3  }
0x33: {  	p0 =	seq.s32 s10, $0x1;
	s10 =	sld [smem:$0x3FB4];
	_ =	sdelay $0x3  }
0x34: {  	[smem:$0x3FB4] =	sst s10  }
0x35: {  	s10 =	sld [smem:$0x3FB3];
	_ =	sdelay $0x3  }
0x36: {  	p1 =	seq.s32 s10, $0x1;
	s10 =	sld [smem:$0x3FB4];
	_ =	sdelay $0x3  }
0x37: {  	[smem:$0x3FB4] =	sst s10  }
0x38: {  	s10 =	sld [smem:$0x3FB5]  }
0x39: {  	_ = 	snop;
	(pc) =	sbr.ind lr, $3  }
0x3a: {  	_ = 	snop  }
0x3b: {  	_ = 	snop  }
0x3c: {  	p2 =	seq.s32 s10, $0x1;
	s10 =	sld [smem:$0x3FB4]  }
0x3d: {  	_ =	shalt  }
0x3e: {  	_ =	shalt  }
0x3f: {  	_ =	shalt  }
0x40: {  	_ =	shalt  }
0x41: {  	_ =	shalt  }
0x42: {  	_ =	shalt  }
0x43: {  	_ =	shalt  }
0x44: {  	_ =	shalt  }
0x45: {  	_ =	shalt  }
0x46: {  	_ =	shalt  }
0x47: {  	_ =	shalt  }
0x48: {  	_ =	shalt  }
0x49: {  	_ =	shalt  }
0x4a: {  	_ =	shalt  }
0x4b: {  	_ =	shalt  }
0x4c: {  	_ =	shalt  }
0x4d: {  	_ =	shalt  }
0x4e: {  	_ =	shalt  }
0x4f: {  	_ =	shalt  }
0x50: {  	_ =	shalt  }
0x51: {  	_ =	shalt  }
0x52: {  	_ =	shalt  }
0x53: {  	_ =	shalt  }
0x54: {  	_ =	shalt  }
0x55: {  	_ =	shalt  }
0x56: {  	_ =	shalt  }
0x57: {  	_ =	shalt  }
0x58: {  	_ =	shalt  }
0x59: {  	_ =	shalt  }
0x5a: {  	_ =	shalt  }
0x5b: {  	_ =	shalt  }
0x5c: {  	_ =	shalt  }
0x5d: {  	_ =	shalt  }
0x5e: {  	_ =	shalt  }
0x5f: {  	_ =	shalt  }
0x60: {  	_ =	shalt  }
0x61: {  	_ =	shalt  }
0x62: {  	_ =	shalt  }
0x63: {  	_ =	shalt  }
0x64: {  	_ =	shalt  }
0x65: {  	_ =	shalt  }
0x66: {  	_ =	shalt  }
0x67: {  	_ =	shalt  }
0x68: {  	_ =	shalt  }
0x69: {  	_ =	shalt  }
0x6a: {  	_ =	shalt  }
0x6b: {  	_ =	shalt  }
0x6c: {  	_ =	shalt  }
0x6d: {  	_ =	shalt  }
0x6e: {  	_ =	shalt  }
0x6f: {  	_ =	shalt  }
0x70: {  	_ =	shalt  }
0x71: {  	_ =	shalt  }
0x72: {  	_ =	shalt  }
0x73: {  	_ =	shalt  }
0x74: {  	_ =	shalt  }
0x75: {  	_ =	shalt  }
0x76: {  	_ =	shalt  }
0x77: {  	_ =	shalt  }
0x78: {  	_ =	shalt  }
0x79: {  	_ =	shalt  }
0x7a: {  	_ =	shalt  }
0x7b: {  	_ =	shalt  }
0x7c: {  	_ =	shalt  }
0x7d: {  	_ =	shalt  }
0x7e: {  	_ =	shalt  }
0x7f: {  	_ =	shalt  }
0x80: {  	_ =	shalt  }
0x81: {  	_ =	shalt  }
0x82: {  	_ =	shalt  }
0x83: {  	_ =	shalt  }
0x84: {  	_ =	shalt  }
0x85: {  	_ =	shalt  }
0x86: {  	_ =	shalt  }
0x87: {  	_ =	shalt  }
.Lfunc_end0:
.L_simem_size_0:
called_computation.1_lowered:
.L_overlay_start_0:
0x88: {  	s2 =	sld [smem:$0x3FD9]  }
0x89: {  	s3 =	sld [smem:$0x3FFE];
	_ =	sdelay $0x1  }
0x8a: {  	s1 =	srdreg.scid  }
0x8b: {  	s0 =	sand.u32 $0x1, s1  }
0x8c: {  	s17 =	sshll.u32 s0, $0xA;
	s2 =	sadd.s32 s3, s2  }
0x8d: {  	s2 =	sadd.s32 s2, s17  }
0x8e: {  	[smem:$0x3FC0] =	sst s2  }
0x8f: {  	_ = 	snop  }
0x90: {  	s2 =	sld [smem:$0x3FD0];
	(tm) =	ssettm $0x1  }
0x91: {  	s18 =	sld [smem:$0x3FFB];
	_ =	sdelay $0x3  }
0x92: {  	_ =	strace s18  }
0x93: {  	s3 =	sld [smem:$0x3FFC];
	_ =	sdelay $0x3  }
0x94: {  	_ =	strace s3  }
0x95: {  	s3 =	sld [smem:$0x3FFD];
	_ =	sdelay $0x3  }
0x96: {  	_ =	strace s3  }
0x97: {  	_ =	strace $0x8FFFFFFF  }
0x98: {  	s19 =	sld [smem:$0x3FDB];
	_ =	sdelay $0x1  }
0x99: {  	s4 =	simm.s32 $_scs_section_size  }
0x9a: {  	s5 =	simm.s32 $_size__tile_overlayer_lowered;
	s6 =	simm.s32 $_tile_overlayer_lowered  }
0x9b: {  	s22 =	simm.s32 $0x1BFF;
	s21 =	sshll.u32 s6, $0x1;
	s3 =	sadd.s32 s4, s19  }
0x9c: {  	s7 =	simm.s32 $0x0;
	s20 =	sshll.u32 s5, $0x1;
	s5 =	sadd.s32 s21, s3  }
0x9d: {  	[timem:s7], [sflag:s22] =	dma.local [hbm:s5], s20  }
0x9e: {  	_ =	swait.ge [sflag:s22], s20  }
0x9f: {  	s4 =	ssub.s32 $0x0, s20;
	[sflag:s22] =	ssyncset.done $0x0  }
0xa0: {  	[sflag:s22] =	ssyncadd.s32 s4;
	_ =	sdelay $0x1  }
0xa1: {  	s23 =	simm.s32 $0x1B8B  }
0xa2: {  	_ =	swait.ge [sflag:s23], $0x1  }
0xa3: {  	[sflag:s23] =	ssyncset.done $0x0  }
0xa4: {  	s25 =	simm.s32 $0x1B8E;
	s24 =	sld [smem:$0x3FFE];
	[sflag:s23] =	ssyncadd.s32 $0xFFFFFFFF  }
0xa5: {  	s26 =	simm.s32 $execute0_lowered;
	[smem:$0x3FD2] =	sst s25  }
0xa6: {  	s5 =	sshll.u32 s26, $0x1;
	_ =	strace $0x80000049;
	[dreg:$0x1] =	wrdreg $0xFFFFFFFF  }
0xa7: {  	s28 =	simm.s32 $_size_execute0_lowered;
	s3 =	sadd.s32 s3, s5;
	[dreg:$0x0] =	wrdreg $0x0  }
0xa8: {  	s5 =	sshll.u32 s28, $0x1;
	[dreg:$0x2] =	wrdreg s3  }
0xa9: {  	[dreg:$0x3] =	wrdreg s5  }
0xaa: {  	[dreg:$0x4] =	wrdreg $0xC0  }
0xab: {  	_ =	task [dreg:s7], $0x5FFFF  }
0xac: {  	[dreg:$0x1] =	wrdreg $0xFFFFFFFF  }
0xad: {  	[dreg:$0x0] =	wrdreg $0x60  }
0xae: {  	[dreg:$0x2] =	wrdreg s24  }
0xaf: {  	[dreg:$0x3] =	wrdreg s2  }
0xb0: {  	[dreg:$0x4] =	wrdreg $0x82000  }
0xb1: {  	[dreg:$0x5] =	wrdreg $0x9  }
0xb2: {  	_ =	task.clear_ibuf [dreg:s7], $0x6FFFF;
	_ =	strace $0x90000049  }
0xb3: {  	s29 =	simm.s32 $0x9;
	_ =	strace $0x8000004B  }
0xb4: {  	_ =	swait.ge [sflag:s29], $0x1  }
0xb5: {  	[sflag:s29] =	ssyncadd.s32 $0xFFFFFFFF  }
0xb6: {  	_ =	strace $0x9000004B  }
0xb7: {  	_ =	sfence  }
0xb8: {  	s30 =	sld [smem:$0x0];
	_ =	sdelay $0x2  }
0xb9: {  	s31 =	sshll.u32 s1, $0xD;
	s1 =	sshrl.u32 s1, $0x2  }
0xba: {  	s3 =	sand.u32 $0x4000, s31;
	s1 =	sadd.s32 s1, s30  }
0xbb: {  	s0 =	sor.u32 s3, s0;
	s1 =	sshll.u32 s1, $0x11  }
0xbc: {  	s0 =	sor.u32 s1, s0  }
0xbd: {  	s0 =	sadd.s32 $0x8F2B, s0  }
0xbe: {  	[sflag:s0] =	ssyncadd.remote.s32 $0x1  }
0xbf: {  	_ =	sfence.sel $0xFFFF  }
0xc0: {  	[dreg:$0x0] =	wrdreg $0xFFFFFFFF;
	(pc) =	sbr.abs _section_cstart, $3  }
0xc1: {  	[dreg:$0x1] =	wrdreg $0xFFFFFFFF  }
0xc2: {  	_ =	task.clear_ibuf [dreg:s7], $0x2FFFF;
	_ =	strace $0x9FFFFFFF  }
0xc3: {  	(tm) =	ssettm $0x7FFFFFFF  }
tec
execute0_lowered:
.L_overlay_start_1:
0x0: {  	(tag) =	ssettag $0x1  }
0x1: {  	s6 =	rddreg [dreg:$0x0]  }
0x2: {  	s10 =	rddreg [dreg:$0x1];
	s0 =	srdreg.scid  }
0x3: {  	s2 =	rddreg [dreg:$0x2];
	s25 =	stileid.u32;
	s3 =	simm.s32 $0x0  }
0x4: {  	s16 =	simm.s32 $0x100;
	s17 =	simm.s32 $0x80;
	s18 =	simm.s32 $0x200  }
0x5: {  	s19 =	simm.s32 $0x180;
	s20 =	simm.s32 $0x4;
	s21 =	simm.s32 $0x4200  }
0x6: {  	s22 =	simm.s32 $0x0;
	s7 =	sand.u32 $0x1, s0;
	s5 =	smul.u32 $0x14000, s25  }
0x7: {  	[smem:$0x7FF] =	sst s3;
	s11 =	sadd.s32 $0x2C00, s6;
	s14 =	smul.u32 $0x50000, s25  }
0x8: {  	s13 =	sshll.u32 s25, $0x4;
	s29 =	sshll.u32 s25, $0x6;
	s4 =	smul.u32 $0x140000, s7  }
0x9: {  	_ =	strace $0x8000004A;
	s26 =	ssub.s32 $0x2, s7;
	p0 =	seq.s32 s7, $0x0  }
0xa: {  	s7 =	smul.u32 $0x8E, s25;
	s9 =	sshrl.u32 s26, $0x1;
	s28 =	sshrl.u32 s14, $0x2  }
0xb: {  	s5 =	sadd.s32 s5, s4;
	s4 =	sadd.s32 $0xB0200, s6;
	s15 =	ssub.s32 s26, s9  }
0xc: {  	s14 =	sadd.s32 s28, s2;
	s8 =	sshrl.u32 s5, $0x3;
	s5 =	sadd.s32 $0xDA00, s6  }
0xd: {  	s12 =	sadd.s32 s8, s6;
	s6 =	simm.s32 $0x8E;
	s8 =	sadd.s32 $0x8E0, s13  }
0xe: {  	s14 =	sshrl.u32 s14, $0x3;
	s6 =	simm.s32 @!p0 $0x10;
	s8 =	smov.u32 @p0 s7  }
0xf: {  	s7 =	sor.u32 $0x1C07, s29;
	s12 =	sadd.s32 $0xD8200, s12;
	s30 =	sshll.u32 s8, $0x4  }
0x10: {  	s31 =	sadd.s32 $0xFFFFFFFF, s6;
	s8 =	sadd.s32 s10, s30;
	s13 =	sor.u32 $0x10, s30  }
0x11: {  	s9 =	sadd.s32 s11, s30;
	[dreg:$0x4] =	wrdreg s31;
	s10 =	sadd.s32 s10, s13  }
0x12: {  	s11 =	sadd.s32 s11, s13;
	s13 =	smax.u32 s15, $0x1;
	s15 =	simm.s32 $0x7  }
.LBB2_1:
0x13: {  	[spmem:s14], [sflag:s7] =	dma.local [hbm:s5], $0x2800  }
0x14: {  	_ =	swait.ge [sflag:s15], $0x2800  }
0x15: {  	[sflag:s15] =	ssyncset.done $0x0  }
0x16: {  	[sflag:s15] =	ssyncadd.s32 $0xFFFFD800  }
0x17: {  	[tilespmem:s3], [sflag:$0x3] =	stream.linear.gather [hbm4b:s8+s3], $0x80, $0x38;
	[tilespmem:$0x1C200] =	vst v63  }
0x18: {  	s23 =	simm.s32 $0x3  }
0x19: {  	[tilespmem:s16], [sflag:$0x5] =	stream.linear.gather [hbm4b:s9+s3], $0x80, $0x38;
	[tilespmem:$0x1C200] =	vst v63  }
0x1a: {  	_ =	swait.ge [sflag:s23], $0x80  }
0x1b: {  	[sflag:s23] =	ssyncset.done $0x0  }
0x1c: {  	[sflag:s23] =	ssyncadd.s32 $0xFFFFFF80  }
0x1d: {  	[tilespmem:s18], [sflag:$0x1] =	stream.indirect.gather [hbm4b:s4+s17], $0x80, s3, s17, $0xb8;
	[tilespmem:$0x1C200] =	vst v63  }
0x1e: {  	_ = 	snop  }
0x1f: {  	[tilespmem:s17], [sflag:$0x4] =	stream.linear.gather [hbm4b:s10+s3], $0x80, $0x38;
	[tilespmem:$0x1C200] =	vst v63  }
0x20: {  	_ = 	snop  }
0x21: {  	[tilespmem:s19], [sflag:$0x6] =	stream.linear.gather [hbm4b:s11+s3], $0x80, $0x38;
	[tilespmem:$0x1C200] =	vst v63  }
0x22: {  	_ =	swait.ge [sflag:s20], $0x80  }
0x23: {  	[sflag:s20] =	ssyncset.done $0x0  }
0x24: {  	p0 =	sle.u32 s6, $0x0;
	[sflag:s20] =	ssyncadd.s32 $0xFFFFFF80  }
0x25: {  	[tilespmem:s21], [sflag:$0x2] =	stream.indirect.gather [hbm4b:s4+s17], $0x80, s17, s17, $0xb8;
	[tilespmem:$0x1C200] =	vst v63  }
0x26: {  	s23 =	simm.s32 @!p0 $0x1;
	[bflag:$0x0] =	sbarrier.arrive $0xFFFF  }
0x27: {  	_ =	swait.ge @!p0 [sflag:s23], $0x4000  }
0x28: {  	[sflag:s23] =	ssyncset.done @!p0 $0x0  }
0x29: {  	[sflag:s23] =	ssyncadd.s32 @!p0 $0xFFFFC000;
	s23 =	simm.s32 @!p0 $0x5  }
0x2a: {  	p1 =	sle.u32 @!p0 s6, $0x2;
	_ =	swait.ge @!p0 [sflag:s23], $0x80  }
0x2b: {  	s24 =	simm.s32 @!p0 $0x200;
	s25 =	simm.s32 @!p0 $0x7;
	[sflag:s23] =	ssyncset.done @!p0 $0x0  }
0x2c: {  	s26 =	simm.s32 @!p0 $0x100;
	[sflag:s23] =	ssyncadd.s32 @!p0 $0xFFFFFF80;
	s23 =	simm.s32 @!p0 $0x80  }
0x2d: {  	[spmem:s2] =	stream.indirect.scatter.add.f32 @!p0 [tilespmem:s24], [sflag:$0x7], $0x80, s26, s23, $0xb8;
	[tilespmem:$0x1C200] =	vst v63  }
0x2e: {  	p1 =	por p1, p0;
	_ =	swait.ge @!p0 [sflag:s25], $0x4000  }
0x2f: {  	s23 =	sadd.s32 @!p1 $0x0, s8;
	s24 =	sadd.s32 @!p1 $0x0, s9;
	[sflag:s25] =	ssyncset.done @!p0 $0x0  }
0x30: {  	s23 =	sadd.s32 @!p1 $0x20, s23;
	[sflag:s25] =	ssyncadd.s32 @!p0 $0xFFFFC000;
	s25 =	simm.s32 @!p1 $0x0  }
0x31: {  	[tilespmem:s25], [sflag:$0x3] =	stream.linear.gather @!p1 [hbm4b:s23+s25], $0x80, $0x38;
	[tilespmem:$0x1C200] =	vst v63  }
0x32: {  	s26 =	simm.s32 @!p1 $0x3;
	s23 =	sadd.s32 @!p1 $0x20, s24;
	s24 =	simm.s32 @!p1 $0x100  }
0x33: {  	[tilespmem:s24], [sflag:$0x5] =	stream.linear.gather @!p1 [hbm4b:s23+s25], $0x80, $0x38;
	[tilespmem:$0x1C200] =	vst v63  }
0x34: {  	_ =	swait.ge @!p1 [sflag:s26], $0x80  }
0x35: {  	s24 =	simm.s32 @!p1 $0x80;
	[sflag:s26] =	ssyncset.done @!p1 $0x0;
	s31 =	rddreg [dreg:$0x4]  }
0x36: {  	[sflag:s26] =	ssyncadd.s32 @!p1 $0xFFFFFF80;
	s26 =	simm.s32 @!p1 $0x200;
	p0 =	sle.u32 s31, $0x0  }
0x37: {  	[tilespmem:s26], [sflag:$0x1] =	stream.indirect.gather @!p1 [hbm4b:s4+s24], $0x80, s25, s24, $0xb8;
	[tilespmem:$0x1C200] =	vst v63  }
0x38: {  	s23 =	simm.s32 @!p0 $0x2  }
0x39: {  	_ =	swait.ge @!p0 [sflag:s23], $0x4000  }
0x3a: {  	[sflag:s23] =	ssyncset.done @!p0 $0x0  }
0x3b: {  	[sflag:s23] =	ssyncadd.s32 @!p0 $0xFFFFC000;
	s23 =	simm.s32 @!p0 $0x6  }
0x3c: {  	p1 =	sle.u32 @!p0 s6, $0x3;
	_ =	swait.ge @!p0 [sflag:s23], $0x80  }
0x3d: {  	s24 =	simm.s32 @!p0 $0x4200;
	s25 =	simm.s32 @!p0 $0x7;
	[sflag:s23] =	ssyncset.done @!p0 $0x0  }
0x3e: {  	s26 =	simm.s32 @!p0 $0x180;
	[sflag:s23] =	ssyncadd.s32 @!p0 $0xFFFFFF80;
	s23 =	simm.s32 @!p0 $0x80  }
0x3f: {  	[spmem:s2] =	stream.indirect.scatter.add.f32 @!p0 [tilespmem:s24], [sflag:$0x7], $0x80, s26, s23, $0xb8;
	[tilespmem:$0x1C200] =	vst v63  }
0x40: {  	p1 =	por p1, p0;
	_ =	swait.ge @!p0 [sflag:s25], $0x4000  }
0x41: {  	s29 =	simm.s32 @!p1 $0x80;
	s23 =	sadd.s32 @!p1 $0x0, s8;
	[sflag:s25] =	ssyncset.done @!p0 $0x0  }
0x42: {  	s24 =	simm.s32 @!p1 $0x0;
	s23 =	sadd.s32 @!p1 $0x30, s23;
	[sflag:s25] =	ssyncadd.s32 @!p0 $0xFFFFC000  }
0x43: {  	[tilespmem:s29], [sflag:$0x4] =	stream.linear.gather @!p1 [hbm4b:s23+s24], $0x80, $0x38;
	[tilespmem:$0x1C200] =	vst v63  }
0x44: {  	s23 =	sadd.s32 @!p1 $0x0, s9  }
0x45: {  	s25 =	simm.s32 @!p1 $0x180;
	s23 =	sadd.s32 @!p1 $0x30, s23  }
0x46: {  	[tilespmem:s25], [sflag:$0x6] =	stream.linear.gather @!p1 [hbm4b:s23+s24], $0x80, $0x38;
	[tilespmem:$0x1C200] =	vst v63  }
0x47: {  	s30 =	simm.s32 @!p1 $0x4;
	s26 =	simm.s32 $0x2;
	s23 =	simm.s32 $0x20  }
0x48: {  	s25 =	simm.s32 $0x40;
	s24 =	simm.s32 $0x5;
	_ =	swait.ge @!p1 [sflag:s30], $0x80  }
.LBB2_2:
0x49: {  	p2 =	sge.u32 s26, s6;
	[sflag:s30] =	ssyncset.done @!p1 $0x0  }
0x4a: {  	s31 =	simm.s32 @!p1 $0x4200;
	s0 =	simm.s32 @!p2 $0x1;
	[sflag:s30] =	ssyncadd.s32 @!p1 $0xFFFFFF80  }
0x4b: {  	[tilespmem:s31], [sflag:$0x2] =	stream.indirect.gather @!p1 [hbm4b:s4+s29], $0x80, s29, s29, $0xb8;
	[tilespmem:$0x1C200] =	vst v63  }
0x4c: {  	_ =	swait.ge @!p2 [sflag:s0], $0x4000  }
0x4d: {  	[sflag:s0] =	ssyncset.done @!p2 $0x0  }
0x4e: {  	[sflag:s0] =	ssyncadd.s32 @!p2 $0xFFFFC000;
	s0 =	simm.s32 @!p2 $0x5  }
0x4f: {  	s1 =	sadd.s32 @!p2 $0xFFFFFFFF, s24;
	s30 =	simm.s32 @!p2 $0x100;
	_ =	swait.ge @!p2 [sflag:s0], $0x80  }
0x50: {  	p1 =	sge.u32 @!p2 s1, s6;
	s1 =	simm.s32 @!p2 $0x200;
	[sflag:s0] =	ssyncset.done @!p2 $0x0  }
0x51: {  	s29 =	simm.s32 @!p2 $0x7;
	[sflag:s0] =	ssyncadd.s32 @!p2 $0xFFFFFF80;
	s0 =	simm.s32 @!p2 $0x80  }
0x52: {  	[spmem:s2] =	stream.indirect.scatter.add.f32 @!p2 [tilespmem:s1], [sflag:$0x7], $0x80, s30, s0, $0xb8;
	[tilespmem:$0x1C200] =	vst v63  }
0x53: {  	p1 =	por p1, p2;
	_ =	swait.ge @!p2 [sflag:s29], $0x4000  }
0x54: {  	s0 =	sadd.s32 @!p1 s23, s8;
	s1 =	sadd.s32 @!p1 s23, s9;
	[sflag:s29] =	ssyncset.done @!p2 $0x0  }
0x55: {  	s0 =	sadd.s32 @!p1 $0x20, s0;
	[sflag:s29] =	ssyncadd.s32 @!p2 $0xFFFFC000;
	s29 =	simm.s32 @!p1 $0x0  }
0x56: {  	[tilespmem:s29], [sflag:$0x3] =	stream.linear.gather @!p1 [hbm4b:s0+s29], $0x80, $0x38;
	[tilespmem:$0x1C200] =	vst v63  }
0x57: {  	s30 =	simm.s32 @!p1 $0x3;
	s0 =	sadd.s32 @!p1 $0x20, s1;
	s1 =	simm.s32 @!p1 $0x100  }
0x58: {  	[tilespmem:s1], [sflag:$0x5] =	stream.linear.gather @!p1 [hbm4b:s0+s29], $0x80, $0x38;
	[tilespmem:$0x1C200] =	vst v63  }
0x59: {  	_ =	swait.ge @!p1 [sflag:s30], $0x80  }
0x5a: {  	s1 =	simm.s32 @!p1 $0x80;
	[sflag:s30] =	ssyncset.done @!p1 $0x0;
	s31 =	rddreg [dreg:$0x4]  }
0x5b: {  	[sflag:s30] =	ssyncadd.s32 @!p1 $0xFFFFFF80;
	s30 =	simm.s32 @!p1 $0x200;
	p2 =	sge.u32 s26, s31  }
0x5c: {  	[tilespmem:s30], [sflag:$0x1] =	stream.indirect.gather @!p1 [hbm4b:s4+s1], $0x80, s29, s1, $0xb8;
	[tilespmem:$0x1C200] =	vst v63  }
0x5d: {  	s0 =	simm.s32 @!p2 $0x2  }
0x5e: {  	_ =	swait.ge @!p2 [sflag:s0], $0x4000  }
0x5f: {  	[sflag:s0] =	ssyncset.done @!p2 $0x0  }
0x60: {  	s28 =	smov.u32 s25;
	[sflag:s0] =	ssyncadd.s32 @!p2 $0xFFFFC000;
	s0 =	simm.s32 @!p2 $0x6  }
0x61: {  	s25 =	sadd.s32 $0x20, s25;
	p1 =	sge.u32 @!p2 s24, s6;
	_ =	swait.ge @!p2 [sflag:s0], $0x80  }
0x62: {  	s1 =	simm.s32 @!p2 $0x4200;
	s26 =	simm.s32 @!p2 $0x7;
	[sflag:s0] =	ssyncset.done @!p2 $0x0  }
0x63: {  	s29 =	simm.s32 @!p2 $0x180;
	[sflag:s0] =	ssyncadd.s32 @!p2 $0xFFFFFF80;
	s0 =	simm.s32 @!p2 $0x80  }
0x64: {  	[spmem:s2] =	stream.indirect.scatter.add.f32 @!p2 [tilespmem:s1], [sflag:$0x7], $0x80, s29, s0, $0xb8;
	[tilespmem:$0x1C200] =	vst v63  }
0x65: {  	p0 =	sne.s32 s25, $0x8E0;
	p1 =	por p1, p2;
	_ =	swait.ge @!p2 [sflag:s26], $0x4000  }
0x66: {  	s0 =	sadd.s32 @!p1 s23, s8;
	s1 =	simm.s32 @!p1 $0x0;
	[sflag:s26] =	ssyncset.done @!p2 $0x0  }
0x67: {  	s29 =	simm.s32 @!p1 $0x80;
	s0 =	sadd.s32 @!p1 $0x30, s0;
	[sflag:s26] =	ssyncadd.s32 @!p2 $0xFFFFC000  }
0x68: {  	[tilespmem:s29], [sflag:$0x4] =	stream.linear.gather @!p1 [hbm4b:s0+s1], $0x80, $0x38;
	[tilespmem:$0x1C200] =	vst v63  }
.Ltmp0:
0x69: {  	_ = 	snop;
	(pc) =	sbr.rel @p0 .LBB2_2-.Ltmp0, $4  }
0x6a: {  	s24 =	sadd.s32 $0x2, s24;
	s0 =	sadd.s32 @!p1 s23, s9  }
0x6b: {  	s30 =	simm.s32 @!p1 $0x4;
	s26 =	simm.s32 @!p1 $0x180;
	s0 =	sadd.s32 @!p1 $0x30, s0  }
0x6c: {  	[tilespmem:s26], [sflag:$0x6] =	stream.linear.gather @!p1 [hbm4b:s0+s1], $0x80, $0x38;
	[tilespmem:$0x1C200] =	vst v63  }
0x6d: {  	s23 =	smov.u32 s28;
	s26 =	sadd.s32 $0xFFFFFFFD, s24;
	_ =	swait.ge @!p1 [sflag:s30], $0x80  }
0x6e: {  	p0 =	sge.u32 s26, s6;
	[sflag:s30] =	ssyncset.done @!p1 $0x0  }
0x6f: {  	s0 =	simm.s32 @!p1 $0x4200;
	s1 =	simm.s32 @!p0 $0x1;
	[sflag:s30] =	ssyncadd.s32 @!p1 $0xFFFFFF80  }
0x70: {  	[tilespmem:s0], [sflag:$0x2] =	stream.indirect.gather @!p1 [hbm4b:s4+s29], $0x80, s29, s29, $0xb8;
	[tilespmem:$0x1C200] =	vst v63  }
0x71: {  	_ =	swait.ge @!p0 [sflag:s1], $0x4000  }
0x72: {  	[sflag:s1] =	ssyncset.done @!p0 $0x0  }
0x73: {  	[sflag:s1] =	ssyncadd.s32 @!p0 $0xFFFFC000;
	s1 =	simm.s32 @!p0 $0x5  }
0x74: {  	s25 =	simm.s32 @!p0 $0x7;
	s0 =	sadd.s32 @!p0 $0xFFFFFFFF, s24;
	_ =	swait.ge @!p0 [sflag:s1], $0x80  }
0x75: {  	s28 =	simm.s32 @!p0 $0x100;
	p1 =	sge.u32 @!p0 s0, s6;
	[sflag:s1] =	ssyncset.done @!p0 $0x0  }
0x76: {  	s0 =	simm.s32 @!p0 $0x200;
	[sflag:s1] =	ssyncadd.s32 @!p0 $0xFFFFFF80;
	s1 =	simm.s32 @!p0 $0x80  }
0x77: {  	[spmem:s2] =	stream.indirect.scatter.add.f32 @!p0 [tilespmem:s0], [sflag:$0x7], $0x80, s28, s1, $0xb8;
	[tilespmem:$0x1C200] =	vst v63  }
0x78: {  	p1 =	por p1, p0;
	_ =	swait.ge @!p0 [sflag:s25], $0x4000  }
0x79: {  	s0 =	sadd.s32 @!p1 s23, s8;
	s1 =	sadd.s32 @!p1 s23, s9;
	[sflag:s25] =	ssyncset.done @!p0 $0x0  }
0x7a: {  	s0 =	sadd.s32 @!p1 $0x20, s0;
	[sflag:s25] =	ssyncadd.s32 @!p0 $0xFFFFC000;
	s25 =	simm.s32 @!p1 $0x0  }
0x7b: {  	[tilespmem:s25], [sflag:$0x3] =	stream.linear.gather @!p1 [hbm4b:s0+s25], $0x80, $0x38;
	[tilespmem:$0x1C200] =	vst v63  }
0x7c: {  	s28 =	simm.s32 @!p1 $0x3;
	s0 =	sadd.s32 @!p1 $0x20, s1;
	s1 =	simm.s32 @!p1 $0x100  }
0x7d: {  	[tilespmem:s1], [sflag:$0x5] =	stream.linear.gather @!p1 [hbm4b:s0+s25], $0x80, $0x38;
	[tilespmem:$0x1C200] =	vst v63  }
0x7e: {  	_ =	swait.ge @!p1 [sflag:s28], $0x80  }
0x7f: {  	s1 =	simm.s32 @!p1 $0x80;
	[sflag:s28] =	ssyncset.done @!p1 $0x0;
	s31 =	rddreg [dreg:$0x4]  }
0x80: {  	[sflag:s28] =	ssyncadd.s32 @!p1 $0xFFFFFF80;
	s28 =	simm.s32 @!p1 $0x200;
	p0 =	sge.u32 s26, s31  }
0x81: {  	[tilespmem:s28], [sflag:$0x1] =	stream.indirect.gather @!p1 [hbm4b:s4+s1], $0x80, s25, s1, $0xb8;
	[tilespmem:$0x1C200] =	vst v63  }
0x82: {  	s0 =	simm.s32 @!p0 $0x2  }
0x83: {  	_ =	swait.ge @!p0 [sflag:s0], $0x4000  }
0x84: {  	[sflag:s0] =	ssyncset.done @!p0 $0x0  }
0x85: {  	[sflag:s0] =	ssyncadd.s32 @!p0 $0xFFFFC000;
	s0 =	simm.s32 @!p0 $0x6  }
0x86: {  	p1 =	sge.u32 @!p0 s24, s6;
	_ =	swait.ge @!p0 [sflag:s0], $0x80  }
0x87: {  	s1 =	simm.s32 @!p0 $0x4200;
	s24 =	simm.s32 @!p0 $0x7;
	[sflag:s0] =	ssyncset.done @!p0 $0x0  }
0x88: {  	s25 =	simm.s32 @!p0 $0x180;
	[sflag:s0] =	ssyncadd.s32 @!p0 $0xFFFFFF80;
	s0 =	simm.s32 @!p0 $0x80  }
0x89: {  	[spmem:s2] =	stream.indirect.scatter.add.f32 @!p0 [tilespmem:s1], [sflag:$0x7], $0x80, s25, s0, $0xb8;
	[tilespmem:$0x1C200] =	vst v63  }
0x8a: {  	p1 =	por p1, p0;
	_ =	swait.ge @!p0 [sflag:s24], $0x4000  }
0x8b: {  	s0 =	sadd.s32 @!p1 s23, s8;
	s1 =	simm.s32 @!p1 $0x0;
	[sflag:s24] =	ssyncset.done @!p0 $0x0  }
0x8c: {  	s0 =	sadd.s32 @!p1 $0x30, s0;
	[sflag:s24] =	ssyncadd.s32 @!p0 $0xFFFFC000;
	s24 =	simm.s32 @!p1 $0x80  }
0x8d: {  	[tilespmem:s24], [sflag:$0x4] =	stream.linear.gather @!p1 [hbm4b:s0+s1], $0x80, $0x38;
	[tilespmem:$0x1C200] =	vst v63  }
0x8e: {  	s0 =	sadd.s32 @!p1 s23, s9  }
0x8f: {  	s25 =	simm.s32 @!p1 $0x4;
	s23 =	simm.s32 @!p1 $0x180;
	s0 =	sadd.s32 @!p1 $0x30, s0  }
0x90: {  	[tilespmem:s23], [sflag:$0x6] =	stream.linear.gather @!p1 [hbm4b:s0+s1], $0x80, $0x38;
	[tilespmem:$0x1C200] =	vst v63  }
0x91: {  	_ =	swait.ge @!p1 [sflag:s25], $0x80  }
0x92: {  	s22 =	sadd.s32 $0x1, s22;
	[sflag:s25] =	ssyncset.done @!p1 $0x0  }
0x93: {  	p0 =	sne.s32 s22, s13;
	s0 =	simm.s32 @!p1 $0x4200;
	[sflag:s25] =	ssyncadd.s32 @!p1 $0xFFFFFF80  }
0x94: {  	[tilespmem:s0], [sflag:$0x2] =	stream.indirect.gather @!p1 [hbm4b:s4+s24], $0x80, s24, s24, $0xb8;
	[tilespmem:$0x1C200] =	vst v63  }
.Ltmp1:
0x95: {  	[bflag:$0x0] =	sbarrier.arrive $0xFFFF;
	(pc) =	sbr.rel @p0 .LBB2_1-.Ltmp1, $4  }
0x96: {  	[hbm:s12], [sflag:s7] =	dma.local [spmem:s14], $0x2800  }
0x97: {  	_ =	swait.ge [sflag:s15], $0x2800  }
0x98: {  	[sflag:s15] =	ssyncset.done $0x0  }
0x99: {  	[sflag:s15] =	ssyncadd.s32 $0xFFFFD800  }
0x9a: {  	_ =	sfence.sel $0x180000  }
0x9b: {  	[bflag:$0x0] =	sbarrier.arrive $0xFFFF  }
0x9c: {  	_ =	strace $0x9000004A  }
0x9d: {  	s0 =	stileid.u32;
	[bflag:$0x2] =	sbarrier.arrive $0xFFFF  }
0x9e: {  	p0 =	sne.s32 s0, $0x0;
	s0 =	rddreg [dreg:$0x3]  }
0x9f: {  	s0 =	sadd.s32 @!p0 $0x100000, s0  }
0xa0: {  	[sflag:s0] =	ssyncadd.tile.s32 @!p0 $0x1;
	_ =	shalt  }
.Lfunc_end2:
_tile_overlayer_lowered:
.L_overlay_start_2:
0xa1: {  	(tag) =	ssettag $0x2  }
0xa2: {  	s0 =	rddreg [dreg:$0x0];
	s2 =	stileid.u32  }
0xa3: {  	s1 =	rddreg [dreg:$0x1];
	p0 =	sne.s32 s2, $0x0  }
0xa4: {  	s3 =	rddreg [dreg:$0x2];
	[bflag:$0x3] =	sbarrier.arrive $0xFFFF;
	s2 =	simm.s32 @!p0 $0x1C07  }
0xa5: {  	[timem:s3], [sflag:s2] =	dma.local @!p0 [hbm:s0], s1  }
0xa6: {  	s0 =	simm.s32 @!p0 $0x7  }
0xa7: {  	_ =	swait.ge @!p0 [sflag:s0], s1  }
0xa8: {  	s1 =	ssub.s32 @!p0 $0x0, s1;
	[sflag:s0] =	ssyncset.done @!p0 $0x0  }
0xa9: {  	[sflag:s0] =	ssyncadd.s32 @!p0 s1  }
0xaa: {  	[bflag:$0x3] =	sbarrier.arrive $0xFFFF  }
0xab: {  	_ =	shalt  }

// kernel: kernel.16.cloned.1.call-start
scs
__scs_entry_jumppad:
0x0: {  	(pc) =	sbr.rel $0x88, $3  }
0x1: {  	(tag) =	ssettag $0x0;
	lr =	simm.s32 $0x1  }
0x2: {  	[smem:$0x3F99] =	sst lr;
	_ =	strace $0xD0000000  }
0x3: {  	_ = 	snop  }
0x4: {  	_ = 	snop  }
0x5: {  	_ = 	snop  }
0x6: {  	_ = 	snop  }
0x7: {  	_ = 	snop  }
__scs_overlays_trampoline_lowered:
0x8: {  	[smem:$0x3FA8] =	sst s0  }
0x9: {  	[smem:$0x3FA9] =	sst s1  }
0xa: {  	[smem:$0x3FAA] =	sst s2  }
0xb: {  	[smem:$0x3FAB] =	sst s3  }
0xc: {  	[smem:$0x3FAC] =	sst s4  }
0xd: {  	[smem:$0x3FAD] =	sst s5  }
0xe: {  	[smem:$0x3FAE] =	sst s6  }
0xf: {  	[smem:$0x3FAF] =	sst s7  }
0x10: {  	[smem:$0x3FB0] =	sst s8  }
0x11: {  	[smem:$0x3FB1] =	sst s9;
	s0 =	simm.s32 @!p0 $0x0  }
0x12: {  	s1 =	sld [smem:$0x3F97];
	s0 =	simm.s32 @p0 $0x1  }
0x13: {  	[smem:$0x3FB2] =	sst s0;
	s0 =	simm.s32 @!p1 $0x0  }
0x14: {  	s2 =	sld [smem:$0x3F96];
	s0 =	simm.s32 @p1 $0x1  }
0x15: {  	[smem:$0x3FB3] =	sst s0;
	s0 =	simm.s32 @!p2 $0x0  }
0x16: {  	s3 =	sld [smem:$0x3FDB];
	s0 =	simm.s32 @p2 $0x1  }
0x17: {  	s4 =	simm.s32 $0x1BF5;
	[smem:$0x3FB5] =	sst s0  }
0x18: {  	s0 =	sld [smem:$0x3F98];
	_ =	swait.ge [sflag:s4], $0x0  }
0x19: {  	s7 =	sld [smem:$0x3F99]  }
0x1a: {  	s8 =	sadd.s32 $0xFFFFE003, lr  }
0x1b: {  	s9 =	sadd.s32 $0xFFFFFEF7, lr;
	s5 =	simm.s32 $0xFFFFFFFF;
	p2 =	slt.u32 s8, $0xFFFFF086  }
0x1c: {  	p1 =	slt.u32 s9, $0xF7A;
	s5 =	simm.s32 @!p2 $0x0  }
0x1d: {  	s5 =	simm.s32 @p1 $0x1;
	p0 =	seq.s32 s7, s2  }
0x1e: {  	s7 =	smul.u32 @!p0 $0xF7A, s2;
	p2 =	seq.s32 @!p0 s5, $0x0  }
0x1f: {  	s9 =	smul.u32 $0xF7A, s1;
	s8 =	simm.s32 @!p0 $0x1BF5;
	p2 =	por !p2, p0  }
0x20: {  	[sflag:s8] =	ssyncset.s32 @!p0 $0xFFFFF086;
	s6 =	sadd.s32 @!p0 s3, s7;
	s7 =	simm.s32 @!p0 $0x108  }
0x21: {  	s3 =	sadd.s32 s3, s9;
	s6 =	sadd.s32 @!p0 $0x88, s6;
	s7 =	simm.s32 @p2 $0x1082  }
0x22: {  	[simem:s7], [sflag:s8] =	dma.local @!p0 [hbm:s6], $0xF7A  }
0x23: {  	s9 =	sor.u32 $0xD0000000, s2;
	s6 =	simm.s32 $0x108;
	_ =	swait.ge @!p0 [sflag:s8], $0x0  }
0x24: {  	s3 =	sadd.s32 $0x88, s3;
	s6 =	simm.s32 @!p1 $0x1082;
	[sflag:s4] =	ssyncset.s32 $0xFFFFF086  }
0x25: {  	[simem:s6], [sflag:s4] =	dma.local [hbm:s3], $0xF7A  }
0x26: {  	[smem:$0x3F99] =	sst s1;
	(tag) =	ssettag s2;
	_ =	strace s9  }
0x27: {  	s1 =	sld [smem:$0x3FA9]  }
0x28: {  	s2 =	sld [smem:$0x3FAA]  }
0x29: {  	s4 =	sld [smem:$0x3FAC]  }
0x2a: {  	p0 =	seq.s32 s5, $0x0;
	s5 =	sld [smem:$0x3FAD]  }
0x2b: {  	s6 =	sld [smem:$0x3FAE]  }
0x2c: {  	s7 =	sld [smem:$0x3FAF]  }
0x2d: {  	s3 =	simm.s32 $0x108;
	s8 =	sld [smem:$0x3FB0]  }
0x2e: {  	s3 =	simm.s32 @!p0 $0x1082;
	s9 =	sld [smem:$0x3FB1]  }
0x2f: {  	lr =	sadd.s32 s0, s3;
	s0 =	sld [smem:$0x3FA8]  }
0x30: {  	s3 =	sld [smem:$0x3FAB]  }
0x31: {  	[smem:$0x3FB4] =	sst s10  }
0x32: {  	s10 =	sld [smem:$0x3FB2];
	_ =	sdelay $0x3  }
0x33: {  	p0 =	seq.s32 s10, $0x1;
	s10 =	sld [smem:$0x3FB4];
	_ =	sdelay $0x3  }
0x34: {  	[smem:$0x3FB4] =	sst s10  }
0x35: {  	s10 =	sld [smem:$0x3FB3];
	_ =	sdelay $0x3  }
0x36: {  	p1 =	seq.s32 s10, $0x1;
	s10 =	sld [smem:$0x3FB4];
	_ =	sdelay $0x3  }
0x37: {  	[smem:$0x3FB4] =	sst s10  }
0x38: {  	s10 =	sld [smem:$0x3FB5]  }
0x39: {  	_ = 	snop;
	(pc) =	sbr.ind lr, $3  }
0x3a: {  	_ = 	snop  }
0x3b: {  	_ = 	snop  }
0x3c: {  	p2 =	seq.s32 s10, $0x1;
	s10 =	sld [smem:$0x3FB4]  }
0x3d: {  	_ =	shalt  }
0x3e: {  	_ =	shalt  }
0x3f: {  	_ =	shalt  }
0x40: {  	_ =	shalt  }
0x41: {  	_ =	shalt  }
0x42: {  	_ =	shalt  }
0x43: {  	_ =	shalt  }
0x44: {  	_ =	shalt  }
0x45: {  	_ =	shalt  }
0x46: {  	_ =	shalt  }
0x47: {  	_ =	shalt  }
0x48: {  	_ =	shalt  }
0x49: {  	_ =	shalt  }
0x4a: {  	_ =	shalt  }
0x4b: {  	_ =	shalt  }
0x4c: {  	_ =	shalt  }
0x4d: {  	_ =	shalt  }
0x4e: {  	_ =	shalt  }
0x4f: {  	_ =	shalt  }
0x50: {  	_ =	shalt  }
0x51: {  	_ =	shalt  }
0x52: {  	_ =	shalt  }
0x53: {  	_ =	shalt  }
0x54: {  	_ =	shalt  }
0x55: {  	_ =	shalt  }
0x56: {  	_ =	shalt  }
0x57: {  	_ =	shalt  }
0x58: {  	_ =	shalt  }
0x59: {  	_ =	shalt  }
0x5a: {  	_ =	shalt  }
0x5b: {  	_ =	shalt  }
0x5c: {  	_ =	shalt  }
0x5d: {  	_ =	shalt  }
0x5e: {  	_ =	shalt  }
0x5f: {  	_ =	shalt  }
0x60: {  	_ =	shalt  }
0x61: {  	_ =	shalt  }
0x62: {  	_ =	shalt  }
0x63: {  	_ =	shalt  }
0x64: {  	_ =	shalt  }
0x65: {  	_ =	shalt  }
0x66: {  	_ =	shalt  }
0x67: {  	_ =	shalt  }
0x68: {  	_ =	shalt  }
0x69: {  	_ =	shalt  }
0x6a: {  	_ =	shalt  }
0x6b: {  	_ =	shalt  }
0x6c: {  	_ =	shalt  }
0x6d: {  	_ =	shalt  }
0x6e: {  	_ =	shalt  }
0x6f: {  	_ =	shalt  }
0x70: {  	_ =	shalt  }
0x71: {  	_ =	shalt  }
0x72: {  	_ =	shalt  }
0x73: {  	_ =	shalt  }
0x74: {  	_ =	shalt  }
0x75: {  	_ =	shalt  }
0x76: {  	_ =	shalt  }
0x77: {  	_ =	shalt  }
0x78: {  	_ =	shalt  }
0x79: {  	_ =	shalt  }
0x7a: {  	_ =	shalt  }
0x7b: {  	_ =	shalt  }
0x7c: {  	_ =	shalt  }
0x7d: {  	_ =	shalt  }
0x7e: {  	_ =	shalt  }
0x7f: {  	_ =	shalt  }
0x80: {  	_ =	shalt  }
0x81: {  	_ =	shalt  }
0x82: {  	_ =	shalt  }
0x83: {  	_ =	shalt  }
0x84: {  	_ =	shalt  }
0x85: {  	_ =	shalt  }
0x86: {  	_ =	shalt  }
0x87: {  	_ =	shalt  }
.Lfunc_end0:
.L_simem_size_0:
called_computation.2_lowered:
.L_overlay_start_0:
0x88: {  	s2 =	sld [smem:$0x3FD9]  }
0x89: {  	s3 =	sld [smem:$0x3FFE];
	_ =	sdelay $0x1  }
0x8a: {  	s1 =	srdreg.scid  }
0x8b: {  	s0 =	sand.u32 $0x1, s1  }
0x8c: {  	s17 =	sshll.u32 s0, $0xA;
	s2 =	sadd.s32 s3, s2  }
0x8d: {  	s2 =	sadd.s32 s2, s17  }
0x8e: {  	[smem:$0x3FC0] =	sst s2  }
0x8f: {  	_ = 	snop  }
0x90: {  	s2 =	sld [smem:$0x3FD0];
	(tm) =	ssettm $0x1  }
0x91: {  	s18 =	sld [smem:$0x3FFB];
	_ =	sdelay $0x3  }
0x92: {  	_ =	strace s18  }
0x93: {  	s3 =	sld [smem:$0x3FFC];
	_ =	sdelay $0x3  }
0x94: {  	_ =	strace s3  }
0x95: {  	s3 =	sld [smem:$0x3FFD];
	_ =	sdelay $0x3  }
0x96: {  	_ =	strace s3  }
0x97: {  	_ =	strace $0x8FFFFFFF  }
0x98: {  	s19 =	sld [smem:$0x3FDB];
	_ =	sdelay $0x1  }
0x99: {  	s4 =	simm.s32 $_scs_section_size  }
0x9a: {  	s5 =	simm.s32 $_size__tile_overlayer_lowered;
	s6 =	simm.s32 $_tile_overlayer_lowered  }
0x9b: {  	s22 =	simm.s32 $0x1BFF;
	s21 =	sshll.u32 s6, $0x1;
	s3 =	sadd.s32 s4, s19  }
0x9c: {  	s7 =	simm.s32 $0x0;
	s20 =	sshll.u32 s5, $0x1;
	s5 =	sadd.s32 s21, s3  }
0x9d: {  	[timem:s7], [sflag:s22] =	dma.local [hbm:s5], s20  }
0x9e: {  	_ =	swait.ge [sflag:s22], s20  }
0x9f: {  	s4 =	ssub.s32 $0x0, s20;
	[sflag:s22] =	ssyncset.done $0x0  }
0xa0: {  	[sflag:s22] =	ssyncadd.s32 s4;
	_ =	sdelay $0x1  }
0xa1: {  	s23 =	simm.s32 $0x1B8B  }
0xa2: {  	_ =	swait.ge [sflag:s23], $0x1  }
0xa3: {  	[sflag:s23] =	ssyncset.done $0x0  }
0xa4: {  	s25 =	simm.s32 $0x1B8E;
	s24 =	sld [smem:$0x3FFE];
	[sflag:s23] =	ssyncadd.s32 $0xFFFFFFFF  }
0xa5: {  	s26 =	simm.s32 $execute0_lowered;
	[smem:$0x3FD2] =	sst s25  }
0xa6: {  	s5 =	sshll.u32 s26, $0x1;
	_ =	strace $0x8000004C;
	[dreg:$0x1] =	wrdreg $0xFFFFFFFF  }
0xa7: {  	s28 =	simm.s32 $_size_execute0_lowered;
	s3 =	sadd.s32 s3, s5;
	[dreg:$0x0] =	wrdreg $0x0  }
0xa8: {  	s5 =	sshll.u32 s28, $0x1;
	[dreg:$0x2] =	wrdreg s3  }
0xa9: {  	[dreg:$0x3] =	wrdreg s5  }
0xaa: {  	[dreg:$0x4] =	wrdreg $0xC0  }
0xab: {  	_ =	task [dreg:s7], $0x5FFFF  }
0xac: {  	[dreg:$0x1] =	wrdreg $0xFFFFFFFF  }
0xad: {  	[dreg:$0x0] =	wrdreg $0x60  }
0xae: {  	[dreg:$0x2] =	wrdreg s24  }
0xaf: {  	[dreg:$0x3] =	wrdreg s2  }
0xb0: {  	[dreg:$0x4] =	wrdreg $0x82000  }
0xb1: {  	[dreg:$0x5] =	wrdreg $0x9  }
0xb2: {  	_ =	task.clear_ibuf [dreg:s7], $0x6FFFF;
	_ =	strace $0x9000004C  }
0xb3: {  	s29 =	simm.s32 $0x9;
	_ =	strace $0x8000004E  }
0xb4: {  	_ =	swait.ge [sflag:s29], $0x1  }
0xb5: {  	[sflag:s29] =	ssyncadd.s32 $0xFFFFFFFF  }
0xb6: {  	_ =	strace $0x9000004E  }
0xb7: {  	_ =	sfence  }
0xb8: {  	s30 =	sld [smem:$0x0];
	_ =	sdelay $0x2  }
0xb9: {  	s31 =	sshll.u32 s1, $0xD;
	s1 =	sshrl.u32 s1, $0x2  }
0xba: {  	s3 =	sand.u32 $0x4000, s31;
	s1 =	sadd.s32 s1, s30  }
0xbb: {  	s0 =	sor.u32 s3, s0;
	s1 =	sshll.u32 s1, $0x11  }
0xbc: {  	s0 =	sor.u32 s1, s0  }
0xbd: {  	s0 =	sadd.s32 $0x8F2B, s0  }
0xbe: {  	[sflag:s0] =	ssyncadd.remote.s32 $0x1  }
0xbf: {  	_ =	sfence.sel $0xFFFF  }
0xc0: {  	[dreg:$0x0] =	wrdreg $0xFFFFFFFF;
	(pc) =	sbr.abs _section_cstart, $3  }
0xc1: {  	[dreg:$0x1] =	wrdreg $0xFFFFFFFF  }
0xc2: {  	_ =	task.clear_ibuf [dreg:s7], $0x2FFFF;
	_ =	strace $0x9FFFFFFF  }
0xc3: {  	(tm) =	ssettm $0x7FFFFFFF  }
tec
execute0_lowered:
.L_overlay_start_1:
0x0: {  	(tag) =	ssettag $0x1  }
0x1: {  	s6 =	rddreg [dreg:$0x0]  }
0x2: {  	s10 =	rddreg [dreg:$0x1];
	s0 =	srdreg.scid  }
0x3: {  	s2 =	rddreg [dreg:$0x2];
	s25 =	stileid.u32;
	s3 =	simm.s32 $0x0  }
0x4: {  	s16 =	simm.s32 $0x100;
	s17 =	simm.s32 $0x80;
	s18 =	simm.s32 $0x200  }
0x5: {  	s19 =	simm.s32 $0x180;
	s20 =	simm.s32 $0x4;
	s21 =	simm.s32 $0x4200  }
0x6: {  	s22 =	simm.s32 $0x0;
	s7 =	sand.u32 $0x1, s0;
	s5 =	smul.u32 $0x14000, s25  }
0x7: {  	[smem:$0x7FF] =	sst s3;
	s11 =	sadd.s32 $0x2C00, s6;
	s14 =	smul.u32 $0x50000, s25  }
0x8: {  	s13 =	sshll.u32 s25, $0x4;
	s29 =	sshll.u32 s25, $0x6;
	s4 =	smul.u32 $0x140000, s7  }
0x9: {  	_ =	strace $0x8000004D;
	s26 =	ssub.s32 $0x2, s7;
	p0 =	seq.s32 s7, $0x0  }
0xa: {  	s7 =	smul.u32 $0x8E, s25;
	s9 =	sshrl.u32 s26, $0x1;
	s28 =	sshrl.u32 s14, $0x2  }
0xb: {  	s5 =	sadd.s32 s5, s4;
	s4 =	sadd.s32 $0xB0200, s6;
	s15 =	ssub.s32 s26, s9  }
0xc: {  	s14 =	sadd.s32 s28, s2;
	s8 =	sshrl.u32 s5, $0x3;
	s5 =	sadd.s32 $0xDA00, s6  }
0xd: {  	s12 =	sadd.s32 s8, s6;
	s6 =	simm.s32 $0x8E;
	s8 =	sadd.s32 $0x8E0, s13  }
0xe: {  	s14 =	sshrl.u32 s14, $0x3;
	s6 =	simm.s32 @!p0 $0x10;
	s8 =	smov.u32 @p0 s7  }
0xf: {  	s7 =	sor.u32 $0x1C07, s29;
	s12 =	sadd.s32 $0xD8200, s12;
	s30 =	sshll.u32 s8, $0x4  }
0x10: {  	s31 =	sadd.s32 $0xFFFFFFFF, s6;
	s8 =	sadd.s32 s10, s30;
	s13 =	sor.u32 $0x10, s30  }
0x11: {  	s9 =	sadd.s32 s11, s30;
	[dreg:$0x4] =	wrdreg s31;
	s10 =	sadd.s32 s10, s13  }
0x12: {  	s11 =	sadd.s32 s11, s13;
	s13 =	smax.u32 s15, $0x1;
	s15 =	simm.s32 $0x7  }
.LBB2_1:
0x13: {  	[spmem:s14], [sflag:s7] =	dma.local [hbm:s5], $0x2800  }
0x14: {  	_ =	swait.ge [sflag:s15], $0x2800  }
0x15: {  	[sflag:s15] =	ssyncset.done $0x0  }
0x16: {  	[sflag:s15] =	ssyncadd.s32 $0xFFFFD800  }
0x17: {  	[tilespmem:s3], [sflag:$0x3] =	stream.linear.gather [hbm4b:s8+s3], $0x80, $0x38;
	[tilespmem:$0x1C200] =	vst v63  }
0x18: {  	s23 =	simm.s32 $0x3  }
0x19: {  	[tilespmem:s16], [sflag:$0x5] =	stream.linear.gather [hbm4b:s9+s3], $0x80, $0x38;
	[tilespmem:$0x1C200] =	vst v63  }
0x1a: {  	_ =	swait.ge [sflag:s23], $0x80  }
0x1b: {  	[sflag:s23] =	ssyncset.done $0x0  }
0x1c: {  	[sflag:s23] =	ssyncadd.s32 $0xFFFFFF80  }
0x1d: {  	[tilespmem:s18], [sflag:$0x1] =	stream.indirect.gather [hbm4b:s4+s17], $0x80, s3, s17, $0xb8;
	[tilespmem:$0x1C200] =	vst v63  }
0x1e: {  	_ = 	snop  }
0x1f: {  	[tilespmem:s17], [sflag:$0x4] =	stream.linear.gather [hbm4b:s10+s3], $0x80, $0x38;
	[tilespmem:$0x1C200] =	vst v63  }
0x20: {  	_ = 	snop  }
0x21: {  	[tilespmem:s19], [sflag:$0x6] =	stream.linear.gather [hbm4b:s11+s3], $0x80, $0x38;
	[tilespmem:$0x1C200] =	vst v63  }
0x22: {  	_ =	swait.ge [sflag:s20], $0x80  }
0x23: {  	[sflag:s20] =	ssyncset.done $0x0  }
0x24: {  	p0 =	sle.u32 s6, $0x0;
	[sflag:s20] =	ssyncadd.s32 $0xFFFFFF80  }
0x25: {  	[tilespmem:s21], [sflag:$0x2] =	stream.indirect.gather [hbm4b:s4+s17], $0x80, s17, s17, $0xb8;
	[tilespmem:$0x1C200] =	vst v63  }
0x26: {  	s23 =	simm.s32 @!p0 $0x1;
	[bflag:$0x0] =	sbarrier.arrive $0xFFFF  }
0x27: {  	_ =	swait.ge @!p0 [sflag:s23], $0x4000  }
0x28: {  	[sflag:s23] =	ssyncset.done @!p0 $0x0  }
0x29: {  	[sflag:s23] =	ssyncadd.s32 @!p0 $0xFFFFC000;
	s23 =	simm.s32 @!p0 $0x5  }
0x2a: {  	p1 =	sle.u32 @!p0 s6, $0x2;
	_ =	swait.ge @!p0 [sflag:s23], $0x80  }
0x2b: {  	s24 =	simm.s32 @!p0 $0x200;
	s25 =	simm.s32 @!p0 $0x7;
	[sflag:s23] =	ssyncset.done @!p0 $0x0  }
0x2c: {  	s26 =	simm.s32 @!p0 $0x100;
	[sflag:s23] =	ssyncadd.s32 @!p0 $0xFFFFFF80;
	s23 =	simm.s32 @!p0 $0x80  }
0x2d: {  	[spmem:s2] =	stream.indirect.scatter.add.f32 @!p0 [tilespmem:s24], [sflag:$0x7], $0x80, s26, s23, $0xb8;
	[tilespmem:$0x1C200] =	vst v63  }
0x2e: {  	p1 =	por p1, p0;
	_ =	swait.ge @!p0 [sflag:s25], $0x4000  }
0x2f: {  	s23 =	sadd.s32 @!p1 $0x0, s8;
	s24 =	sadd.s32 @!p1 $0x0, s9;
	[sflag:s25] =	ssyncset.done @!p0 $0x0  }
0x30: {  	s23 =	sadd.s32 @!p1 $0x20, s23;
	[sflag:s25] =	ssyncadd.s32 @!p0 $0xFFFFC000;
	s25 =	simm.s32 @!p1 $0x0  }
0x31: {  	[tilespmem:s25], [sflag:$0x3] =	stream.linear.gather @!p1 [hbm4b:s23+s25], $0x80, $0x38;
	[tilespmem:$0x1C200] =	vst v63  }
0x32: {  	s26 =	simm.s32 @!p1 $0x3;
	s23 =	sadd.s32 @!p1 $0x20, s24;
	s24 =	simm.s32 @!p1 $0x100  }
0x33: {  	[tilespmem:s24], [sflag:$0x5] =	stream.linear.gather @!p1 [hbm4b:s23+s25], $0x80, $0x38;
	[tilespmem:$0x1C200] =	vst v63  }
0x34: {  	_ =	swait.ge @!p1 [sflag:s26], $0x80  }
0x35: {  	s24 =	simm.s32 @!p1 $0x80;
	[sflag:s26] =	ssyncset.done @!p1 $0x0;
	s31 =	rddreg [dreg:$0x4]  }
0x36: {  	[sflag:s26] =	ssyncadd.s32 @!p1 $0xFFFFFF80;
	s26 =	simm.s32 @!p1 $0x200;
	p0 =	sle.u32 s31, $0x0  }
0x37: {  	[tilespmem:s26], [sflag:$0x1] =	stream.indirect.gather @!p1 [hbm4b:s4+s24], $0x80, s25, s24, $0xb8;
	[tilespmem:$0x1C200] =	vst v63  }
0x38: {  	s23 =	simm.s32 @!p0 $0x2  }
0x39: {  	_ =	swait.ge @!p0 [sflag:s23], $0x4000  }
0x3a: {  	[sflag:s23] =	ssyncset.done @!p0 $0x0  }
0x3b: {  	[sflag:s23] =	ssyncadd.s32 @!p0 $0xFFFFC000;
	s23 =	simm.s32 @!p0 $0x6  }
0x3c: {  	p1 =	sle.u32 @!p0 s6, $0x3;
	_ =	swait.ge @!p0 [sflag:s23], $0x80  }
0x3d: {  	s24 =	simm.s32 @!p0 $0x4200;
	s25 =	simm.s32 @!p0 $0x7;
	[sflag:s23] =	ssyncset.done @!p0 $0x0  }
0x3e: {  	s26 =	simm.s32 @!p0 $0x180;
	[sflag:s23] =	ssyncadd.s32 @!p0 $0xFFFFFF80;
	s23 =	simm.s32 @!p0 $0x80  }
0x3f: {  	[spmem:s2] =	stream.indirect.scatter.add.f32 @!p0 [tilespmem:s24], [sflag:$0x7], $0x80, s26, s23, $0xb8;
	[tilespmem:$0x1C200] =	vst v63  }
0x40: {  	p1 =	por p1, p0;
	_ =	swait.ge @!p0 [sflag:s25], $0x4000  }
0x41: {  	s29 =	simm.s32 @!p1 $0x80;
	s23 =	sadd.s32 @!p1 $0x0, s8;
	[sflag:s25] =	ssyncset.done @!p0 $0x0  }
0x42: {  	s24 =	simm.s32 @!p1 $0x0;
	s23 =	sadd.s32 @!p1 $0x30, s23;
	[sflag:s25] =	ssyncadd.s32 @!p0 $0xFFFFC000  }
0x43: {  	[tilespmem:s29], [sflag:$0x4] =	stream.linear.gather @!p1 [hbm4b:s23+s24], $0x80, $0x38;
	[tilespmem:$0x1C200] =	vst v63  }
0x44: {  	s23 =	sadd.s32 @!p1 $0x0, s9  }
0x45: {  	s25 =	simm.s32 @!p1 $0x180;
	s23 =	sadd.s32 @!p1 $0x30, s23  }
0x46: {  	[tilespmem:s25], [sflag:$0x6] =	stream.linear.gather @!p1 [hbm4b:s23+s24], $0x80, $0x38;
	[tilespmem:$0x1C200] =	vst v63  }
0x47: {  	s30 =	simm.s32 @!p1 $0x4;
	s26 =	simm.s32 $0x2;
	s23 =	simm.s32 $0x20  }
0x48: {  	s25 =	simm.s32 $0x40;
	s24 =	simm.s32 $0x5;
	_ =	swait.ge @!p1 [sflag:s30], $0x80  }
.LBB2_2:
0x49: {  	p2 =	sge.u32 s26, s6;
	[sflag:s30] =	ssyncset.done @!p1 $0x0  }
0x4a: {  	s31 =	simm.s32 @!p1 $0x4200;
	s0 =	simm.s32 @!p2 $0x1;
	[sflag:s30] =	ssyncadd.s32 @!p1 $0xFFFFFF80  }
0x4b: {  	[tilespmem:s31], [sflag:$0x2] =	stream.indirect.gather @!p1 [hbm4b:s4+s29], $0x80, s29, s29, $0xb8;
	[tilespmem:$0x1C200] =	vst v63  }
0x4c: {  	_ =	swait.ge @!p2 [sflag:s0], $0x4000  }
0x4d: {  	[sflag:s0] =	ssyncset.done @!p2 $0x0  }
0x4e: {  	[sflag:s0] =	ssyncadd.s32 @!p2 $0xFFFFC000;
	s0 =	simm.s32 @!p2 $0x5  }
0x4f: {  	s1 =	sadd.s32 @!p2 $0xFFFFFFFF, s24;
	s30 =	simm.s32 @!p2 $0x100;
	_ =	swait.ge @!p2 [sflag:s0], $0x80  }
0x50: {  	p1 =	sge.u32 @!p2 s1, s6;
	s1 =	simm.s32 @!p2 $0x200;
	[sflag:s0] =	ssyncset.done @!p2 $0x0  }
0x51: {  	s29 =	simm.s32 @!p2 $0x7;
	[sflag:s0] =	ssyncadd.s32 @!p2 $0xFFFFFF80;
	s0 =	simm.s32 @!p2 $0x80  }
0x52: {  	[spmem:s2] =	stream.indirect.scatter.add.f32 @!p2 [tilespmem:s1], [sflag:$0x7], $0x80, s30, s0, $0xb8;
	[tilespmem:$0x1C200] =	vst v63  }
0x53: {  	p1 =	por p1, p2;
	_ =	swait.ge @!p2 [sflag:s29], $0x4000  }
0x54: {  	s0 =	sadd.s32 @!p1 s23, s8;
	s1 =	sadd.s32 @!p1 s23, s9;
	[sflag:s29] =	ssyncset.done @!p2 $0x0  }
0x55: {  	s0 =	sadd.s32 @!p1 $0x20, s0;
	[sflag:s29] =	ssyncadd.s32 @!p2 $0xFFFFC000;
	s29 =	simm.s32 @!p1 $0x0  }
0x56: {  	[tilespmem:s29], [sflag:$0x3] =	stream.linear.gather @!p1 [hbm4b:s0+s29], $0x80, $0x38;
	[tilespmem:$0x1C200] =	vst v63  }
0x57: {  	s30 =	simm.s32 @!p1 $0x3;
	s0 =	sadd.s32 @!p1 $0x20, s1;
	s1 =	simm.s32 @!p1 $0x100  }
0x58: {  	[tilespmem:s1], [sflag:$0x5] =	stream.linear.gather @!p1 [hbm4b:s0+s29], $0x80, $0x38;
	[tilespmem:$0x1C200] =	vst v63  }
0x59: {  	_ =	swait.ge @!p1 [sflag:s30], $0x80  }
0x5a: {  	s1 =	simm.s32 @!p1 $0x80;
	[sflag:s30] =	ssyncset.done @!p1 $0x0;
	s31 =	rddreg [dreg:$0x4]  }
0x5b: {  	[sflag:s30] =	ssyncadd.s32 @!p1 $0xFFFFFF80;
	s30 =	simm.s32 @!p1 $0x200;
	p2 =	sge.u32 s26, s31  }
0x5c: {  	[tilespmem:s30], [sflag:$0x1] =	stream.indirect.gather @!p1 [hbm4b:s4+s1], $0x80, s29, s1, $0xb8;
	[tilespmem:$0x1C200] =	vst v63  }
0x5d: {  	s0 =	simm.s32 @!p2 $0x2  }
0x5e: {  	_ =	swait.ge @!p2 [sflag:s0], $0x4000  }
0x5f: {  	[sflag:s0] =	ssyncset.done @!p2 $0x0  }
0x60: {  	s28 =	smov.u32 s25;
	[sflag:s0] =	ssyncadd.s32 @!p2 $0xFFFFC000;
	s0 =	simm.s32 @!p2 $0x6  }
0x61: {  	s25 =	sadd.s32 $0x20, s25;
	p1 =	sge.u32 @!p2 s24, s6;
	_ =	swait.ge @!p2 [sflag:s0], $0x80  }
0x62: {  	s1 =	simm.s32 @!p2 $0x4200;
	s26 =	simm.s32 @!p2 $0x7;
	[sflag:s0] =	ssyncset.done @!p2 $0x0  }
0x63: {  	s29 =	simm.s32 @!p2 $0x180;
	[sflag:s0] =	ssyncadd.s32 @!p2 $0xFFFFFF80;
	s0 =	simm.s32 @!p2 $0x80  }
0x64: {  	[spmem:s2] =	stream.indirect.scatter.add.f32 @!p2 [tilespmem:s1], [sflag:$0x7], $0x80, s29, s0, $0xb8;
	[tilespmem:$0x1C200] =	vst v63  }
0x65: {  	p0 =	sne.s32 s25, $0x8E0;
	p1 =	por p1, p2;
	_ =	swait.ge @!p2 [sflag:s26], $0x4000  }
0x66: {  	s0 =	sadd.s32 @!p1 s23, s8;
	s1 =	simm.s32 @!p1 $0x0;
	[sflag:s26] =	ssyncset.done @!p2 $0x0  }
0x67: {  	s29 =	simm.s32 @!p1 $0x80;
	s0 =	sadd.s32 @!p1 $0x30, s0;
	[sflag:s26] =	ssyncadd.s32 @!p2 $0xFFFFC000  }
0x68: {  	[tilespmem:s29], [sflag:$0x4] =	stream.linear.gather @!p1 [hbm4b:s0+s1], $0x80, $0x38;
	[tilespmem:$0x1C200] =	vst v63  }
.Ltmp0:
0x69: {  	_ = 	snop;
	(pc) =	sbr.rel @p0 .LBB2_2-.Ltmp0, $4  }
0x6a: {  	s24 =	sadd.s32 $0x2, s24;
	s0 =	sadd.s32 @!p1 s23, s9  }
0x6b: {  	s30 =	simm.s32 @!p1 $0x4;
	s26 =	simm.s32 @!p1 $0x180;
	s0 =	sadd.s32 @!p1 $0x30, s0  }
0x6c: {  	[tilespmem:s26], [sflag:$0x6] =	stream.linear.gather @!p1 [hbm4b:s0+s1], $0x80, $0x38;
	[tilespmem:$0x1C200] =	vst v63  }
0x6d: {  	s23 =	smov.u32 s28;
	s26 =	sadd.s32 $0xFFFFFFFD, s24;
	_ =	swait.ge @!p1 [sflag:s30], $0x80  }
0x6e: {  	p0 =	sge.u32 s26, s6;
	[sflag:s30] =	ssyncset.done @!p1 $0x0  }
0x6f: {  	s0 =	simm.s32 @!p1 $0x4200;
	s1 =	simm.s32 @!p0 $0x1;
	[sflag:s30] =	ssyncadd.s32 @!p1 $0xFFFFFF80  }
0x70: {  	[tilespmem:s0], [sflag:$0x2] =	stream.indirect.gather @!p1 [hbm4b:s4+s29], $0x80, s29, s29, $0xb8;
	[tilespmem:$0x1C200] =	vst v63  }
0x71: {  	_ =	swait.ge @!p0 [sflag:s1], $0x4000  }
0x72: {  	[sflag:s1] =	ssyncset.done @!p0 $0x0  }
0x73: {  	[sflag:s1] =	ssyncadd.s32 @!p0 $0xFFFFC000;
	s1 =	simm.s32 @!p0 $0x5  }
0x74: {  	s25 =	simm.s32 @!p0 $0x7;
	s0 =	sadd.s32 @!p0 $0xFFFFFFFF, s24;
	_ =	swait.ge @!p0 [sflag:s1], $0x80  }
0x75: {  	s28 =	simm.s32 @!p0 $0x100;
	p1 =	sge.u32 @!p0 s0, s6;
	[sflag:s1] =	ssyncset.done @!p0 $0x0  }
0x76: {  	s0 =	simm.s32 @!p0 $0x200;
	[sflag:s1] =	ssyncadd.s32 @!p0 $0xFFFFFF80;
	s1 =	simm.s32 @!p0 $0x80  }
0x77: {  	[spmem:s2] =	stream.indirect.scatter.add.f32 @!p0 [tilespmem:s0], [sflag:$0x7], $0x80, s28, s1, $0xb8;
	[tilespmem:$0x1C200] =	vst v63  }
0x78: {  	p1 =	por p1, p0;
	_ =	swait.ge @!p0 [sflag:s25], $0x4000  }
0x79: {  	s0 =	sadd.s32 @!p1 s23, s8;
	s1 =	sadd.s32 @!p1 s23, s9;
	[sflag:s25] =	ssyncset.done @!p0 $0x0  }
0x7a: {  	s0 =	sadd.s32 @!p1 $0x20, s0;
	[sflag:s25] =	ssyncadd.s32 @!p0 $0xFFFFC000;
	s25 =	simm.s32 @!p1 $0x0  }
0x7b: {  	[tilespmem:s25], [sflag:$0x3] =	stream.linear.gather @!p1 [hbm4b:s0+s25], $0x80, $0x38;
	[tilespmem:$0x1C200] =	vst v63  }
0x7c: {  	s28 =	simm.s32 @!p1 $0x3;
	s0 =	sadd.s32 @!p1 $0x20, s1;
	s1 =	simm.s32 @!p1 $0x100  }
0x7d: {  	[tilespmem:s1], [sflag:$0x5] =	stream.linear.gather @!p1 [hbm4b:s0+s25], $0x80, $0x38;
	[tilespmem:$0x1C200] =	vst v63  }
0x7e: {  	_ =	swait.ge @!p1 [sflag:s28], $0x80  }
0x7f: {  	s1 =	simm.s32 @!p1 $0x80;
	[sflag:s28] =	ssyncset.done @!p1 $0x0;
	s31 =	rddreg [dreg:$0x4]  }
0x80: {  	[sflag:s28] =	ssyncadd.s32 @!p1 $0xFFFFFF80;
	s28 =	simm.s32 @!p1 $0x200;
	p0 =	sge.u32 s26, s31  }
0x81: {  	[tilespmem:s28], [sflag:$0x1] =	stream.indirect.gather @!p1 [hbm4b:s4+s1], $0x80, s25, s1, $0xb8;
	[tilespmem:$0x1C200] =	vst v63  }
0x82: {  	s0 =	simm.s32 @!p0 $0x2  }
0x83: {  	_ =	swait.ge @!p0 [sflag:s0], $0x4000  }
0x84: {  	[sflag:s0] =	ssyncset.done @!p0 $0x0  }
0x85: {  	[sflag:s0] =	ssyncadd.s32 @!p0 $0xFFFFC000;
	s0 =	simm.s32 @!p0 $0x6  }
0x86: {  	p1 =	sge.u32 @!p0 s24, s6;
	_ =	swait.ge @!p0 [sflag:s0], $0x80  }
0x87: {  	s1 =	simm.s32 @!p0 $0x4200;
	s24 =	simm.s32 @!p0 $0x7;
	[sflag:s0] =	ssyncset.done @!p0 $0x0  }
0x88: {  	s25 =	simm.s32 @!p0 $0x180;
	[sflag:s0] =	ssyncadd.s32 @!p0 $0xFFFFFF80;
	s0 =	simm.s32 @!p0 $0x80  }
0x89: {  	[spmem:s2] =	stream.indirect.scatter.add.f32 @!p0 [tilespmem:s1], [sflag:$0x7], $0x80, s25, s0, $0xb8;
	[tilespmem:$0x1C200] =	vst v63  }
0x8a: {  	p1 =	por p1, p0;
	_ =	swait.ge @!p0 [sflag:s24], $0x4000  }
0x8b: {  	s0 =	sadd.s32 @!p1 s23, s8;
	s1 =	simm.s32 @!p1 $0x0;
	[sflag:s24] =	ssyncset.done @!p0 $0x0  }
0x8c: {  	s0 =	sadd.s32 @!p1 $0x30, s0;
	[sflag:s24] =	ssyncadd.s32 @!p0 $0xFFFFC000;
	s24 =	simm.s32 @!p1 $0x80  }
0x8d: {  	[tilespmem:s24], [sflag:$0x4] =	stream.linear.gather @!p1 [hbm4b:s0+s1], $0x80, $0x38;
	[tilespmem:$0x1C200] =	vst v63  }
0x8e: {  	s0 =	sadd.s32 @!p1 s23, s9  }
0x8f: {  	s25 =	simm.s32 @!p1 $0x4;
	s23 =	simm.s32 @!p1 $0x180;
	s0 =	sadd.s32 @!p1 $0x30, s0  }
0x90: {  	[tilespmem:s23], [sflag:$0x6] =	stream.linear.gather @!p1 [hbm4b:s0+s1], $0x80, $0x38;
	[tilespmem:$0x1C200] =	vst v63  }
0x91: {  	_ =	swait.ge @!p1 [sflag:s25], $0x80  }
0x92: {  	s22 =	sadd.s32 $0x1, s22;
	[sflag:s25] =	ssyncset.done @!p1 $0x0  }
0x93: {  	p0 =	sne.s32 s22, s13;
	s0 =	simm.s32 @!p1 $0x4200;
	[sflag:s25] =	ssyncadd.s32 @!p1 $0xFFFFFF80  }
0x94: {  	[tilespmem:s0], [sflag:$0x2] =	stream.indirect.gather @!p1 [hbm4b:s4+s24], $0x80, s24, s24, $0xb8;
	[tilespmem:$0x1C200] =	vst v63  }
.Ltmp1:
0x95: {  	[bflag:$0x0] =	sbarrier.arrive $0xFFFF;
	(pc) =	sbr.rel @p0 .LBB2_1-.Ltmp1, $4  }
0x96: {  	[hbm:s12], [sflag:s7] =	dma.local [spmem:s14], $0x2800  }
0x97: {  	_ =	swait.ge [sflag:s15], $0x2800  }
0x98: {  	[sflag:s15] =	ssyncset.done $0x0  }
0x99: {  	[sflag:s15] =	ssyncadd.s32 $0xFFFFD800  }
0x9a: {  	_ =	sfence.sel $0x180000  }
0x9b: {  	[bflag:$0x0] =	sbarrier.arrive $0xFFFF  }
0x9c: {  	_ =	strace $0x9000004D  }
0x9d: {  	s0 =	stileid.u32;
	[bflag:$0x2] =	sbarrier.arrive $0xFFFF  }
0x9e: {  	p0 =	sne.s32 s0, $0x0;
	s0 =	rddreg [dreg:$0x3]  }
0x9f: {  	s0 =	sadd.s32 @!p0 $0x100000, s0  }
0xa0: {  	[sflag:s0] =	ssyncadd.tile.s32 @!p0 $0x1;
	_ =	shalt  }
.Lfunc_end2:
_tile_overlayer_lowered:
.L_overlay_start_2:
0xa1: {  	(tag) =	ssettag $0x2  }
0xa2: {  	s0 =	rddreg [dreg:$0x0];
	s2 =	stileid.u32  }
0xa3: {  	s1 =	rddreg [dreg:$0x1];
	p0 =	sne.s32 s2, $0x0  }
0xa4: {  	s3 =	rddreg [dreg:$0x2];
	[bflag:$0x3] =	sbarrier.arrive $0xFFFF;
	s2 =	simm.s32 @!p0 $0x1C07  }
0xa5: {  	[timem:s3], [sflag:s2] =	dma.local @!p0 [hbm:s0], s1  }
0xa6: {  	s0 =	simm.s32 @!p0 $0x7  }
0xa7: {  	_ =	swait.ge @!p0 [sflag:s0], s1  }
0xa8: {  	s1 =	ssub.s32 @!p0 $0x0, s1;
	[sflag:s0] =	ssyncset.done @!p0 $0x0  }
0xa9: {  	[sflag:s0] =	ssyncadd.s32 @!p0 s1  }
0xaa: {  	[bflag:$0x3] =	sbarrier.arrive $0xFFFF  }
0xab: {  	_ =	shalt  }

// kernel: kernel.19.cloned.1.call-start
scs
__scs_entry_jumppad:
0x0: {  	(pc) =	sbr.rel $0x88, $3  }
0x1: {  	(tag) =	ssettag $0x0;
	lr =	simm.s32 $0x1  }
0x2: {  	[smem:$0x3F99] =	sst lr;
	_ =	strace $0xD0000000  }
0x3: {  	_ = 	snop  }
0x4: {  	_ = 	snop  }
0x5: {  	_ = 	snop  }
0x6: {  	_ = 	snop  }
0x7: {  	_ = 	snop  }
__scs_overlays_trampoline_lowered:
0x8: {  	[smem:$0x3FA8] =	sst s0  }
0x9: {  	[smem:$0x3FA9] =	sst s1  }
0xa: {  	[smem:$0x3FAA] =	sst s2  }
0xb: {  	[smem:$0x3FAB] =	sst s3  }
0xc: {  	[smem:$0x3FAC] =	sst s4  }
0xd: {  	[smem:$0x3FAD] =	sst s5  }
0xe: {  	[smem:$0x3FAE] =	sst s6  }
0xf: {  	[smem:$0x3FAF] =	sst s7  }
0x10: {  	[smem:$0x3FB0] =	sst s8  }
0x11: {  	[smem:$0x3FB1] =	sst s9;
	s0 =	simm.s32 @!p0 $0x0  }
0x12: {  	s1 =	sld [smem:$0x3F97];
	s0 =	simm.s32 @p0 $0x1  }
0x13: {  	[smem:$0x3FB2] =	sst s0;
	s0 =	simm.s32 @!p1 $0x0  }
0x14: {  	s2 =	sld [smem:$0x3F96];
	s0 =	simm.s32 @p1 $0x1  }
0x15: {  	[smem:$0x3FB3] =	sst s0;
	s0 =	simm.s32 @!p2 $0x0  }
0x16: {  	s3 =	sld [smem:$0x3FDB];
	s0 =	simm.s32 @p2 $0x1  }
0x17: {  	s4 =	simm.s32 $0x1BF5;
	[smem:$0x3FB5] =	sst s0  }
0x18: {  	s0 =	sld [smem:$0x3F98];
	_ =	swait.ge [sflag:s4], $0x0  }
0x19: {  	s7 =	sld [smem:$0x3F99]  }
0x1a: {  	s8 =	sadd.s32 $0xFFFFE003, lr  }
0x1b: {  	s9 =	sadd.s32 $0xFFFFFEF7, lr;
	s5 =	simm.s32 $0xFFFFFFFF;
	p2 =	slt.u32 s8, $0xFFFFF086  }
0x1c: {  	p1 =	slt.u32 s9, $0xF7A;
	s5 =	simm.s32 @!p2 $0x0  }
0x1d: {  	s5 =	simm.s32 @p1 $0x1;
	p0 =	seq.s32 s7, s2  }
0x1e: {  	s7 =	smul.u32 @!p0 $0xF7A, s2;
	p2 =	seq.s32 @!p0 s5, $0x0  }
0x1f: {  	s9 =	smul.u32 $0xF7A, s1;
	s8 =	simm.s32 @!p0 $0x1BF5;
	p2 =	por !p2, p0  }
0x20: {  	[sflag:s8] =	ssyncset.s32 @!p0 $0xFFFFF086;
	s6 =	sadd.s32 @!p0 s3, s7;
	s7 =	simm.s32 @!p0 $0x108  }
0x21: {  	s3 =	sadd.s32 s3, s9;
	s6 =	sadd.s32 @!p0 $0x88, s6;
	s7 =	simm.s32 @p2 $0x1082  }
0x22: {  	[simem:s7], [sflag:s8] =	dma.local @!p0 [hbm:s6], $0xF7A  }
0x23: {  	s9 =	sor.u32 $0xD0000000, s2;
	s6 =	simm.s32 $0x108;
	_ =	swait.ge @!p0 [sflag:s8], $0x0  }
0x24: {  	s3 =	sadd.s32 $0x88, s3;
	s6 =	simm.s32 @!p1 $0x1082;
	[sflag:s4] =	ssyncset.s32 $0xFFFFF086  }
0x25: {  	[simem:s6], [sflag:s4] =	dma.local [hbm:s3], $0xF7A  }
0x26: {  	[smem:$0x3F99] =	sst s1;
	(tag) =	ssettag s2;
	_ =	strace s9  }
0x27: {  	s1 =	sld [smem:$0x3FA9]  }
0x28: {  	s2 =	sld [smem:$0x3FAA]  }
0x29: {  	s4 =	sld [smem:$0x3FAC]  }
0x2a: {  	p0 =	seq.s32 s5, $0x0;
	s5 =	sld [smem:$0x3FAD]  }
0x2b: {  	s6 =	sld [smem:$0x3FAE]  }
0x2c: {  	s7 =	sld [smem:$0x3FAF]  }
0x2d: {  	s3 =	simm.s32 $0x108;
	s8 =	sld [smem:$0x3FB0]  }
0x2e: {  	s3 =	simm.s32 @!p0 $0x1082;
	s9 =	sld [smem:$0x3FB1]  }
0x2f: {  	lr =	sadd.s32 s0, s3;
	s0 =	sld [smem:$0x3FA8]  }
0x30: {  	s3 =	sld [smem:$0x3FAB]  }
0x31: {  	[smem:$0x3FB4] =	sst s10  }
0x32: {  	s10 =	sld [smem:$0x3FB2];
	_ =	sdelay $0x3  }
0x33: {  	p0 =	seq.s32 s10, $0x1;
	s10 =	sld [smem:$0x3FB4];
	_ =	sdelay $0x3  }
0x34: {  	[smem:$0x3FB4] =	sst s10  }
0x35: {  	s10 =	sld [smem:$0x3FB3];
	_ =	sdelay $0x3  }
0x36: {  	p1 =	seq.s32 s10, $0x1;
	s10 =	sld [smem:$0x3FB4];
	_ =	sdelay $0x3  }
0x37: {  	[smem:$0x3FB4] =	sst s10  }
0x38: {  	s10 =	sld [smem:$0x3FB5]  }
0x39: {  	_ = 	snop;
	(pc) =	sbr.ind lr, $3  }
0x3a: {  	_ = 	snop  }
0x3b: {  	_ = 	snop  }
0x3c: {  	p2 =	seq.s32 s10, $0x1;
	s10 =	sld [smem:$0x3FB4]  }
0x3d: {  	_ =	shalt  }
0x3e: {  	_ =	shalt  }
0x3f: {  	_ =	shalt  }
0x40: {  	_ =	shalt  }
0x41: {  	_ =	shalt  }
0x42: {  	_ =	shalt  }
0x43: {  	_ =	shalt  }
0x44: {  	_ =	shalt  }
0x45: {  	_ =	shalt  }
0x46: {  	_ =	shalt  }
0x47: {  	_ =	shalt  }
0x48: {  	_ =	shalt  }
0x49: {  	_ =	shalt  }
0x4a: {  	_ =	shalt  }
0x4b: {  	_ =	shalt  }
0x4c: {  	_ =	shalt  }
0x4d: {  	_ =	shalt  }
0x4e: {  	_ =	shalt  }
0x4f: {  	_ =	shalt  }
0x50: {  	_ =	shalt  }
0x51: {  	_ =	shalt  }
0x52: {  	_ =	shalt  }
0x53: {  	_ =	shalt  }
0x54: {  	_ =	shalt  }
0x55: {  	_ =	shalt  }
0x56: {  	_ =	shalt  }
0x57: {  	_ =	shalt  }
0x58: {  	_ =	shalt  }
0x59: {  	_ =	shalt  }
0x5a: {  	_ =	shalt  }
0x5b: {  	_ =	shalt  }
0x5c: {  	_ =	shalt  }
0x5d: {  	_ =	shalt  }
0x5e: {  	_ =	shalt  }
0x5f: {  	_ =	shalt  }
0x60: {  	_ =	shalt  }
0x61: {  	_ =	shalt  }
0x62: {  	_ =	shalt  }
0x63: {  	_ =	shalt  }
0x64: {  	_ =	shalt  }
0x65: {  	_ =	shalt  }
0x66: {  	_ =	shalt  }
0x67: {  	_ =	shalt  }
0x68: {  	_ =	shalt  }
0x69: {  	_ =	shalt  }
0x6a: {  	_ =	shalt  }
0x6b: {  	_ =	shalt  }
0x6c: {  	_ =	shalt  }
0x6d: {  	_ =	shalt  }
0x6e: {  	_ =	shalt  }
0x6f: {  	_ =	shalt  }
0x70: {  	_ =	shalt  }
0x71: {  	_ =	shalt  }
0x72: {  	_ =	shalt  }
0x73: {  	_ =	shalt  }
0x74: {  	_ =	shalt  }
0x75: {  	_ =	shalt  }
0x76: {  	_ =	shalt  }
0x77: {  	_ =	shalt  }
0x78: {  	_ =	shalt  }
0x79: {  	_ =	shalt  }
0x7a: {  	_ =	shalt  }
0x7b: {  	_ =	shalt  }
0x7c: {  	_ =	shalt  }
0x7d: {  	_ =	shalt  }
0x7e: {  	_ =	shalt  }
0x7f: {  	_ =	shalt  }
0x80: {  	_ =	shalt  }
0x81: {  	_ =	shalt  }
0x82: {  	_ =	shalt  }
0x83: {  	_ =	shalt  }
0x84: {  	_ =	shalt  }
0x85: {  	_ =	shalt  }
0x86: {  	_ =	shalt  }
0x87: {  	_ =	shalt  }
.Lfunc_end0:
.L_simem_size_0:
called_computation.3_lowered:
.L_overlay_start_0:
0x88: {  	s2 =	sld [smem:$0x3FD9]  }
0x89: {  	s3 =	sld [smem:$0x3FFE];
	_ =	sdelay $0x1  }
0x8a: {  	s1 =	srdreg.scid  }
0x8b: {  	s0 =	sand.u32 $0x1, s1  }
0x8c: {  	s17 =	sshll.u32 s0, $0xA;
	s2 =	sadd.s32 s3, s2  }
0x8d: {  	s2 =	sadd.s32 s2, s17  }
0x8e: {  	[smem:$0x3FC0] =	sst s2  }
0x8f: {  	_ = 	snop  }
0x90: {  	s2 =	sld [smem:$0x3FD0];
	(tm) =	ssettm $0x1  }
0x91: {  	s18 =	sld [smem:$0x3FFB];
	_ =	sdelay $0x3  }
0x92: {  	_ =	strace s18  }
0x93: {  	s3 =	sld [smem:$0x3FFC];
	_ =	sdelay $0x3  }
0x94: {  	_ =	strace s3  }
0x95: {  	s3 =	sld [smem:$0x3FFD];
	_ =	sdelay $0x3  }
0x96: {  	_ =	strace s3  }
0x97: {  	_ =	strace $0x8FFFFFFF  }
0x98: {  	s19 =	sld [smem:$0x3FDB];
	_ =	sdelay $0x1  }
0x99: {  	s4 =	simm.s32 $_scs_section_size  }
0x9a: {  	s5 =	simm.s32 $_size__tile_overlayer_lowered;
	s6 =	simm.s32 $_tile_overlayer_lowered  }
0x9b: {  	s22 =	simm.s32 $0x1BFF;
	s21 =	sshll.u32 s6, $0x1;
	s3 =	sadd.s32 s4, s19  }
0x9c: {  	s7 =	simm.s32 $0x0;
	s20 =	sshll.u32 s5, $0x1;
	s5 =	sadd.s32 s21, s3  }
0x9d: {  	[timem:s7], [sflag:s22] =	dma.local [hbm:s5], s20  }
0x9e: {  	_ =	swait.ge [sflag:s22], s20  }
0x9f: {  	s4 =	ssub.s32 $0x0, s20;
	[sflag:s22] =	ssyncset.done $0x0  }
0xa0: {  	[sflag:s22] =	ssyncadd.s32 s4;
	_ =	sdelay $0x1  }
0xa1: {  	s23 =	simm.s32 $0x1B8B  }
0xa2: {  	_ =	swait.ge [sflag:s23], $0x1  }
0xa3: {  	[sflag:s23] =	ssyncset.done $0x0  }
0xa4: {  	s25 =	simm.s32 $0x1B8E;
	s24 =	sld [smem:$0x3FFE];
	[sflag:s23] =	ssyncadd.s32 $0xFFFFFFFF  }
0xa5: {  	s26 =	simm.s32 $execute0_lowered;
	[smem:$0x3FD2] =	sst s25  }
0xa6: {  	s5 =	sshll.u32 s26, $0x1;
	_ =	strace $0x8000004F;
	[dreg:$0x1] =	wrdreg $0xFFFFFFFF  }
0xa7: {  	s28 =	simm.s32 $_size_execute0_lowered;
	s3 =	sadd.s32 s3, s5;
	[dreg:$0x0] =	wrdreg $0x0  }
0xa8: {  	s5 =	sshll.u32 s28, $0x1;
	[dreg:$0x2] =	wrdreg s3  }
0xa9: {  	[dreg:$0x3] =	wrdreg s5  }
0xaa: {  	[dreg:$0x4] =	wrdreg $0xC0  }
0xab: {  	_ =	task [dreg:s7], $0x5FFFF  }
0xac: {  	[dreg:$0x1] =	wrdreg $0xFFFFFFFF  }
0xad: {  	[dreg:$0x0] =	wrdreg $0x60  }
0xae: {  	[dreg:$0x2] =	wrdreg s24  }
0xaf: {  	[dreg:$0x3] =	wrdreg s2  }
0xb0: {  	[dreg:$0x4] =	wrdreg $0x82000  }
0xb1: {  	[dreg:$0x5] =	wrdreg $0x9  }
0xb2: {  	_ =	task.clear_ibuf [dreg:s7], $0x6FFFF;
	_ =	strace $0x9000004F  }
0xb3: {  	s29 =	simm.s32 $0x9;
	_ =	strace $0x80000051  }
0xb4: {  	_ =	swait.ge [sflag:s29], $0x1  }
0xb5: {  	[sflag:s29] =	ssyncadd.s32 $0xFFFFFFFF  }
0xb6: {  	_ =	strace $0x90000051  }
0xb7: {  	_ =	sfence  }
0xb8: {  	s30 =	sld [smem:$0x0];
	_ =	sdelay $0x2  }
0xb9: {  	s31 =	sshll.u32 s1, $0xD;
	s1 =	sshrl.u32 s1, $0x2  }
0xba: {  	s3 =	sand.u32 $0x4000, s31;
	s1 =	sadd.s32 s1, s30  }
0xbb: {  	s0 =	sor.u32 s3, s0;
	s1 =	sshll.u32 s1, $0x11  }
0xbc: {  	s0 =	sor.u32 s1, s0  }
0xbd: {  	s0 =	sadd.s32 $0x8F2B, s0  }
0xbe: {  	[sflag:s0] =	ssyncadd.remote.s32 $0x1  }
0xbf: {  	_ =	sfence.sel $0xFFFF  }
0xc0: {  	[dreg:$0x0] =	wrdreg $0xFFFFFFFF;
	(pc) =	sbr.abs _section_cstart, $3  }
0xc1: {  	[dreg:$0x1] =	wrdreg $0xFFFFFFFF  }
0xc2: {  	_ =	task.clear_ibuf [dreg:s7], $0x2FFFF;
	_ =	strace $0x9FFFFFFF  }
0xc3: {  	(tm) =	ssettm $0x7FFFFFFF  }
tec
execute0_lowered:
.L_overlay_start_1:
0x0: {  	(tag) =	ssettag $0x1  }
0x1: {  	s6 =	rddreg [dreg:$0x0]  }
0x2: {  	s10 =	rddreg [dreg:$0x1];
	s0 =	srdreg.scid  }
0x3: {  	s2 =	rddreg [dreg:$0x2];
	s25 =	stileid.u32;
	s3 =	simm.s32 $0x0  }
0x4: {  	s16 =	simm.s32 $0x100;
	s17 =	simm.s32 $0x80;
	s18 =	simm.s32 $0x200  }
0x5: {  	s19 =	simm.s32 $0x180;
	s20 =	simm.s32 $0x4;
	s21 =	simm.s32 $0x4200  }
0x6: {  	s22 =	simm.s32 $0x0;
	s7 =	sand.u32 $0x1, s0;
	s5 =	smul.u32 $0x14000, s25  }
0x7: {  	[smem:$0x7FF] =	sst s3;
	s11 =	sadd.s32 $0x2C00, s6;
	s14 =	smul.u32 $0x50000, s25  }
0x8: {  	s13 =	sshll.u32 s25, $0x4;
	s29 =	sshll.u32 s25, $0x6;
	s4 =	smul.u32 $0x140000, s7  }
0x9: {  	_ =	strace $0x80000050;
	s26 =	ssub.s32 $0x2, s7;
	p0 =	seq.s32 s7, $0x0  }
0xa: {  	s7 =	smul.u32 $0x8E, s25;
	s9 =	sshrl.u32 s26, $0x1;
	s28 =	sshrl.u32 s14, $0x2  }
0xb: {  	s5 =	sadd.s32 s5, s4;
	s4 =	sadd.s32 $0x10200, s6;
	s15 =	ssub.s32 s26, s9  }
0xc: {  	s14 =	sadd.s32 s28, s2;
	s8 =	sshrl.u32 s5, $0x3;
	s5 =	sadd.s32 $0xDA00, s6  }
0xd: {  	s12 =	sadd.s32 s8, s6;
	s6 =	simm.s32 $0x8E;
	s8 =	sadd.s32 $0x8E0, s13  }
0xe: {  	s14 =	sshrl.u32 s14, $0x3;
	s6 =	simm.s32 @!p0 $0x10;
	s8 =	smov.u32 @p0 s7  }
0xf: {  	s7 =	sor.u32 $0x1C07, s29;
	s12 =	sadd.s32 $0xB0200, s12;
	s30 =	sshll.u32 s8, $0x4  }
0x10: {  	s31 =	sadd.s32 $0xFFFFFFFF, s6;
	s8 =	sadd.s32 s10, s30;
	s13 =	sor.u32 $0x10, s30  }
0x11: {  	s9 =	sadd.s32 s11, s30;
	[dreg:$0x4] =	wrdreg s31;
	s10 =	sadd.s32 s10, s13  }
0x12: {  	s11 =	sadd.s32 s11, s13;
	s13 =	smax.u32 s15, $0x1;
	s15 =	simm.s32 $0x7  }
.LBB2_1:
0x13: {  	[spmem:s14], [sflag:s7] =	dma.local [hbm:s5], $0x2800  }
0x14: {  	_ =	swait.ge [sflag:s15], $0x2800  }
0x15: {  	[sflag:s15] =	ssyncset.done $0x0  }
0x16: {  	[sflag:s15] =	ssyncadd.s32 $0xFFFFD800  }
0x17: {  	[tilespmem:s3], [sflag:$0x3] =	stream.linear.gather [hbm4b:s8+s3], $0x80, $0x38;
	[tilespmem:$0x1C200] =	vst v63  }
0x18: {  	s23 =	simm.s32 $0x3  }
0x19: {  	[tilespmem:s16], [sflag:$0x5] =	stream.linear.gather [hbm4b:s9+s3], $0x80, $0x38;
	[tilespmem:$0x1C200] =	vst v63  }
0x1a: {  	_ =	swait.ge [sflag:s23], $0x80  }
0x1b: {  	[sflag:s23] =	ssyncset.done $0x0  }
0x1c: {  	[sflag:s23] =	ssyncadd.s32 $0xFFFFFF80  }
0x1d: {  	[tilespmem:s18], [sflag:$0x1] =	stream.indirect.gather [hbm4b:s4+s17], $0x80, s3, s17, $0xb8;
	[tilespmem:$0x1C200] =	vst v63  }
0x1e: {  	_ = 	snop  }
0x1f: {  	[tilespmem:s17], [sflag:$0x4] =	stream.linear.gather [hbm4b:s10+s3], $0x80, $0x38;
	[tilespmem:$0x1C200] =	vst v63  }
0x20: {  	_ = 	snop  }
0x21: {  	[tilespmem:s19], [sflag:$0x6] =	stream.linear.gather [hbm4b:s11+s3], $0x80, $0x38;
	[tilespmem:$0x1C200] =	vst v63  }
0x22: {  	_ =	swait.ge [sflag:s20], $0x80  }
0x23: {  	[sflag:s20] =	ssyncset.done $0x0  }
0x24: {  	p0 =	sle.u32 s6, $0x0;
	[sflag:s20] =	ssyncadd.s32 $0xFFFFFF80  }
0x25: {  	[tilespmem:s21], [sflag:$0x2] =	stream.indirect.gather [hbm4b:s4+s17], $0x80, s17, s17, $0xb8;
	[tilespmem:$0x1C200] =	vst v63  }
0x26: {  	s23 =	simm.s32 @!p0 $0x1;
	[bflag:$0x0] =	sbarrier.arrive $0xFFFF  }
0x27: {  	_ =	swait.ge @!p0 [sflag:s23], $0x4000  }
0x28: {  	[sflag:s23] =	ssyncset.done @!p0 $0x0  }
0x29: {  	[sflag:s23] =	ssyncadd.s32 @!p0 $0xFFFFC000;
	s23 =	simm.s32 @!p0 $0x5  }
0x2a: {  	p1 =	sle.u32 @!p0 s6, $0x2;
	_ =	swait.ge @!p0 [sflag:s23], $0x80  }
0x2b: {  	s24 =	simm.s32 @!p0 $0x200;
	s25 =	simm.s32 @!p0 $0x7;
	[sflag:s23] =	ssyncset.done @!p0 $0x0  }
0x2c: {  	s26 =	simm.s32 @!p0 $0x100;
	[sflag:s23] =	ssyncadd.s32 @!p0 $0xFFFFFF80;
	s23 =	simm.s32 @!p0 $0x80  }
0x2d: {  	[spmem:s2] =	stream.indirect.scatter.add.f32 @!p0 [tilespmem:s24], [sflag:$0x7], $0x80, s26, s23, $0xb8;
	[tilespmem:$0x1C200] =	vst v63  }
0x2e: {  	p1 =	por p1, p0;
	_ =	swait.ge @!p0 [sflag:s25], $0x4000  }
0x2f: {  	s23 =	sadd.s32 @!p1 $0x0, s8;
	s24 =	sadd.s32 @!p1 $0x0, s9;
	[sflag:s25] =	ssyncset.done @!p0 $0x0  }
0x30: {  	s23 =	sadd.s32 @!p1 $0x20, s23;
	[sflag:s25] =	ssyncadd.s32 @!p0 $0xFFFFC000;
	s25 =	simm.s32 @!p1 $0x0  }
0x31: {  	[tilespmem:s25], [sflag:$0x3] =	stream.linear.gather @!p1 [hbm4b:s23+s25], $0x80, $0x38;
	[tilespmem:$0x1C200] =	vst v63  }
0x32: {  	s26 =	simm.s32 @!p1 $0x3;
	s23 =	sadd.s32 @!p1 $0x20, s24;
	s24 =	simm.s32 @!p1 $0x100  }
0x33: {  	[tilespmem:s24], [sflag:$0x5] =	stream.linear.gather @!p1 [hbm4b:s23+s25], $0x80, $0x38;
	[tilespmem:$0x1C200] =	vst v63  }
0x34: {  	_ =	swait.ge @!p1 [sflag:s26], $0x80  }
0x35: {  	s24 =	simm.s32 @!p1 $0x80;
	[sflag:s26] =	ssyncset.done @!p1 $0x0;
	s31 =	rddreg [dreg:$0x4]  }
0x36: {  	[sflag:s26] =	ssyncadd.s32 @!p1 $0xFFFFFF80;
	s26 =	simm.s32 @!p1 $0x200;
	p0 =	sle.u32 s31, $0x0  }
0x37: {  	[tilespmem:s26], [sflag:$0x1] =	stream.indirect.gather @!p1 [hbm4b:s4+s24], $0x80, s25, s24, $0xb8;
	[tilespmem:$0x1C200] =	vst v63  }
0x38: {  	s23 =	simm.s32 @!p0 $0x2  }
0x39: {  	_ =	swait.ge @!p0 [sflag:s23], $0x4000  }
0x3a: {  	[sflag:s23] =	ssyncset.done @!p0 $0x0  }
0x3b: {  	[sflag:s23] =	ssyncadd.s32 @!p0 $0xFFFFC000;
	s23 =	simm.s32 @!p0 $0x6  }
0x3c: {  	p1 =	sle.u32 @!p0 s6, $0x3;
	_ =	swait.ge @!p0 [sflag:s23], $0x80  }
0x3d: {  	s24 =	simm.s32 @!p0 $0x4200;
	s25 =	simm.s32 @!p0 $0x7;
	[sflag:s23] =	ssyncset.done @!p0 $0x0  }
0x3e: {  	s26 =	simm.s32 @!p0 $0x180;
	[sflag:s23] =	ssyncadd.s32 @!p0 $0xFFFFFF80;
	s23 =	simm.s32 @!p0 $0x80  }
0x3f: {  	[spmem:s2] =	stream.indirect.scatter.add.f32 @!p0 [tilespmem:s24], [sflag:$0x7], $0x80, s26, s23, $0xb8;
	[tilespmem:$0x1C200] =	vst v63  }
0x40: {  	p1 =	por p1, p0;
	_ =	swait.ge @!p0 [sflag:s25], $0x4000  }
0x41: {  	s29 =	simm.s32 @!p1 $0x80;
	s23 =	sadd.s32 @!p1 $0x0, s8;
	[sflag:s25] =	ssyncset.done @!p0 $0x0  }
0x42: {  	s24 =	simm.s32 @!p1 $0x0;
	s23 =	sadd.s32 @!p1 $0x30, s23;
	[sflag:s25] =	ssyncadd.s32 @!p0 $0xFFFFC000  }
0x43: {  	[tilespmem:s29], [sflag:$0x4] =	stream.linear.gather @!p1 [hbm4b:s23+s24], $0x80, $0x38;
	[tilespmem:$0x1C200] =	vst v63  }
0x44: {  	s23 =	sadd.s32 @!p1 $0x0, s9  }
0x45: {  	s25 =	simm.s32 @!p1 $0x180;
	s23 =	sadd.s32 @!p1 $0x30, s23  }
0x46: {  	[tilespmem:s25], [sflag:$0x6] =	stream.linear.gather @!p1 [hbm4b:s23+s24], $0x80, $0x38;
	[tilespmem:$0x1C200] =	vst v63  }
0x47: {  	s30 =	simm.s32 @!p1 $0x4;
	s26 =	simm.s32 $0x2;
	s23 =	simm.s32 $0x20  }
0x48: {  	s25 =	simm.s32 $0x40;
	s24 =	simm.s32 $0x5;
	_ =	swait.ge @!p1 [sflag:s30], $0x80  }
.LBB2_2:
0x49: {  	p2 =	sge.u32 s26, s6;
	[sflag:s30] =	ssyncset.done @!p1 $0x0  }
0x4a: {  	s31 =	simm.s32 @!p1 $0x4200;
	s0 =	simm.s32 @!p2 $0x1;
	[sflag:s30] =	ssyncadd.s32 @!p1 $0xFFFFFF80  }
0x4b: {  	[tilespmem:s31], [sflag:$0x2] =	stream.indirect.gather @!p1 [hbm4b:s4+s29], $0x80, s29, s29, $0xb8;
	[tilespmem:$0x1C200] =	vst v63  }
0x4c: {  	_ =	swait.ge @!p2 [sflag:s0], $0x4000  }
0x4d: {  	[sflag:s0] =	ssyncset.done @!p2 $0x0  }
0x4e: {  	[sflag:s0] =	ssyncadd.s32 @!p2 $0xFFFFC000;
	s0 =	simm.s32 @!p2 $0x5  }
0x4f: {  	s1 =	sadd.s32 @!p2 $0xFFFFFFFF, s24;
	s30 =	simm.s32 @!p2 $0x100;
	_ =	swait.ge @!p2 [sflag:s0], $0x80  }
0x50: {  	p1 =	sge.u32 @!p2 s1, s6;
	s1 =	simm.s32 @!p2 $0x200;
	[sflag:s0] =	ssyncset.done @!p2 $0x0  }
0x51: {  	s29 =	simm.s32 @!p2 $0x7;
	[sflag:s0] =	ssyncadd.s32 @!p2 $0xFFFFFF80;
	s0 =	simm.s32 @!p2 $0x80  }
0x52: {  	[spmem:s2] =	stream.indirect.scatter.add.f32 @!p2 [tilespmem:s1], [sflag:$0x7], $0x80, s30, s0, $0xb8;
	[tilespmem:$0x1C200] =	vst v63  }
0x53: {  	p1 =	por p1, p2;
	_ =	swait.ge @!p2 [sflag:s29], $0x4000  }
0x54: {  	s0 =	sadd.s32 @!p1 s23, s8;
	s1 =	sadd.s32 @!p1 s23, s9;
	[sflag:s29] =	ssyncset.done @!p2 $0x0  }
0x55: {  	s0 =	sadd.s32 @!p1 $0x20, s0;
	[sflag:s29] =	ssyncadd.s32 @!p2 $0xFFFFC000;
	s29 =	simm.s32 @!p1 $0x0  }
0x56: {  	[tilespmem:s29], [sflag:$0x3] =	stream.linear.gather @!p1 [hbm4b:s0+s29], $0x80, $0x38;
	[tilespmem:$0x1C200] =	vst v63  }
0x57: {  	s30 =	simm.s32 @!p1 $0x3;
	s0 =	sadd.s32 @!p1 $0x20, s1;
	s1 =	simm.s32 @!p1 $0x100  }
0x58: {  	[tilespmem:s1], [sflag:$0x5] =	stream.linear.gather @!p1 [hbm4b:s0+s29], $0x80, $0x38;
	[tilespmem:$0x1C200] =	vst v63  }
0x59: {  	_ =	swait.ge @!p1 [sflag:s30], $0x80  }
0x5a: {  	s1 =	simm.s32 @!p1 $0x80;
	[sflag:s30] =	ssyncset.done @!p1 $0x0;
	s31 =	rddreg [dreg:$0x4]  }
0x5b: {  	[sflag:s30] =	ssyncadd.s32 @!p1 $0xFFFFFF80;
	s30 =	simm.s32 @!p1 $0x200;
	p2 =	sge.u32 s26, s31  }
0x5c: {  	[tilespmem:s30], [sflag:$0x1] =	stream.indirect.gather @!p1 [hbm4b:s4+s1], $0x80, s29, s1, $0xb8;
	[tilespmem:$0x1C200] =	vst v63  }
0x5d: {  	s0 =	simm.s32 @!p2 $0x2  }
0x5e: {  	_ =	swait.ge @!p2 [sflag:s0], $0x4000  }
0x5f: {  	[sflag:s0] =	ssyncset.done @!p2 $0x0  }
0x60: {  	s28 =	smov.u32 s25;
	[sflag:s0] =	ssyncadd.s32 @!p2 $0xFFFFC000;
	s0 =	simm.s32 @!p2 $0x6  }
0x61: {  	s25 =	sadd.s32 $0x20, s25;
	p1 =	sge.u32 @!p2 s24, s6;
	_ =	swait.ge @!p2 [sflag:s0], $0x80  }
0x62: {  	s1 =	simm.s32 @!p2 $0x4200;
	s26 =	simm.s32 @!p2 $0x7;
	[sflag:s0] =	ssyncset.done @!p2 $0x0  }
0x63: {  	s29 =	simm.s32 @!p2 $0x180;
	[sflag:s0] =	ssyncadd.s32 @!p2 $0xFFFFFF80;
	s0 =	simm.s32 @!p2 $0x80  }
0x64: {  	[spmem:s2] =	stream.indirect.scatter.add.f32 @!p2 [tilespmem:s1], [sflag:$0x7], $0x80, s29, s0, $0xb8;
	[tilespmem:$0x1C200] =	vst v63  }
0x65: {  	p0 =	sne.s32 s25, $0x8E0;
	p1 =	por p1, p2;
	_ =	swait.ge @!p2 [sflag:s26], $0x4000  }
0x66: {  	s0 =	sadd.s32 @!p1 s23, s8;
	s1 =	simm.s32 @!p1 $0x0;
	[sflag:s26] =	ssyncset.done @!p2 $0x0  }
0x67: {  	s29 =	simm.s32 @!p1 $0x80;
	s0 =	sadd.s32 @!p1 $0x30, s0;
	[sflag:s26] =	ssyncadd.s32 @!p2 $0xFFFFC000  }
0x68: {  	[tilespmem:s29], [sflag:$0x4] =	stream.linear.gather @!p1 [hbm4b:s0+s1], $0x80, $0x38;
	[tilespmem:$0x1C200] =	vst v63  }
.Ltmp0:
0x69: {  	_ = 	snop;
	(pc) =	sbr.rel @p0 .LBB2_2-.Ltmp0, $4  }
0x6a: {  	s24 =	sadd.s32 $0x2, s24;
	s0 =	sadd.s32 @!p1 s23, s9  }
0x6b: {  	s30 =	simm.s32 @!p1 $0x4;
	s26 =	simm.s32 @!p1 $0x180;
	s0 =	sadd.s32 @!p1 $0x30, s0  }
0x6c: {  	[tilespmem:s26], [sflag:$0x6] =	stream.linear.gather @!p1 [hbm4b:s0+s1], $0x80, $0x38;
	[tilespmem:$0x1C200] =	vst v63  }
0x6d: {  	s23 =	smov.u32 s28;
	s26 =	sadd.s32 $0xFFFFFFFD, s24;
	_ =	swait.ge @!p1 [sflag:s30], $0x80  }
0x6e: {  	p0 =	sge.u32 s26, s6;
	[sflag:s30] =	ssyncset.done @!p1 $0x0  }
0x6f: {  	s0 =	simm.s32 @!p1 $0x4200;
	s1 =	simm.s32 @!p0 $0x1;
	[sflag:s30] =	ssyncadd.s32 @!p1 $0xFFFFFF80  }
0x70: {  	[tilespmem:s0], [sflag:$0x2] =	stream.indirect.gather @!p1 [hbm4b:s4+s29], $0x80, s29, s29, $0xb8;
	[tilespmem:$0x1C200] =	vst v63  }
0x71: {  	_ =	swait.ge @!p0 [sflag:s1], $0x4000  }
0x72: {  	[sflag:s1] =	ssyncset.done @!p0 $0x0  }
0x73: {  	[sflag:s1] =	ssyncadd.s32 @!p0 $0xFFFFC000;
	s1 =	simm.s32 @!p0 $0x5  }
0x74: {  	s25 =	simm.s32 @!p0 $0x7;
	s0 =	sadd.s32 @!p0 $0xFFFFFFFF, s24;
	_ =	swait.ge @!p0 [sflag:s1], $0x80  }
0x75: {  	s28 =	simm.s32 @!p0 $0x100;
	p1 =	sge.u32 @!p0 s0, s6;
	[sflag:s1] =	ssyncset.done @!p0 $0x0  }
0x76: {  	s0 =	simm.s32 @!p0 $0x200;
	[sflag:s1] =	ssyncadd.s32 @!p0 $0xFFFFFF80;
	s1 =	simm.s32 @!p0 $0x80  }
0x77: {  	[spmem:s2] =	stream.indirect.scatter.add.f32 @!p0 [tilespmem:s0], [sflag:$0x7], $0x80, s28, s1, $0xb8;
	[tilespmem:$0x1C200] =	vst v63  }
0x78: {  	p1 =	por p1, p0;
	_ =	swait.ge @!p0 [sflag:s25], $0x4000  }
0x79: {  	s0 =	sadd.s32 @!p1 s23, s8;
	s1 =	sadd.s32 @!p1 s23, s9;
	[sflag:s25] =	ssyncset.done @!p0 $0x0  }
0x7a: {  	s0 =	sadd.s32 @!p1 $0x20, s0;
	[sflag:s25] =	ssyncadd.s32 @!p0 $0xFFFFC000;
	s25 =	simm.s32 @!p1 $0x0  }
0x7b: {  	[tilespmem:s25], [sflag:$0x3] =	stream.linear.gather @!p1 [hbm4b:s0+s25], $0x80, $0x38;
	[tilespmem:$0x1C200] =	vst v63  }
0x7c: {  	s28 =	simm.s32 @!p1 $0x3;
	s0 =	sadd.s32 @!p1 $0x20, s1;
	s1 =	simm.s32 @!p1 $0x100  }
0x7d: {  	[tilespmem:s1], [sflag:$0x5] =	stream.linear.gather @!p1 [hbm4b:s0+s25], $0x80, $0x38;
	[tilespmem:$0x1C200] =	vst v63  }
0x7e: {  	_ =	swait.ge @!p1 [sflag:s28], $0x80  }
0x7f: {  	s1 =	simm.s32 @!p1 $0x80;
	[sflag:s28] =	ssyncset.done @!p1 $0x0;
	s31 =	rddreg [dreg:$0x4]  }
0x80: {  	[sflag:s28] =	ssyncadd.s32 @!p1 $0xFFFFFF80;
	s28 =	simm.s32 @!p1 $0x200;
	p0 =	sge.u32 s26, s31  }
0x81: {  	[tilespmem:s28], [sflag:$0x1] =	stream.indirect.gather @!p1 [hbm4b:s4+s1], $0x80, s25, s1, $0xb8;
	[tilespmem:$0x1C200] =	vst v63  }
0x82: {  	s0 =	simm.s32 @!p0 $0x2  }
0x83: {  	_ =	swait.ge @!p0 [sflag:s0], $0x4000  }
0x84: {  	[sflag:s0] =	ssyncset.done @!p0 $0x0  }
0x85: {  	[sflag:s0] =	ssyncadd.s32 @!p0 $0xFFFFC000;
	s0 =	simm.s32 @!p0 $0x6  }
0x86: {  	p1 =	sge.u32 @!p0 s24, s6;
	_ =	swait.ge @!p0 [sflag:s0], $0x80  }
0x87: {  	s1 =	simm.s32 @!p0 $0x4200;
	s24 =	simm.s32 @!p0 $0x7;
	[sflag:s0] =	ssyncset.done @!p0 $0x0  }
0x88: {  	s25 =	simm.s32 @!p0 $0x180;
	[sflag:s0] =	ssyncadd.s32 @!p0 $0xFFFFFF80;
	s0 =	simm.s32 @!p0 $0x80  }
0x89: {  	[spmem:s2] =	stream.indirect.scatter.add.f32 @!p0 [tilespmem:s1], [sflag:$0x7], $0x80, s25, s0, $0xb8;
	[tilespmem:$0x1C200] =	vst v63  }
0x8a: {  	p1 =	por p1, p0;
	_ =	swait.ge @!p0 [sflag:s24], $0x4000  }
0x8b: {  	s0 =	sadd.s32 @!p1 s23, s8;
	s1 =	simm.s32 @!p1 $0x0;
	[sflag:s24] =	ssyncset.done @!p0 $0x0  }
0x8c: {  	s0 =	sadd.s32 @!p1 $0x30, s0;
	[sflag:s24] =	ssyncadd.s32 @!p0 $0xFFFFC000;
	s24 =	simm.s32 @!p1 $0x80  }
0x8d: {  	[tilespmem:s24], [sflag:$0x4] =	stream.linear.gather @!p1 [hbm4b:s0+s1], $0x80, $0x38;
	[tilespmem:$0x1C200] =	vst v63  }
0x8e: {  	s0 =	sadd.s32 @!p1 s23, s9  }
0x8f: {  	s25 =	simm.s32 @!p1 $0x4;
	s23 =	simm.s32 @!p1 $0x180;
	s0 =	sadd.s32 @!p1 $0x30, s0  }
0x90: {  	[tilespmem:s23], [sflag:$0x6] =	stream.linear.gather @!p1 [hbm4b:s0+s1], $0x80, $0x38;
	[tilespmem:$0x1C200] =	vst v63  }
0x91: {  	_ =	swait.ge @!p1 [sflag:s25], $0x80  }
0x92: {  	s22 =	sadd.s32 $0x1, s22;
	[sflag:s25] =	ssyncset.done @!p1 $0x0  }
0x93: {  	p0 =	sne.s32 s22, s13;
	s0 =	simm.s32 @!p1 $0x4200;
	[sflag:s25] =	ssyncadd.s32 @!p1 $0xFFFFFF80  }
0x94: {  	[tilespmem:s0], [sflag:$0x2] =	stream.indirect.gather @!p1 [hbm4b:s4+s24], $0x80, s24, s24, $0xb8;
	[tilespmem:$0x1C200] =	vst v63  }
.Ltmp1:
0x95: {  	[bflag:$0x0] =	sbarrier.arrive $0xFFFF;
	(pc) =	sbr.rel @p0 .LBB2_1-.Ltmp1, $4  }
0x96: {  	[hbm:s12], [sflag:s7] =	dma.local [spmem:s14], $0x2800  }
0x97: {  	_ =	swait.ge [sflag:s15], $0x2800  }
0x98: {  	[sflag:s15] =	ssyncset.done $0x0  }
0x99: {  	[sflag:s15] =	ssyncadd.s32 $0xFFFFD800  }
0x9a: {  	_ =	sfence.sel $0x180000  }
0x9b: {  	[bflag:$0x0] =	sbarrier.arrive $0xFFFF  }
0x9c: {  	_ =	strace $0x90000050  }
0x9d: {  	s0 =	stileid.u32;
	[bflag:$0x2] =	sbarrier.arrive $0xFFFF  }
0x9e: {  	p0 =	sne.s32 s0, $0x0;
	s0 =	rddreg [dreg:$0x3]  }
0x9f: {  	s0 =	sadd.s32 @!p0 $0x100000, s0  }
0xa0: {  	[sflag:s0] =	ssyncadd.tile.s32 @!p0 $0x1;
	_ =	shalt  }
.Lfunc_end2:
_tile_overlayer_lowered:
.L_overlay_start_2:
0xa1: {  	(tag) =	ssettag $0x2  }
0xa2: {  	s0 =	rddreg [dreg:$0x0];
	s2 =	stileid.u32  }
0xa3: {  	s1 =	rddreg [dreg:$0x1];
	p0 =	sne.s32 s2, $0x0  }
0xa4: {  	s3 =	rddreg [dreg:$0x2];
	[bflag:$0x3] =	sbarrier.arrive $0xFFFF;
	s2 =	simm.s32 @!p0 $0x1C07  }
0xa5: {  	[timem:s3], [sflag:s2] =	dma.local @!p0 [hbm:s0], s1  }
0xa6: {  	s0 =	simm.s32 @!p0 $0x7  }
0xa7: {  	_ =	swait.ge @!p0 [sflag:s0], s1  }
0xa8: {  	s1 =	ssub.s32 @!p0 $0x0, s1;
	[sflag:s0] =	ssyncset.done @!p0 $0x0  }
0xa9: {  	[sflag:s0] =	ssyncadd.s32 @!p0 s1  }
0xaa: {  	[bflag:$0x3] =	sbarrier.arrive $0xFFFF  }
0xab: {  	_ =	shalt  }

</sc_bundles>
